<compile_context>
chip_gen: v7x
topology: tpu7x:2x2x1
jax: 0.10.2.dev20260603
libtpu: 0.0.44.dev20260713+nightly
codegen_flags: <defaults>
</compile_context>

<pallas_src>
import functools

import jax
import jax.numpy as jnp
from jax import lax
from jax.experimental import pallas as pl
from jax.experimental.pallas import tpu as pltpu
from jax.experimental.pallas import tpu_sc as plsc

F = 26
V = 100000
D = 32
B = 16384
L = 16

NC, NS = 2, 16
NW = NC * NS

CQ = 4096
NQ = B // CQ

_mesh = plsc.VectorSubcoreMesh(core_axis_name="c", subcore_axis_name="s")


@functools.partial(
    pl.kernel,
    mesh=_mesh,
    out_type=jax.ShapeDtypeStruct((D, B), jnp.float32),
    scratch_types=[
        pltpu.VMEM((V,), jnp.float32),
        pltpu.VMEM((CQ,), jnp.int32),
        pltpu.VMEM((CQ,), jnp.int32),
        pltpu.VMEM((B,), jnp.float32),
        pltpu.SemaphoreType.DMA,
        pltpu.SemaphoreType.DMA,
        pltpu.SemaphoreType.DMA,
    ],
    compiler_params=pltpu.CompilerParams(needs_layout_passes=False),
)
def _emb_kernel(ct_hbm, tt_hbm, out_hbm, row_v, cq0_v, cq1_v, acc_v,
                sem_r, sem_c0, sem_c1):
    d = lax.axis_index("s") * NC + lax.axis_index("c")
    bufs = (cq0_v, cq1_v)
    sems = (sem_c0, sem_c1)

    def field(f, store):
        row_cp = pltpu.async_copy(tt_hbm.at[f, d, :], row_v, sem_r)
        cps = [
            pltpu.async_copy(ct_hbm.at[f, pl.ds(0, CQ)], bufs[0], sems[0]),
            None,
        ]
        row_cp.wait()
        for q in range(NQ):
            b = q % 2
            cps[b].wait()
            if q + 1 < NQ:
                nb = (q + 1) % 2
                cps[nb] = pltpu.async_copy(
                    ct_hbm.at[f, pl.ds((q + 1) * CQ, CQ)], bufs[nb],
                    sems[nb])
            cq_v = bufs[b]

            def k_body(k, carry3):
                idx = cq_v[pl.ds(k * L, L)]
                g = plsc.load_gather(row_v, [idx])
                sl = pl.ds(q * CQ + k * L, L)
                if store:
                    acc_v[sl] = g
                else:
                    plsc.addupdate(acc_v.at[sl], g)
                return carry3

            lax.fori_loop(0, CQ // L, k_body, 0, unroll=16)

    field(0, True)

    def f_body(f, carry):
        field(f, False)
        return carry

    lax.fori_loop(1, F, f_body, 0)

    def s_body(k, carry):
        sl = pl.ds(k * L, L)
        acc_v[sl] = acc_v[sl] * jnp.float32(1.0 / F)
        return carry

    lax.fori_loop(0, B // L, s_body, 0, unroll=8)
    pltpu.sync_copy(acc_v, out_hbm.at[d, :])


def kernel(c, tables):
    tt = tables.transpose(0, 2, 1)
    ct = c.T
    out_t = _emb_kernel(ct, tt)
    return out_t.T

# --- scband reference (transcript-rebuilt; emitter-appended) ---
"""Pipeline reference for scband-condition-embedding-64656437674116 (READ-ONLY COPY).

The authoritative reference and input builder live on the scoring server;
editing this copy changes nothing except your own understanding.
"""

import jax, jax.numpy as jnp
import numpy as np

N_FIELDS = 26
VOCAB = 100000
EMBED_DIM = 32
BATCH = 16384


def setup_inputs(seed: int = 0) -> dict:
    key = jax.random.key(seed)
    k_idx, k_tab = jax.random.split(key)
    # categorical condition indices (B, C)
    c = jax.random.randint(k_idx, (BATCH, N_FIELDS), 0, VOCAB, dtype=jnp.int32)
    # one embedding table per categorical field, stacked: (F, V, D)
    tables = jax.random.normal(k_tab, (N_FIELDS, VOCAB, EMBED_DIM), dtype=jnp.float32) * 0.02
    return {"c": c, "tables": tables}


def reference(c, tables):
    # embs[i] = tables[i][c[:, i]]  -> gather per field, then mean over fields
    field_idx = jnp.arange(tables.shape[0])[None, :]  # (1, F)
    embs = tables[field_idx, c]  # (B, F, D) via advanced indexing (gather)
    # torch code: torch.stack(embs, 0).mean(0) over the F per-field embeddings
    return jnp.mean(embs, axis=1)

if __name__ == "__main__":
    import jax
    _d = setup_inputs()
    print(jax.jit(kernel)(*tuple(_d.values())))

</pallas_src>

<mosaic_0001>
#map = affine_map<(d0, d1) -> (0, 0)>
#map1 = affine_map<(d0, d1) -> (0, 0, 0)>
module attributes {stable_mosaic.version = 14 : i64} {
  func.func @_emb_kernel(%arg0: i32, %arg1: i32, %arg2: memref<26x16384xi32, #tpu.memory_space<hbm>>, %arg3: memref<26x32x100000xf32, #tpu.memory_space<hbm>>, %arg4: memref<32x16384xf32, #tpu.memory_space<hbm>>, %arg5: memref<100000xf32, #tpu.memory_space<vmem>>, %arg6: memref<4096xi32, #tpu.memory_space<vmem>>, %arg7: memref<4096xi32, #tpu.memory_space<vmem>>, %arg8: memref<16384xf32, #tpu.memory_space<vmem>>, %arg9: memref<!tpu.dma_semaphore, #tpu.memory_space<semaphore_mem>>, %arg10: memref<!tpu.dma_semaphore, #tpu.memory_space<semaphore_mem>>, %arg11: memref<!tpu.dma_semaphore, #tpu.memory_space<semaphore_mem>>) attributes {dimension_semantics = [#tpu.dimension_semantics<core_parallel>, #tpu.dimension_semantics<subcore_parallel>], iteration_bounds = array<i64: 2, 16>, scalar_prefetch = 0 : i64, scratch_operands = 7 : i64, tpu.core_type = #tpu.core_type<sc_vector_subcore>, window_params = [{transform_indices = #map}, {transform_indices = #map1}, {transform_indices = #map}]} {
    %mul3A = arith.constant 2 : i32
    %mul3A_0 = arith.muli %arg1, %mul3A : i32
    %add3A = arith.addi %mul3A_0, %arg0 : i32
    %dma_start3A = arith.constant 0 : i32
    %dma_start3A_1 = arith.constant 0 : i32
    %dma_start3A_2 = tpu.memref_slice %arg3[%dma_start3A, %add3A, %dma_start3A_1] : memref<26x32x100000xf32, #tpu.memory_space<hbm>> -> memref<1x1x100000xf32, #tpu.memory_space<hbm>>
    %dma_start3A_3 = tpu.memref_squeeze %dma_start3A_2 : memref<1x1x100000xf32, #tpu.memory_space<hbm>> -> memref<100000xf32, #tpu.memory_space<hbm>>
    %dma_start3A_4 = arith.constant 0 : i32
    %dma_start3A_5 = tpu.memref_slice %arg3[%dma_start3A, %add3A, %dma_start3A_4] : memref<26x32x100000xf32, #tpu.memory_space<hbm>> -> memref<1x1x100000xf32, #tpu.memory_space<hbm>>
    %dma_start3A_6 = tpu.memref_squeeze %dma_start3A_5 : memref<1x1x100000xf32, #tpu.memory_space<hbm>> -> memref<100000xf32, #tpu.memory_space<hbm>>
    tpu.enqueue_dma source(%dma_start3A_6 : memref<100000xf32, #tpu.memory_space<hbm>>) target(%arg5 : memref<100000xf32, #tpu.memory_space<vmem>>) target_semaphore(%arg9 : memref<!tpu.dma_semaphore, #tpu.memory_space<semaphore_mem>>)
    %dma_start3A_7 = arith.constant 0 : i32
    %dma_start3A_8 = arith.constant 0 : i32
    %dma_start3A_9 = tpu.memref_slice %arg2[%dma_start3A_7, %dma_start3A_8] : memref<26x16384xi32, #tpu.memory_space<hbm>> -> memref<1x4096xi32, #tpu.memory_space<hbm>>
    %dma_start3A_10 = tpu.memref_squeeze %dma_start3A_9 : memref<1x4096xi32, #tpu.memory_space<hbm>> -> memref<4096xi32, #tpu.memory_space<hbm>>
    %dma_start3A_11 = arith.constant 0 : i32
    %dma_start3A_12 = tpu.memref_slice %arg2[%dma_start3A_7, %dma_start3A_11] : memref<26x16384xi32, #tpu.memory_space<hbm>> -> memref<1x4096xi32, #tpu.memory_space<hbm>>
    %dma_start3A_13 = tpu.memref_squeeze %dma_start3A_12 : memref<1x4096xi32, #tpu.memory_space<hbm>> -> memref<4096xi32, #tpu.memory_space<hbm>>
    tpu.enqueue_dma source(%dma_start3A_13 : memref<4096xi32, #tpu.memory_space<hbm>>) target(%arg6 : memref<4096xi32, #tpu.memory_space<vmem>>) target_semaphore(%arg10 : memref<!tpu.dma_semaphore, #tpu.memory_space<semaphore_mem>>)
    %dma_wait3A = arith.constant 0 : i32
    %dma_wait3A_14 = arith.constant 0 : i32
    %dma_wait3A_15 = tpu.memref_slice %arg3[%dma_wait3A, %add3A, %dma_wait3A_14] : memref<26x32x100000xf32, #tpu.memory_space<hbm>> -> memref<1x1x100000xf32, #tpu.memory_space<hbm>>
    %dma_wait3A_16 = tpu.memref_squeeze %dma_wait3A_15 : memref<1x1x100000xf32, #tpu.memory_space<hbm>> -> memref<100000xf32, #tpu.memory_space<hbm>>
    %dma_wait3A_17 = arith.constant 0 : i32
    %dma_wait3A_18 = tpu.memref_slice %arg3[%dma_wait3A, %add3A, %dma_wait3A_17] : memref<26x32x100000xf32, #tpu.memory_space<hbm>> -> memref<1x1x100000xf32, #tpu.memory_space<hbm>>
    %dma_wait3A_19 = tpu.memref_squeeze %dma_wait3A_18 : memref<1x1x100000xf32, #tpu.memory_space<hbm>> -> memref<100000xf32, #tpu.memory_space<hbm>>
    tpu.wait_dma2 semaphore(%arg9 : memref<!tpu.dma_semaphore, #tpu.memory_space<semaphore_mem>>) src(%dma_wait3A_19 : memref<100000xf32, #tpu.memory_space<hbm>>) dst(%arg5 : memref<100000xf32, #tpu.memory_space<vmem>>)
    %dma_wait3A_20 = arith.constant 0 : i32
    %dma_wait3A_21 = arith.constant 0 : i32
    %dma_wait3A_22 = tpu.memref_slice %arg2[%dma_wait3A_20, %dma_wait3A_21] : memref<26x16384xi32, #tpu.memory_space<hbm>> -> memref<1x4096xi32, #tpu.memory_space<hbm>>
    %dma_wait3A_23 = tpu.memref_squeeze %dma_wait3A_22 : memref<1x4096xi32, #tpu.memory_space<hbm>> -> memref<4096xi32, #tpu.memory_space<hbm>>
    %dma_wait3A_24 = arith.constant 0 : i32
    %dma_wait3A_25 = tpu.memref_slice %arg2[%dma_wait3A_20, %dma_wait3A_24] : memref<26x16384xi32, #tpu.memory_space<hbm>> -> memref<1x4096xi32, #tpu.memory_space<hbm>>
    %dma_wait3A_26 = tpu.memref_squeeze %dma_wait3A_25 : memref<1x4096xi32, #tpu.memory_space<hbm>> -> memref<4096xi32, #tpu.memory_space<hbm>>
    tpu.wait_dma2 semaphore(%arg10 : memref<!tpu.dma_semaphore, #tpu.memory_space<semaphore_mem>>) src(%dma_wait3A_26 : memref<4096xi32, #tpu.memory_space<hbm>>) dst(%arg6 : memref<4096xi32, #tpu.memory_space<vmem>>)
    %dma_start3A_27 = arith.constant 0 : i32
    %dma_start3A_28 = arith.constant 4096 : i32
    %dma_start3A_29 = tpu.memref_slice %arg2[%dma_start3A_27, %dma_start3A_28] : memref<26x16384xi32, #tpu.memory_space<hbm>> -> memref<1x4096xi32, #tpu.memory_space<hbm>>
    %dma_start3A_30 = tpu.memref_squeeze %dma_start3A_29 : memref<1x4096xi32, #tpu.memory_space<hbm>> -> memref<4096xi32, #tpu.memory_space<hbm>>
    %dma_start3A_31 = arith.constant 4096 : i32
    %dma_start3A_32 = tpu.memref_slice %arg2[%dma_start3A_27, %dma_start3A_31] : memref<26x16384xi32, #tpu.memory_space<hbm>> -> memref<1x4096xi32, #tpu.memory_space<hbm>>
    %dma_start3A_33 = tpu.memref_squeeze %dma_start3A_32 : memref<1x4096xi32, #tpu.memory_space<hbm>> -> memref<4096xi32, #tpu.memory_space<hbm>>
    tpu.enqueue_dma source(%dma_start3A_33 : memref<4096xi32, #tpu.memory_space<hbm>>) target(%arg7 : memref<4096xi32, #tpu.memory_space<vmem>>) target_semaphore(%arg11 : memref<!tpu.dma_semaphore, #tpu.memory_space<semaphore_mem>>)
    %scan3A = arith.constant 0 : i32
    %scan3A_34 = arith.constant 0 : i32
    %scan3A_35 = arith.constant 256 : i32
    %scan3A_36 = arith.addi %scan3A_34, %scan3A_35 : i32
    %scan3A_37 = arith.constant 16 : i32
    scf.for %scan3A_104 = %scan3A_34 to %scan3A_36 step %scan3A_37  : i32 {
      %mul3A_105 = arith.constant 16 : i32
      %mul3A_106 = arith.muli %scan3A_104, %mul3A_105 : i32
      %get3A = arith.index_cast %mul3A_106 : i32 to index
      %get3A_107 = tpu.vector_load %arg6[%get3A] {strides = array<i32>} : memref<4096xi32, #tpu.memory_space<vmem>>, vector<16xi32>,
      %gather3A = tpu.vector_load_idx %arg5[%get3A_107] : memref<100000xf32, #tpu.memory_space<vmem>>[vector<16xi32>], vector<16xf32>,
      %mul3A_108 = arith.constant 16 : i32
      %mul3A_109 = arith.muli %scan3A_104, %mul3A_108 : i32
      %add3A_110 = arith.constant 0 : i32
      %add3A_111 = arith.addi %add3A_110, %mul3A_109 : i32
      %swap3A = arith.index_cast %add3A_111 : i32 to index
      %swap3A_112 = tpu.vector_load %arg8[%swap3A] {strides = array<i32>} : memref<16384xf32, #tpu.memory_space<vmem>>, vector<16xf32>,
      tpu.vector_store %arg8[%swap3A], %gather3A {strides = array<i32>} : memref<16384xf32, #tpu.memory_space<vmem>>, vector<16xf32>,
      %scan3A_113 = arith.constant 1 : i32
      %scan3A_114 = arith.addi %scan3A_104, %scan3A_113 : i32
      %mul3A_115 = arith.constant 16 : i32
      %mul3A_116 = arith.muli %scan3A_114, %mul3A_115 : i32
      %get3A_117 = arith.index_cast %mul3A_116 : i32 to index
      %get3A_118 = tpu.vector_load %arg6[%get3A_117] {strides = array<i32>} : memref<4096xi32, #tpu.memory_space<vmem>>, vector<16xi32>,
      %gather3A_119 = tpu.vector_load_idx %arg5[%get3A_118] : memref<100000xf32, #tpu.memory_space<vmem>>[vector<16xi32>], vector<16xf32>,
      %mul3A_120 = arith.constant 16 : i32
      %mul3A_121 = arith.muli %scan3A_114, %mul3A_120 : i32
      %add3A_122 = arith.constant 0 : i32
      %add3A_123 = arith.addi %add3A_122, %mul3A_121 : i32
      %swap3A_124 = arith.index_cast %add3A_123 : i32 to index
      %swap3A_125 = tpu.vector_load %arg8[%swap3A_124] {strides = array<i32>} : memref<16384xf32, #tpu.memory_space<vmem>>, vector<16xf32>,
      tpu.vector_store %arg8[%swap3A_124], %gather3A_119 {strides = array<i32>} : memref<16384xf32, #tpu.memory_space<vmem>>, vector<16xf32>,
      %scan3A_126 = arith.constant 2 : i32
      %scan3A_127 = arith.addi %scan3A_104, %scan3A_126 : i32
      %mul3A_128 = arith.constant 16 : i32
      %mul3A_129 = arith.muli %scan3A_127, %mul3A_128 : i32
      %get3A_130 = arith.index_cast %mul3A_129 : i32 to index
      %get3A_131 = tpu.vector_load %arg6[%get3A_130] {strides = array<i32>} : memref<4096xi32, #tpu.memory_space<vmem>>, vector<16xi32>,
      %gather3A_132 = tpu.vector_load_idx %arg5[%get3A_131] : memref<100000xf32, #tpu.memory_space<vmem>>[vector<16xi32>], vector<16xf32>,
      %mul3A_133 = arith.constant 16 : i32
      %mul3A_134 = arith.muli %scan3A_127, %mul3A_133 : i32
      %add3A_135 = arith.constant 0 : i32
      %add3A_136 = arith.addi %add3A_135, %mul3A_134 : i32
      %swap3A_137 = arith.index_cast %add3A_136 : i32 to index
      %swap3A_138 = tpu.vector_load %arg8[%swap3A_137] {strides = array<i32>} : memref<16384xf32, #tpu.memory_space<vmem>>, vector<16xf32>,
      tpu.vector_store %arg8[%swap3A_137], %gather3A_132 {strides = array<i32>} : memref<16384xf32, #tpu.memory_space<vmem>>, vector<16xf32>,
      %scan3A_139 = arith.constant 3 : i32
      %scan3A_140 = arith.addi %scan3A_104, %scan3A_139 : i32
      %mul3A_141 = arith.constant 16 : i32
      %mul3A_142 = arith.muli %scan3A_140, %mul3A_141 : i32
      %get3A_143 = arith.index_cast %mul3A_142 : i32 to index
      %get3A_144 = tpu.vector_load %arg6[%get3A_143] {strides = array<i32>} : memref<4096xi32, #tpu.memory_space<vmem>>, vector<16xi32>,
      %gather3A_145 = tpu.vector_load_idx %arg5[%get3A_144] : memref<100000xf32, #tpu.memory_space<vmem>>[vector<16xi32>], vector<16xf32>,
      %mul3A_146 = arith.constant 16 : i32
      %mul3A_147 = arith.muli %scan3A_140, %mul3A_146 : i32
      %add3A_148 = arith.constant 0 : i32
      %add3A_149 = arith.addi %add3A_148, %mul3A_147 : i32
      %swap3A_150 = arith.index_cast %add3A_149 : i32 to index
      %swap3A_151 = tpu.vector_load %arg8[%swap3A_150] {strides = array<i32>} : memref<16384xf32, #tpu.memory_space<vmem>>, vector<16xf32>,
      tpu.vector_store %arg8[%swap3A_150], %gather3A_145 {strides = array<i32>} : memref<16384xf32, #tpu.memory_space<vmem>>, vector<16xf32>,
      %scan3A_152 = arith.constant 4 : i32
      %scan3A_153 = arith.addi %scan3A_104, %scan3A_152 : i32
      %mul3A_154 = arith.constant 16 : i32
      %mul3A_155 = arith.muli %scan3A_153, %mul3A_154 : i32
      %get3A_156 = arith.index_cast %mul3A_155 : i32 to index
      %get3A_157 = tpu.vector_load %arg6[%get3A_156] {strides = array<i32>} : memref<4096xi32, #tpu.memory_space<vmem>>, vector<16xi32>,
      %gather3A_158 = tpu.vector_load_idx %arg5[%get3A_157] : memref<100000xf32, #tpu.memory_space<vmem>>[vector<16xi32>], vector<16xf32>,
      %mul3A_159 = arith.constant 16 : i32
      %mul3A_160 = arith.muli %scan3A_153, %mul3A_159 : i32
      %add3A_161 = arith.constant 0 : i32
      %add3A_162 = arith.addi %add3A_161, %mul3A_160 : i32
      %swap3A_163 = arith.index_cast %add3A_162 : i32 to index
      %swap3A_164 = tpu.vector_load %arg8[%swap3A_163] {strides = array<i32>} : memref<16384xf32, #tpu.memory_space<vmem>>, vector<16xf32>,
      tpu.vector_store %arg8[%swap3A_163], %gather3A_158 {strides = array<i32>} : memref<16384xf32, #tpu.memory_space<vmem>>, vector<16xf32>,
      %scan3A_165 = arith.constant 5 : i32
      %scan3A_166 = arith.addi %scan3A_104, %scan3A_165 : i32
      %mul3A_167 = arith.constant 16 : i32
      %mul3A_168 = arith.muli %scan3A_166, %mul3A_167 : i32
      %get3A_169 = arith.index_cast %mul3A_168 : i32 to index
      %get3A_170 = tpu.vector_load %arg6[%get3A_169] {strides = array<i32>} : memref<4096xi32, #tpu.memory_space<vmem>>, vector<16xi32>,
      %gather3A_171 = tpu.vector_load_idx %arg5[%get3A_170] : memref<100000xf32, #tpu.memory_space<vmem>>[vector<16xi32>], vector<16xf32>,
      %mul3A_172 = arith.constant 16 : i32
      %mul3A_173 = arith.muli %scan3A_166, %mul3A_172 : i32
      %add3A_174 = arith.constant 0 : i32
      %add3A_175 = arith.addi %add3A_174, %mul3A_173 : i32
      %swap3A_176 = arith.index_cast %add3A_175 : i32 to index
      %swap3A_177 = tpu.vector_load %arg8[%swap3A_176] {strides = array<i32>} : memref<16384xf32, #tpu.memory_space<vmem>>, vector<16xf32>,
      tpu.vector_store %arg8[%swap3A_176], %gather3A_171 {strides = array<i32>} : memref<16384xf32, #tpu.memory_space<vmem>>, vector<16xf32>,
      %scan3A_178 = arith.constant 6 : i32
      %scan3A_179 = arith.addi %scan3A_104, %scan3A_178 : i32
      %mul3A_180 = arith.constant 16 : i32
      %mul3A_181 = arith.muli %scan3A_179, %mul3A_180 : i32
      %get3A_182 = arith.index_cast %mul3A_181 : i32 to index
      %get3A_183 = tpu.vector_load %arg6[%get3A_182] {strides = array<i32>} : memref<4096xi32, #tpu.memory_space<vmem>>, vector<16xi32>,
      %gather3A_184 = tpu.vector_load_idx %arg5[%get3A_183] : memref<100000xf32, #tpu.memory_space<vmem>>[vector<16xi32>], vector<16xf32>,
      %mul3A_185 = arith.constant 16 : i32
      %mul3A_186 = arith.muli %scan3A_179, %mul3A_185 : i32
      %add3A_187 = arith.constant 0 : i32
      %add3A_188 = arith.addi %add3A_187, %mul3A_186 : i32
      %swap3A_189 = arith.index_cast %add3A_188 : i32 to index
      %swap3A_190 = tpu.vector_load %arg8[%swap3A_189] {strides = array<i32>} : memref<16384xf32, #tpu.memory_space<vmem>>, vector<16xf32>,
      tpu.vector_store %arg8[%swap3A_189], %gather3A_184 {strides = array<i32>} : memref<16384xf32, #tpu.memory_space<vmem>>, vector<16xf32>,
      %scan3A_191 = arith.constant 7 : i32
      %scan3A_192 = arith.addi %scan3A_104, %scan3A_191 : i32
      %mul3A_193 = arith.constant 16 : i32
      %mul3A_194 = arith.muli %scan3A_192, %mul3A_193 : i32
      %get3A_195 = arith.index_cast %mul3A_194 : i32 to index
      %get3A_196 = tpu.vector_load %arg6[%get3A_195] {strides = array<i32>} : memref<4096xi32, #tpu.memory_space<vmem>>, vector<16xi32>,
      %gather3A_197 = tpu.vector_load_idx %arg5[%get3A_196] : memref<100000xf32, #tpu.memory_space<vmem>>[vector<16xi32>], vector<16xf32>,
      %mul3A_198 = arith.constant 16 : i32
      %mul3A_199 = arith.muli %scan3A_192, %mul3A_198 : i32
      %add3A_200 = arith.constant 0 : i32
      %add3A_201 = arith.addi %add3A_200, %mul3A_199 : i32
      %swap3A_202 = arith.index_cast %add3A_201 : i32 to index
      %swap3A_203 = tpu.vector_load %arg8[%swap3A_202] {strides = array<i32>} : memref<16384xf32, #tpu.memory_space<vmem>>, vector<16xf32>,
      tpu.vector_store %arg8[%swap3A_202], %gather3A_197 {strides = array<i32>} : memref<16384xf32, #tpu.memory_space<vmem>>, vector<16xf32>,
      %scan3A_204 = arith.constant 8 : i32
      %scan3A_205 = arith.addi %scan3A_104, %scan3A_204 : i32
      %mul3A_206 = arith.constant 16 : i32
      %mul3A_207 = arith.muli %scan3A_205, %mul3A_206 : i32
      %get3A_208 = arith.index_cast %mul3A_207 : i32 to index
      %get3A_209 = tpu.vector_load %arg6[%get3A_208] {strides = array<i32>} : memref<4096xi32, #tpu.memory_space<vmem>>, vector<16xi32>,
      %gather3A_210 = tpu.vector_load_idx %arg5[%get3A_209] : memref<100000xf32, #tpu.memory_space<vmem>>[vector<16xi32>], vector<16xf32>,
      %mul3A_211 = arith.constant 16 : i32
      %mul3A_212 = arith.muli %scan3A_205, %mul3A_211 : i32
      %add3A_213 = arith.constant 0 : i32
      %add3A_214 = arith.addi %add3A_213, %mul3A_212 : i32
      %swap3A_215 = arith.index_cast %add3A_214 : i32 to index
      %swap3A_216 = tpu.vector_load %arg8[%swap3A_215] {strides = array<i32>} : memref<16384xf32, #tpu.memory_space<vmem>>, vector<16xf32>,
      tpu.vector_store %arg8[%swap3A_215], %gather3A_210 {strides = array<i32>} : memref<16384xf32, #tpu.memory_space<vmem>>, vector<16xf32>,
      %scan3A_217 = arith.constant 9 : i32
      %scan3A_218 = arith.addi %scan3A_104, %scan3A_217 : i32
      %mul3A_219 = arith.constant 16 : i32
      %mul3A_220 = arith.muli %scan3A_218, %mul3A_219 : i32
      %get3A_221 = arith.index_cast %mul3A_220 : i32 to index
      %get3A_222 = tpu.vector_load %arg6[%get3A_221] {strides = array<i32>} : memref<4096xi32, #tpu.memory_space<vmem>>, vector<16xi32>,
      %gather3A_223 = tpu.vector_load_idx %arg5[%get3A_222] : memref<100000xf32, #tpu.memory_space<vmem>>[vector<16xi32>], vector<16xf32>,
      %mul3A_224 = arith.constant 16 : i32
      %mul3A_225 = arith.muli %scan3A_218, %mul3A_224 : i32
      %add3A_226 = arith.constant 0 : i32
      %add3A_227 = arith.addi %add3A_226, %mul3A_225 : i32
      %swap3A_228 = arith.index_cast %add3A_227 : i32 to index
      %swap3A_229 = tpu.vector_load %arg8[%swap3A_228] {strides = array<i32>} : memref<16384xf32, #tpu.memory_space<vmem>>, vector<16xf32>,
      tpu.vector_store %arg8[%swap3A_228], %gather3A_223 {strides = array<i32>} : memref<16384xf32, #tpu.memory_space<vmem>>, vector<16xf32>,
      %scan3A_230 = arith.constant 10 : i32
      %scan3A_231 = arith.addi %scan3A_104, %scan3A_230 : i32
      %mul3A_232 = arith.constant 16 : i32
      %mul3A_233 = arith.muli %scan3A_231, %mul3A_232 : i32
      %get3A_234 = arith.index_cast %mul3A_233 : i32 to index
      %get3A_235 = tpu.vector_load %arg6[%get3A_234] {strides = array<i32>} : memref<4096xi32, #tpu.memory_space<vmem>>, vector<16xi32>,
      %gather3A_236 = tpu.vector_load_idx %arg5[%get3A_235] : memref<100000xf32, #tpu.memory_space<vmem>>[vector<16xi32>], vector<16xf32>,
      %mul3A_237 = arith.constant 16 : i32
      %mul3A_238 = arith.muli %scan3A_231, %mul3A_237 : i32
      %add3A_239 = arith.constant 0 : i32
      %add3A_240 = arith.addi %add3A_239, %mul3A_238 : i32
      %swap3A_241 = arith.index_cast %add3A_240 : i32 to index
      %swap3A_242 = tpu.vector_load %arg8[%swap3A_241] {strides = array<i32>} : memref<16384xf32, #tpu.memory_space<vmem>>, vector<16xf32>,
      tpu.vector_store %arg8[%swap3A_241], %gather3A_236 {strides = array<i32>} : memref<16384xf32, #tpu.memory_space<vmem>>, vector<16xf32>,
      %scan3A_243 = arith.constant 11 : i32
      %scan3A_244 = arith.addi %scan3A_104, %scan3A_243 : i32
      %mul3A_245 = arith.constant 16 : i32
      %mul3A_246 = arith.muli %scan3A_244, %mul3A_245 : i32
      %get3A_247 = arith.index_cast %mul3A_246 : i32 to index
      %get3A_248 = tpu.vector_load %arg6[%get3A_247] {strides = array<i32>} : memref<4096xi32, #tpu.memory_space<vmem>>, vector<16xi32>,
      %gather3A_249 = tpu.vector_load_idx %arg5[%get3A_248] : memref<100000xf32, #tpu.memory_space<vmem>>[vector<16xi32>], vector<16xf32>,
      %mul3A_250 = arith.constant 16 : i32
      %mul3A_251 = arith.muli %scan3A_244, %mul3A_250 : i32
      %add3A_252 = arith.constant 0 : i32
      %add3A_253 = arith.addi %add3A_252, %mul3A_251 : i32
      %swap3A_254 = arith.index_cast %add3A_253 : i32 to index
      %swap3A_255 = tpu.vector_load %arg8[%swap3A_254] {strides = array<i32>} : memref<16384xf32, #tpu.memory_space<vmem>>, vector<16xf32>,
      tpu.vector_store %arg8[%swap3A_254], %gather3A_249 {strides = array<i32>} : memref<16384xf32, #tpu.memory_space<vmem>>, vector<16xf32>,
      %scan3A_256 = arith.constant 12 : i32
      %scan3A_257 = arith.addi %scan3A_104, %scan3A_256 : i32
      %mul3A_258 = arith.constant 16 : i32
      %mul3A_259 = arith.muli %scan3A_257, %mul3A_258 : i32
      %get3A_260 = arith.index_cast %mul3A_259 : i32 to index
      %get3A_261 = tpu.vector_load %arg6[%get3A_260] {strides = array<i32>} : memref<4096xi32, #tpu.memory_space<vmem>>, vector<16xi32>,
      %gather3A_262 = tpu.vector_load_idx %arg5[%get3A_261] : memref<100000xf32, #tpu.memory_space<vmem>>[vector<16xi32>], vector<16xf32>,
      %mul3A_263 = arith.constant 16 : i32
      %mul3A_264 = arith.muli %scan3A_257, %mul3A_263 : i32
      %add3A_265 = arith.constant 0 : i32
      %add3A_266 = arith.addi %add3A_265, %mul3A_264 : i32
      %swap3A_267 = arith.index_cast %add3A_266 : i32 to index
      %swap3A_268 = tpu.vector_load %arg8[%swap3A_267] {strides = array<i32>} : memref<16384xf32, #tpu.memory_space<vmem>>, vector<16xf32>,
      tpu.vector_store %arg8[%swap3A_267], %gather3A_262 {strides = array<i32>} : memref<16384xf32, #tpu.memory_space<vmem>>, vector<16xf32>,
      %scan3A_269 = arith.constant 13 : i32
      %scan3A_270 = arith.addi %scan3A_104, %scan3A_269 : i32
      %mul3A_271 = arith.constant 16 : i32
      %mul3A_272 = arith.muli %scan3A_270, %mul3A_271 : i32
      %get3A_273 = arith.index_cast %mul3A_272 : i32 to index
      %get3A_274 = tpu.vector_load %arg6[%get3A_273] {strides = array<i32>} : memref<4096xi32, #tpu.memory_space<vmem>>, vector<16xi32>,
      %gather3A_275 = tpu.vector_load_idx %arg5[%get3A_274] : memref<100000xf32, #tpu.memory_space<vmem>>[vector<16xi32>], vector<16xf32>,
      %mul3A_276 = arith.constant 16 : i32
      %mul3A_277 = arith.muli %scan3A_270, %mul3A_276 : i32
      %add3A_278 = arith.constant 0 : i32
      %add3A_279 = arith.addi %add3A_278, %mul3A_277 : i32
      %swap3A_280 = arith.index_cast %add3A_279 : i32 to index
      %swap3A_281 = tpu.vector_load %arg8[%swap3A_280] {strides = array<i32>} : memref<16384xf32, #tpu.memory_space<vmem>>, vector<16xf32>,
      tpu.vector_store %arg8[%swap3A_280], %gather3A_275 {strides = array<i32>} : memref<16384xf32, #tpu.memory_space<vmem>>, vector<16xf32>,
      %scan3A_282 = arith.constant 14 : i32
      %scan3A_283 = arith.addi %scan3A_104, %scan3A_282 : i32
      %mul3A_284 = arith.constant 16 : i32
      %mul3A_285 = arith.muli %scan3A_283, %mul3A_284 : i32
      %get3A_286 = arith.index_cast %mul3A_285 : i32 to index
      %get3A_287 = tpu.vector_load %arg6[%get3A_286] {strides = array<i32>} : memref<4096xi32, #tpu.memory_space<vmem>>, vector<16xi32>,
      %gather3A_288 = tpu.vector_load_idx %arg5[%get3A_287] : memref<100000xf32, #tpu.memory_space<vmem>>[vector<16xi32>], vector<16xf32>,
      %mul3A_289 = arith.constant 16 : i32
      %mul3A_290 = arith.muli %scan3A_283, %mul3A_289 : i32
      %add3A_291 = arith.constant 0 : i32
      %add3A_292 = arith.addi %add3A_291, %mul3A_290 : i32
      %swap3A_293 = arith.index_cast %add3A_292 : i32 to index
      %swap3A_294 = tpu.vector_load %arg8[%swap3A_293] {strides = array<i32>} : memref<16384xf32, #tpu.memory_space<vmem>>, vector<16xf32>,
      tpu.vector_store %arg8[%swap3A_293], %gather3A_288 {strides = array<i32>} : memref<16384xf32, #tpu.memory_space<vmem>>, vector<16xf32>,
      %scan3A_295 = arith.constant 15 : i32
      %scan3A_296 = arith.addi %scan3A_104, %scan3A_295 : i32
      %mul3A_297 = arith.constant 16 : i32
      %mul3A_298 = arith.muli %scan3A_296, %mul3A_297 : i32
      %get3A_299 = arith.index_cast %mul3A_298 : i32 to index
      %get3A_300 = tpu.vector_load %arg6[%get3A_299] {strides = array<i32>} : memref<4096xi32, #tpu.memory_space<vmem>>, vector<16xi32>,
      %gather3A_301 = tpu.vector_load_idx %arg5[%get3A_300] : memref<100000xf32, #tpu.memory_space<vmem>>[vector<16xi32>], vector<16xf32>,
      %mul3A_302 = arith.constant 16 : i32
      %mul3A_303 = arith.muli %scan3A_296, %mul3A_302 : i32
      %add3A_304 = arith.constant 0 : i32
      %add3A_305 = arith.addi %add3A_304, %mul3A_303 : i32
      %swap3A_306 = arith.index_cast %add3A_305 : i32 to index
      %swap3A_307 = tpu.vector_load %arg8[%swap3A_306] {strides = array<i32>} : memref<16384xf32, #tpu.memory_space<vmem>>, vector<16xf32>,
      tpu.vector_store %arg8[%swap3A_306], %gather3A_301 {strides = array<i32>} : memref<16384xf32, #tpu.memory_space<vmem>>, vector<16xf32>,
    }
    %scan3A_38 = arith.constant 256 : i32
    %dma_wait3A_39 = arith.constant 0 : i32
    %dma_wait3A_40 = arith.constant 4096 : i32
    %dma_wait3A_41 = tpu.memref_slice %arg2[%dma_wait3A_39, %dma_wait3A_40] : memref<26x16384xi32, #tpu.memory_space<hbm>> -> memref<1x4096xi32, #tpu.memory_space<hbm>>
    %dma_wait3A_42 = tpu.memref_squeeze %dma_wait3A_41 : memref<1x4096xi32, #tpu.memory_space<hbm>> -> memref<4096xi32, #tpu.memory_space<hbm>>
    %dma_wait3A_43 = arith.constant 4096 : i32
    %dma_wait3A_44 = tpu.memref_slice %arg2[%dma_wait3A_39, %dma_wait3A_43] : memref<26x16384xi32, #tpu.memory_space<hbm>> -> memref<1x4096xi32, #tpu.memory_space<hbm>>
    %dma_wait3A_45 = tpu.memref_squeeze %dma_wait3A_44 : memref<1x4096xi32, #tpu.memory_space<hbm>> -> memref<4096xi32, #tpu.memory_space<hbm>>
    tpu.wait_dma2 semaphore(%arg11 : memref<!tpu.dma_semaphore, #tpu.memory_space<semaphore_mem>>) src(%dma_wait3A_45 : memref<4096xi32, #tpu.memory_space<hbm>>) dst(%arg7 : memref<4096xi32, #tpu.memory_space<vmem>>)
    %dma_start3A_46 = arith.constant 0 : i32
    %dma_start3A_47 = arith.constant 8192 : i32
    %dma_start3A_48 = tpu.memref_slice %arg2[%dma_start3A_46, %dma_start3A_47] : memref<26x16384xi32, #tpu.memory_space<hbm>> -> memref<1x4096xi32, #tpu.memory_space<hbm>>
    %dma_start3A_49 = tpu.memref_squeeze %dma_start3A_48 : memref<1x4096xi32, #tpu.memory_space<hbm>> -> memref<4096xi32, #tpu.memory_space<hbm>>
    %dma_start3A_50 = arith.constant 8192 : i32
    %dma_start3A_51 = tpu.memref_slice %arg2[%dma_start3A_46, %dma_start3A_50] : memref<26x16384xi32, #tpu.memory_space<hbm>> -> memref<1x4096xi32, #tpu.memory_space<hbm>>
    %dma_start3A_52 = tpu.memref_squeeze %dma_start3A_51 : memref<1x4096xi32, #tpu.memory_space<hbm>> -> memref<4096xi32, #tpu.memory_space<hbm>>
    tpu.enqueue_dma source(%dma_start3A_52 : memref<4096xi32, #tpu.memory_space<hbm>>) target(%arg6 : memref<4096xi32, #tpu.memory_space<vmem>>) target_semaphore(%arg10 : memref<!tpu.dma_semaphore, #tpu.memory_space<semaphore_mem>>)
    %scan3A_53 = arith.constant 0 : i32
    %scan3A_54 = arith.constant 0 : i32
    %scan3A_55 = arith.constant 256 : i32
    %scan3A_56 = arith.addi %scan3A_54, %scan3A_55 : i32
    %scan3A_57 = arith.constant 16 : i32
    scf.for %scan3A_104 = %scan3A_54 to %scan3A_56 step %scan3A_57  : i32 {
      %mul3A_105 = arith.constant 16 : i32
      %mul3A_106 = arith.muli %scan3A_104, %mul3A_105 : i32
      %get3A = arith.index_cast %mul3A_106 : i32 to index
      %get3A_107 = tpu.vector_load %arg7[%get3A] {strides = array<i32>} : memref<4096xi32, #tpu.memory_space<vmem>>, vector<16xi32>,
      %gather3A = tpu.vector_load_idx %arg5[%get3A_107] : memref<100000xf32, #tpu.memory_space<vmem>>[vector<16xi32>], vector<16xf32>,
      %mul3A_108 = arith.constant 16 : i32
      %mul3A_109 = arith.muli %scan3A_104, %mul3A_108 : i32
      %add3A_110 = arith.constant 4096 : i32
      %add3A_111 = arith.addi %add3A_110, %mul3A_109 : i32
      %swap3A = arith.index_cast %add3A_111 : i32 to index
      %swap3A_112 = tpu.vector_load %arg8[%swap3A] {strides = array<i32>} : memref<16384xf32, #tpu.memory_space<vmem>>, vector<16xf32>,
      tpu.vector_store %arg8[%swap3A], %gather3A {strides = array<i32>} : memref<16384xf32, #tpu.memory_space<vmem>>, vector<16xf32>,
      %scan3A_113 = arith.constant 1 : i32
      %scan3A_114 = arith.addi %scan3A_104, %scan3A_113 : i32
      %mul3A_115 = arith.constant 16 : i32
      %mul3A_116 = arith.muli %scan3A_114, %mul3A_115 : i32
      %get3A_117 = arith.index_cast %mul3A_116 : i32 to index
      %get3A_118 = tpu.vector_load %arg7[%get3A_117] {strides = array<i32>} : memref<4096xi32, #tpu.memory_space<vmem>>, vector<16xi32>,
      %gather3A_119 = tpu.vector_load_idx %arg5[%get3A_118] : memref<100000xf32, #tpu.memory_space<vmem>>[vector<16xi32>], vector<16xf32>,
      %mul3A_120 = arith.constant 16 : i32
      %mul3A_121 = arith.muli %scan3A_114, %mul3A_120 : i32
      %add3A_122 = arith.constant 4096 : i32
      %add3A_123 = arith.addi %add3A_122, %mul3A_121 : i32
      %swap3A_124 = arith.index_cast %add3A_123 : i32 to index
      %swap3A_125 = tpu.vector_load %arg8[%swap3A_124] {strides = array<i32>} : memref<16384xf32, #tpu.memory_space<vmem>>, vector<16xf32>,
      tpu.vector_store %arg8[%swap3A_124], %gather3A_119 {strides = array<i32>} : memref<16384xf32, #tpu.memory_space<vmem>>, vector<16xf32>,
      %scan3A_126 = arith.constant 2 : i32
      %scan3A_127 = arith.addi %scan3A_104, %scan3A_126 : i32
      %mul3A_128 = arith.constant 16 : i32
      %mul3A_129 = arith.muli %scan3A_127, %mul3A_128 : i32
      %get3A_130 = arith.index_cast %mul3A_129 : i32 to index
      %get3A_131 = tpu.vector_load %arg7[%get3A_130] {strides = array<i32>} : memref<4096xi32, #tpu.memory_space<vmem>>, vector<16xi32>,
      %gather3A_132 = tpu.vector_load_idx %arg5[%get3A_131] : memref<100000xf32, #tpu.memory_space<vmem>>[vector<16xi32>], vector<16xf32>,
      %mul3A_133 = arith.constant 16 : i32
      %mul3A_134 = arith.muli %scan3A_127, %mul3A_133 : i32
      %add3A_135 = arith.constant 4096 : i32
      %add3A_136 = arith.addi %add3A_135, %mul3A_134 : i32
      %swap3A_137 = arith.index_cast %add3A_136 : i32 to index
      %swap3A_138 = tpu.vector_load %arg8[%swap3A_137] {strides = array<i32>} : memref<16384xf32, #tpu.memory_space<vmem>>, vector<16xf32>,
      tpu.vector_store %arg8[%swap3A_137], %gather3A_132 {strides = array<i32>} : memref<16384xf32, #tpu.memory_space<vmem>>, vector<16xf32>,
      %scan3A_139 = arith.constant 3 : i32
      %scan3A_140 = arith.addi %scan3A_104, %scan3A_139 : i32
      %mul3A_141 = arith.constant 16 : i32
      %mul3A_142 = arith.muli %scan3A_140, %mul3A_141 : i32
      %get3A_143 = arith.index_cast %mul3A_142 : i32 to index
      %get3A_144 = tpu.vector_load %arg7[%get3A_143] {strides = array<i32>} : memref<4096xi32, #tpu.memory_space<vmem>>, vector<16xi32>,
      %gather3A_145 = tpu.vector_load_idx %arg5[%get3A_144] : memref<100000xf32, #tpu.memory_space<vmem>>[vector<16xi32>], vector<16xf32>,
      %mul3A_146 = arith.constant 16 : i32
      %mul3A_147 = arith.muli %scan3A_140, %mul3A_146 : i32
      %add3A_148 = arith.constant 4096 : i32
      %add3A_149 = arith.addi %add3A_148, %mul3A_147 : i32
      %swap3A_150 = arith.index_cast %add3A_149 : i32 to index
      %swap3A_151 = tpu.vector_load %arg8[%swap3A_150] {strides = array<i32>} : memref<16384xf32, #tpu.memory_space<vmem>>, vector<16xf32>,
      tpu.vector_store %arg8[%swap3A_150], %gather3A_145 {strides = array<i32>} : memref<16384xf32, #tpu.memory_space<vmem>>, vector<16xf32>,
      %scan3A_152 = arith.constant 4 : i32
      %scan3A_153 = arith.addi %scan3A_104, %scan3A_152 : i32
      %mul3A_154 = arith.constant 16 : i32
      %mul3A_155 = arith.muli %scan3A_153, %mul3A_154 : i32
      %get3A_156 = arith.index_cast %mul3A_155 : i32 to index
      %get3A_157 = tpu.vector_load %arg7[%get3A_156] {strides = array<i32>} : memref<4096xi32, #tpu.memory_space<vmem>>, vector<16xi32>,
      %gather3A_158 = tpu.vector_load_idx %arg5[%get3A_157] : memref<100000xf32, #tpu.memory_space<vmem>>[vector<16xi32>], vector<16xf32>,
      %mul3A_159 = arith.constant 16 : i32
      %mul3A_160 = arith.muli %scan3A_153, %mul3A_159 : i32
      %add3A_161 = arith.constant 4096 : i32
      %add3A_162 = arith.addi %add3A_161, %mul3A_160 : i32
      %swap3A_163 = arith.index_cast %add3A_162 : i32 to index
      %swap3A_164 = tpu.vector_load %arg8[%swap3A_163] {strides = array<i32>} : memref<16384xf32, #tpu.memory_space<vmem>>, vector<16xf32>,
      tpu.vector_store %arg8[%swap3A_163], %gather3A_158 {strides = array<i32>} : memref<16384xf32, #tpu.memory_space<vmem>>, vector<16xf32>,
      %scan3A_165 = arith.constant 5 : i32
      %scan3A_166 = arith.addi %scan3A_104, %scan3A_165 : i32
      %mul3A_167 = arith.constant 16 : i32
      %mul3A_168 = arith.muli %scan3A_166, %mul3A_167 : i32
      %get3A_169 = arith.index_cast %mul3A_168 : i32 to index
      %get3A_170 = tpu.vector_load %arg7[%get3A_169] {strides = array<i32>} : memref<4096xi32, #tpu.memory_space<vmem>>, vector<16xi32>,
      %gather3A_171 = tpu.vector_load_idx %arg5[%get3A_170] : memref<100000xf32, #tpu.memory_space<vmem>>[vector<16xi32>], vector<16xf32>,
      %mul3A_172 = arith.constant 16 : i32
      %mul3A_173 = arith.muli %scan3A_166, %mul3A_172 : i32
      %add3A_174 = arith.constant 4096 : i32
      %add3A_175 = arith.addi %add3A_174, %mul3A_173 : i32
      %swap3A_176 = arith.index_cast %add3A_175 : i32 to index
      %swap3A_177 = tpu.vector_load %arg8[%swap3A_176] {strides = array<i32>} : memref<16384xf32, #tpu.memory_space<vmem>>, vector<16xf32>,
      tpu.vector_store %arg8[%swap3A_176], %gather3A_171 {strides = array<i32>} : memref<16384xf32, #tpu.memory_space<vmem>>, vector<16xf32>,
      %scan3A_178 = arith.constant 6 : i32
      %scan3A_179 = arith.addi %scan3A_104, %scan3A_178 : i32
      %mul3A_180 = arith.constant 16 : i32
      %mul3A_181 = arith.muli %scan3A_179, %mul3A_180 : i32
      %get3A_182 = arith.index_cast %mul3A_181 : i32 to index
      %get3A_183 = tpu.vector_load %arg7[%get3A_182] {strides = array<i32>} : memref<4096xi32, #tpu.memory_space<vmem>>, vector<16xi32>,
      %gather3A_184 = tpu.vector_load_idx %arg5[%get3A_183] : memref<100000xf32, #tpu.memory_space<vmem>>[vector<16xi32>], vector<16xf32>,
      %mul3A_185 = arith.constant 16 : i32
      %mul3A_186 = arith.muli %scan3A_179, %mul3A_185 : i32
      %add3A_187 = arith.constant 4096 : i32
      %add3A_188 = arith.addi %add3A_187, %mul3A_186 : i32
      %swap3A_189 = arith.index_cast %add3A_188 : i32 to index
      %swap3A_190 = tpu.vector_load %arg8[%swap3A_189] {strides = array<i32>} : memref<16384xf32, #tpu.memory_space<vmem>>, vector<16xf32>,
      tpu.vector_store %arg8[%swap3A_189], %gather3A_184 {strides = array<i32>} : memref<16384xf32, #tpu.memory_space<vmem>>, vector<16xf32>,
      %scan3A_191 = arith.constant 7 : i32
      %scan3A_192 = arith.addi %scan3A_104, %scan3A_191 : i32
      %mul3A_193 = arith.constant 16 : i32
      %mul3A_194 = arith.muli %scan3A_192, %mul3A_193 : i32
      %get3A_195 = arith.index_cast %mul3A_194 : i32 to index
      %get3A_196 = tpu.vector_load %arg7[%get3A_195] {strides = array<i32>} : memref<4096xi32, #tpu.memory_space<vmem>>, vector<16xi32>,
      %gather3A_197 = tpu.vector_load_idx %arg5[%get3A_196] : memref<100000xf32, #tpu.memory_space<vmem>>[vector<16xi32>], vector<16xf32>,
      %mul3A_198 = arith.constant 16 : i32
      %mul3A_199 = arith.muli %scan3A_192, %mul3A_198 : i32
      %add3A_200 = arith.constant 4096 : i32
      %add3A_201 = arith.addi %add3A_200, %mul3A_199 : i32
      %swap3A_202 = arith.index_cast %add3A_201 : i32 to index
      %swap3A_203 = tpu.vector_load %arg8[%swap3A_202] {strides = array<i32>} : memref<16384xf32, #tpu.memory_space<vmem>>, vector<16xf32>,
      tpu.vector_store %arg8[%swap3A_202], %gather3A_197 {strides = array<i32>} : memref<16384xf32, #tpu.memory_space<vmem>>, vector<16xf32>,
      %scan3A_204 = arith.constant 8 : i32
      %scan3A_205 = arith.addi %scan3A_104, %scan3A_204 : i32
      %mul3A_206 = arith.constant 16 : i32
      %mul3A_207 = arith.muli %scan3A_205, %mul3A_206 : i32
      %get3A_208 = arith.index_cast %mul3A_207 : i32 to index
      %get3A_209 = tpu.vector_load %arg7[%get3A_208] {strides = array<i32>} : memref<4096xi32, #tpu.memory_space<vmem>>, vector<16xi32>,
      %gather3A_210 = tpu.vector_load_idx %arg5[%get3A_209] : memref<100000xf32, #tpu.memory_space<vmem>>[vector<16xi32>], vector<16xf32>,
      %mul3A_211 = arith.constant 16 : i32
      %mul3A_212 = arith.muli %scan3A_205, %mul3A_211 : i32
      %add3A_213 = arith.constant 4096 : i32
      %add3A_214 = arith.addi %add3A_213, %mul3A_212 : i32
      %swap3A_215 = arith.index_cast %add3A_214 : i32 to index
      %swap3A_216 = tpu.vector_load %arg8[%swap3A_215] {strides = array<i32>} : memref<16384xf32, #tpu.memory_space<vmem>>, vector<16xf32>,
      tpu.vector_store %arg8[%swap3A_215], %gather3A_210 {strides = array<i32>} : memref<16384xf32, #tpu.memory_space<vmem>>, vector<16xf32>,
      %scan3A_217 = arith.constant 9 : i32
      %scan3A_218 = arith.addi %scan3A_104, %scan3A_217 : i32
      %mul3A_219 = arith.constant 16 : i32
      %mul3A_220 = arith.muli %scan3A_218, %mul3A_219 : i32
      %get3A_221 = arith.index_cast %mul3A_220 : i32 to index
      %get3A_222 = tpu.vector_load %arg7[%get3A_221] {strides = array<i32>} : memref<4096xi32, #tpu.memory_space<vmem>>, vector<16xi32>,
      %gather3A_223 = tpu.vector_load_idx %arg5[%get3A_222] : memref<100000xf32, #tpu.memory_space<vmem>>[vector<16xi32>], vector<16xf32>,
      %mul3A_224 = arith.constant 16 : i32
      %mul3A_225 = arith.muli %scan3A_218, %mul3A_224 : i32
      %add3A_226 = arith.constant 4096 : i32
      %add3A_227 = arith.addi %add3A_226, %mul3A_225 : i32
      %swap3A_228 = arith.index_cast %add3A_227 : i32 to index
      %swap3A_229 = tpu.vector_load %arg8[%swap3A_228] {strides = array<i32>} : memref<16384xf32, #tpu.memory_space<vmem>>, vector<16xf32>,
      tpu.vector_store %arg8[%swap3A_228], %gather3A_223 {strides = array<i32>} : memref<16384xf32, #tpu.memory_space<vmem>>, vector<16xf32>,
      %scan3A_230 = arith.constant 10 : i32
      %scan3A_231 = arith.addi %scan3A_104, %scan3A_230 : i32
      %mul3A_232 = arith.constant 16 : i32
      %mul3A_233 = arith.muli %scan3A_231, %mul3A_232 : i32
      %get3A_234 = arith.index_cast %mul3A_233 : i32 to index
      %get3A_235 = tpu.vector_load %arg7[%get3A_234] {strides = array<i32>} : memref<4096xi32, #tpu.memory_space<vmem>>, vector<16xi32>,
      %gather3A_236 = tpu.vector_load_idx %arg5[%get3A_235] : memref<100000xf32, #tpu.memory_space<vmem>>[vector<16xi32>], vector<16xf32>,
      %mul3A_237 = arith.constant 16 : i32
      %mul3A_238 = arith.muli %scan3A_231, %mul3A_237 : i32
      %add3A_239 = arith.constant 4096 : i32
      %add3A_240 = arith.addi %add3A_239, %mul3A_238 : i32
      %swap3A_241 = arith.index_cast %add3A_240 : i32 to index
      %swap3A_242 = tpu.vector_load %arg8[%swap3A_241] {strides = array<i32>} : memref<16384xf32, #tpu.memory_space<vmem>>, vector<16xf32>,
      tpu.vector_store %arg8[%swap3A_241], %gather3A_236 {strides = array<i32>} : memref<16384xf32, #tpu.memory_space<vmem>>, vector<16xf32>,
      %scan3A_243 = arith.constant 11 : i32
      %scan3A_244 = arith.addi %scan3A_104, %scan3A_243 : i32
      %mul3A_245 = arith.constant 16 : i32
      %mul3A_246 = arith.muli %scan3A_244, %mul3A_245 : i32
      %get3A_247 = arith.index_cast %mul3A_246 : i32 to index
      %get3A_248 = tpu.vector_load %arg7[%get3A_247] {strides = array<i32>} : memref<4096xi32, #tpu.memory_space<vmem>>, vector<16xi32>,
      %gather3A_249 = tpu.vector_load_idx %arg5[%get3A_248] : memref<100000xf32, #tpu.memory_space<vmem>>[vector<16xi32>], vector<16xf32>,
      %mul3A_250 = arith.constant 16 : i32
      %mul3A_251 = arith.muli %scan3A_244, %mul3A_250 : i32
      %add3A_252 = arith.constant 4096 : i32
      %add3A_253 = arith.addi %add3A_252, %mul3A_251 : i32
      %swap3A_254 = arith.index_cast %add3A_253 : i32 to index
      %swap3A_255 = tpu.vector_load %arg8[%swap3A_254] {strides = array<i32>} : memref<16384xf32, #tpu.memory_space<vmem>>, vector<16xf32>,
      tpu.vector_store %arg8[%swap3A_254], %gather3A_249 {strides = array<i32>} : memref<16384xf32, #tpu.memory_space<vmem>>, vector<16xf32>,
      %scan3A_256 = arith.constant 12 : i32
      %scan3A_257 = arith.addi %scan3A_104, %scan3A_256 : i32
      %mul3A_258 = arith.constant 16 : i32
      %mul3A_259 = arith.muli %scan3A_257, %mul3A_258 : i32
      %get3A_260 = arith.index_cast %mul3A_259 : i32 to index
      %get3A_261 = tpu.vector_load %arg7[%get3A_260] {strides = array<i32>} : memref<4096xi32, #tpu.memory_space<vmem>>, vector<16xi32>,
      %gather3A_262 = tpu.vector_load_idx %arg5[%get3A_261] : memref<100000xf32, #tpu.memory_space<vmem>>[vector<16xi32>], vector<16xf32>,
      %mul3A_263 = arith.constant 16 : i32
      %mul3A_264 = arith.muli %scan3A_257, %mul3A_263 : i32
      %add3A_265 = arith.constant 4096 : i32
      %add3A_266 = arith.addi %add3A_265, %mul3A_264 : i32
      %swap3A_267 = arith.index_cast %add3A_266 : i32 to index
      %swap3A_268 = tpu.vector_load %arg8[%swap3A_267] {strides = array<i32>} : memref<16384xf32, #tpu.memory_space<vmem>>, vector<16xf32>,
      tpu.vector_store %arg8[%swap3A_267], %gather3A_262 {strides = array<i32>} : memref<16384xf32, #tpu.memory_space<vmem>>, vector<16xf32>,
      %scan3A_269 = arith.constant 13 : i32
      %scan3A_270 = arith.addi %scan3A_104, %scan3A_269 : i32
      %mul3A_271 = arith.constant 16 : i32
      %mul3A_272 = arith.muli %scan3A_270, %mul3A_271 : i32
      %get3A_273 = arith.index_cast %mul3A_272 : i32 to index
      %get3A_274 = tpu.vector_load %arg7[%get3A_273] {strides = array<i32>} : memref<4096xi32, #tpu.memory_space<vmem>>, vector<16xi32>,
      %gather3A_275 = tpu.vector_load_idx %arg5[%get3A_274] : memref<100000xf32, #tpu.memory_space<vmem>>[vector<16xi32>], vector<16xf32>,
      %mul3A_276 = arith.constant 16 : i32
      %mul3A_277 = arith.muli %scan3A_270, %mul3A_276 : i32
      %add3A_278 = arith.constant 4096 : i32
      %add3A_279 = arith.addi %add3A_278, %mul3A_277 : i32
      %swap3A_280 = arith.index_cast %add3A_279 : i32 to index
      %swap3A_281 = tpu.vector_load %arg8[%swap3A_280] {strides = array<i32>} : memref<16384xf32, #tpu.memory_space<vmem>>, vector<16xf32>,
      tpu.vector_store %arg8[%swap3A_280], %gather3A_275 {strides = array<i32>} : memref<16384xf32, #tpu.memory_space<vmem>>, vector<16xf32>,
      %scan3A_282 = arith.constant 14 : i32
      %scan3A_283 = arith.addi %scan3A_104, %scan3A_282 : i32
      %mul3A_284 = arith.constant 16 : i32
      %mul3A_285 = arith.muli %scan3A_283, %mul3A_284 : i32
      %get3A_286 = arith.index_cast %mul3A_285 : i32 to index
      %get3A_287 = tpu.vector_load %arg7[%get3A_286] {strides = array<i32>} : memref<4096xi32, #tpu.memory_space<vmem>>, vector<16xi32>,
      %gather3A_288 = tpu.vector_load_idx %arg5[%get3A_287] : memref<100000xf32, #tpu.memory_space<vmem>>[vector<16xi32>], vector<16xf32>,
      %mul3A_289 = arith.constant 16 : i32
      %mul3A_290 = arith.muli %scan3A_283, %mul3A_289 : i32
      %add3A_291 = arith.constant 4096 : i32
      %add3A_292 = arith.addi %add3A_291, %mul3A_290 : i32
      %swap3A_293 = arith.index_cast %add3A_292 : i32 to index
      %swap3A_294 = tpu.vector_load %arg8[%swap3A_293] {strides = array<i32>} : memref<16384xf32, #tpu.memory_space<vmem>>, vector<16xf32>,
      tpu.vector_store %arg8[%swap3A_293], %gather3A_288 {strides = array<i32>} : memref<16384xf32, #tpu.memory_space<vmem>>, vector<16xf32>,
      %scan3A_295 = arith.constant 15 : i32
      %scan3A_296 = arith.addi %scan3A_104, %scan3A_295 : i32
      %mul3A_297 = arith.constant 16 : i32
      %mul3A_298 = arith.muli %scan3A_296, %mul3A_297 : i32
      %get3A_299 = arith.index_cast %mul3A_298 : i32 to index
      %get3A_300 = tpu.vector_load %arg7[%get3A_299] {strides = array<i32>} : memref<4096xi32, #tpu.memory_space<vmem>>, vector<16xi32>,
      %gather3A_301 = tpu.vector_load_idx %arg5[%get3A_300] : memref<100000xf32, #tpu.memory_space<vmem>>[vector<16xi32>], vector<16xf32>,
      %mul3A_302 = arith.constant 16 : i32
      %mul3A_303 = arith.muli %scan3A_296, %mul3A_302 : i32
      %add3A_304 = arith.constant 4096 : i32
      %add3A_305 = arith.addi %add3A_304, %mul3A_303 : i32
      %swap3A_306 = arith.index_cast %add3A_305 : i32 to index
      %swap3A_307 = tpu.vector_load %arg8[%swap3A_306] {strides = array<i32>} : memref<16384xf32, #tpu.memory_space<vmem>>, vector<16xf32>,
      tpu.vector_store %arg8[%swap3A_306], %gather3A_301 {strides = array<i32>} : memref<16384xf32, #tpu.memory_space<vmem>>, vector<16xf32>,
    }
    %scan3A_58 = arith.constant 256 : i32
    %dma_wait3A_59 = arith.constant 0 : i32
    %dma_wait3A_60 = arith.constant 8192 : i32
    %dma_wait3A_61 = tpu.memref_slice %arg2[%dma_wait3A_59, %dma_wait3A_60] : memref<26x16384xi32, #tpu.memory_space<hbm>> -> memref<1x4096xi32, #tpu.memory_space<hbm>>
    %dma_wait3A_62 = tpu.memref_squeeze %dma_wait3A_61 : memref<1x4096xi32, #tpu.memory_space<hbm>> -> memref<4096xi32, #tpu.memory_space<hbm>>
    %dma_wait3A_63 = arith.constant 8192 : i32
    %dma_wait3A_64 = tpu.memref_slice %arg2[%dma_wait3A_59, %dma_wait3A_63] : memref<26x16384xi32, #tpu.memory_space<hbm>> -> memref<1x4096xi32, #tpu.memory_space<hbm>>
    %dma_wait3A_65 = tpu.memref_squeeze %dma_wait3A_64 : memref<1x4096xi32, #tpu.memory_space<hbm>> -> memref<4096xi32, #tpu.memory_space<hbm>>
    tpu.wait_dma2 semaphore(%arg10 : memref<!tpu.dma_semaphore, #tpu.memory_space<semaphore_mem>>) src(%dma_wait3A_65 : memref<4096xi32, #tpu.memory_space<hbm>>) dst(%arg6 : memref<4096xi32, #tpu.memory_space<vmem>>)
    %dma_start3A_66 = arith.constant 0 : i32
    %dma_start3A_67 = arith.constant 12288 : i32
    %dma_start3A_68 = tpu.memref_slice %arg2[%dma_start3A_66, %dma_start3A_67] : memref<26x16384xi32, #tpu.memory_space<hbm>> -> memref<1x4096xi32, #tpu.memory_space<hbm>>
    %dma_start3A_69 = tpu.memref_squeeze %dma_start3A_68 : memref<1x4096xi32, #tpu.memory_space<hbm>> -> memref<4096xi32, #tpu.memory_space<hbm>>
    %dma_start3A_70 = arith.constant 12288 : i32
    %dma_start3A_71 = tpu.memref_slice %arg2[%dma_start3A_66, %dma_start3A_70] : memref<26x16384xi32, #tpu.memory_space<hbm>> -> memref<1x4096xi32, #tpu.memory_space<hbm>>
    %dma_start3A_72 = tpu.memref_squeeze %dma_start3A_71 : memref<1x4096xi32, #tpu.memory_space<hbm>> -> memref<4096xi32, #tpu.memory_space<hbm>>
    tpu.enqueue_dma source(%dma_start3A_72 : memref<4096xi32, #tpu.memory_space<hbm>>) target(%arg7 : memref<4096xi32, #tpu.memory_space<vmem>>) target_semaphore(%arg11 : memref<!tpu.dma_semaphore, #tpu.memory_space<semaphore_mem>>)
    %scan3A_73 = arith.constant 0 : i32
    %scan3A_74 = arith.constant 0 : i32
    %scan3A_75 = arith.constant 256 : i32
    %scan3A_76 = arith.addi %scan3A_74, %scan3A_75 : i32
    %scan3A_77 = arith.constant 16 : i32
    scf.for %scan3A_104 = %scan3A_74 to %scan3A_76 step %scan3A_77  : i32 {
      %mul3A_105 = arith.constant 16 : i32
      %mul3A_106 = arith.muli %scan3A_104, %mul3A_105 : i32
      %get3A = arith.index_cast %mul3A_106 : i32 to index
      %get3A_107 = tpu.vector_load %arg6[%get3A] {strides = array<i32>} : memref<4096xi32, #tpu.memory_space<vmem>>, vector<16xi32>,
      %gather3A = tpu.vector_load_idx %arg5[%get3A_107] : memref<100000xf32, #tpu.memory_space<vmem>>[vector<16xi32>], vector<16xf32>,
      %mul3A_108 = arith.constant 16 : i32
      %mul3A_109 = arith.muli %scan3A_104, %mul3A_108 : i32
      %add3A_110 = arith.constant 8192 : i32
      %add3A_111 = arith.addi %add3A_110, %mul3A_109 : i32
      %swap3A = arith.index_cast %add3A_111 : i32 to index
      %swap3A_112 = tpu.vector_load %arg8[%swap3A] {strides = array<i32>} : memref<16384xf32, #tpu.memory_space<vmem>>, vector<16xf32>,
      tpu.vector_store %arg8[%swap3A], %gather3A {strides = array<i32>} : memref<16384xf32, #tpu.memory_space<vmem>>, vector<16xf32>,
      %scan3A_113 = arith.constant 1 : i32
      %scan3A_114 = arith.addi %scan3A_104, %scan3A_113 : i32
      %mul3A_115 = arith.constant 16 : i32
      %mul3A_116 = arith.muli %scan3A_114, %mul3A_115 : i32
      %get3A_117 = arith.index_cast %mul3A_116 : i32 to index
      %get3A_118 = tpu.vector_load %arg6[%get3A_117] {strides = array<i32>} : memref<4096xi32, #tpu.memory_space<vmem>>, vector<16xi32>,
      %gather3A_119 = tpu.vector_load_idx %arg5[%get3A_118] : memref<100000xf32, #tpu.memory_space<vmem>>[vector<16xi32>], vector<16xf32>,
      %mul3A_120 = arith.constant 16 : i32
      %mul3A_121 = arith.muli %scan3A_114, %mul3A_120 : i32
      %add3A_122 = arith.constant 8192 : i32
      %add3A_123 = arith.addi %add3A_122, %mul3A_121 : i32
      %swap3A_124 = arith.index_cast %add3A_123 : i32 to index
      %swap3A_125 = tpu.vector_load %arg8[%swap3A_124] {strides = array<i32>} : memref<16384xf32, #tpu.memory_space<vmem>>, vector<16xf32>,
      tpu.vector_store %arg8[%swap3A_124], %gather3A_119 {strides = array<i32>} : memref<16384xf32, #tpu.memory_space<vmem>>, vector<16xf32>,
      %scan3A_126 = arith.constant 2 : i32
      %scan3A_127 = arith.addi %scan3A_104, %scan3A_126 : i32
      %mul3A_128 = arith.constant 16 : i32
      %mul3A_129 = arith.muli %scan3A_127, %mul3A_128 : i32
      %get3A_130 = arith.index_cast %mul3A_129 : i32 to index
      %get3A_131 = tpu.vector_load %arg6[%get3A_130] {strides = array<i32>} : memref<4096xi32, #tpu.memory_space<vmem>>, vector<16xi32>,
      %gather3A_132 = tpu.vector_load_idx %arg5[%get3A_131] : memref<100000xf32, #tpu.memory_space<vmem>>[vector<16xi32>], vector<16xf32>,
      %mul3A_133 = arith.constant 16 : i32
      %mul3A_134 = arith.muli %scan3A_127, %mul3A_133 : i32
      %add3A_135 = arith.constant 8192 : i32
      %add3A_136 = arith.addi %add3A_135, %mul3A_134 : i32
      %swap3A_137 = arith.index_cast %add3A_136 : i32 to index
      %swap3A_138 = tpu.vector_load %arg8[%swap3A_137] {strides = array<i32>} : memref<16384xf32, #tpu.memory_space<vmem>>, vector<16xf32>,
      tpu.vector_store %arg8[%swap3A_137], %gather3A_132 {strides = array<i32>} : memref<16384xf32, #tpu.memory_space<vmem>>, vector<16xf32>,
      %scan3A_139 = arith.constant 3 : i32
      %scan3A_140 = arith.addi %scan3A_104, %scan3A_139 : i32
      %mul3A_141 = arith.constant 16 : i32
      %mul3A_142 = arith.muli %scan3A_140, %mul3A_141 : i32
      %get3A_143 = arith.index_cast %mul3A_142 : i32 to index
      %get3A_144 = tpu.vector_load %arg6[%get3A_143] {strides = array<i32>} : memref<4096xi32, #tpu.memory_space<vmem>>, vector<16xi32>,
      %gather3A_145 = tpu.vector_load_idx %arg5[%get3A_144] : memref<100000xf32, #tpu.memory_space<vmem>>[vector<16xi32>], vector<16xf32>,
      %mul3A_146 = arith.constant 16 : i32
      %mul3A_147 = arith.muli %scan3A_140, %mul3A_146 : i32
      %add3A_148 = arith.constant 8192 : i32
      %add3A_149 = arith.addi %add3A_148, %mul3A_147 : i32
      %swap3A_150 = arith.index_cast %add3A_149 : i32 to index
      %swap3A_151 = tpu.vector_load %arg8[%swap3A_150] {strides = array<i32>} : memref<16384xf32, #tpu.memory_space<vmem>>, vector<16xf32>,
      tpu.vector_store %arg8[%swap3A_150], %gather3A_145 {strides = array<i32>} : memref<16384xf32, #tpu.memory_space<vmem>>, vector<16xf32>,
      %scan3A_152 = arith.constant 4 : i32
      %scan3A_153 = arith.addi %scan3A_104, %scan3A_152 : i32
      %mul3A_154 = arith.constant 16 : i32
      %mul3A_155 = arith.muli %scan3A_153, %mul3A_154 : i32
      %get3A_156 = arith.index_cast %mul3A_155 : i32 to index
      %get3A_157 = tpu.vector_load %arg6[%get3A_156] {strides = array<i32>} : memref<4096xi32, #tpu.memory_space<vmem>>, vector<16xi32>,
      %gather3A_158 = tpu.vector_load_idx %arg5[%get3A_157] : memref<100000xf32, #tpu.memory_space<vmem>>[vector<16xi32>], vector<16xf32>,
      %mul3A_159 = arith.constant 16 : i32
      %mul3A_160 = arith.muli %scan3A_153, %mul3A_159 : i32
      %add3A_161 = arith.constant 8192 : i32
      %add3A_162 = arith.addi %add3A_161, %mul3A_160 : i32
      %swap3A_163 = arith.index_cast %add3A_162 : i32 to index
      %swap3A_164 = tpu.vector_load %arg8[%swap3A_163] {strides = array<i32>} : memref<16384xf32, #tpu.memory_space<vmem>>, vector<16xf32>,
      tpu.vector_store %arg8[%swap3A_163], %gather3A_158 {strides = array<i32>} : memref<16384xf32, #tpu.memory_space<vmem>>, vector<16xf32>,
      %scan3A_165 = arith.constant 5 : i32
      %scan3A_166 = arith.addi %scan3A_104, %scan3A_165 : i32
      %mul3A_167 = arith.constant 16 : i32
      %mul3A_168 = arith.muli %scan3A_166, %mul3A_167 : i32
      %get3A_169 = arith.index_cast %mul3A_168 : i32 to index
      %get3A_170 = tpu.vector_load %arg6[%get3A_169] {strides = array<i32>} : memref<4096xi32, #tpu.memory_space<vmem>>, vector<16xi32>,
      %gather3A_171 = tpu.vector_load_idx %arg5[%get3A_170] : memref<100000xf32, #tpu.memory_space<vmem>>[vector<16xi32>], vector<16xf32>,
      %mul3A_172 = arith.constant 16 : i32
      %mul3A_173 = arith.muli %scan3A_166, %mul3A_172 : i32
      %add3A_174 = arith.constant 8192 : i32
      %add3A_175 = arith.addi %add3A_174, %mul3A_173 : i32
      %swap3A_176 = arith.index_cast %add3A_175 : i32 to index
      %swap3A_177 = tpu.vector_load %arg8[%swap3A_176] {strides = array<i32>} : memref<16384xf32, #tpu.memory_space<vmem>>, vector<16xf32>,
      tpu.vector_store %arg8[%swap3A_176], %gather3A_171 {strides = array<i32>} : memref<16384xf32, #tpu.memory_space<vmem>>, vector<16xf32>,
      %scan3A_178 = arith.constant 6 : i32
      %scan3A_179 = arith.addi %scan3A_104, %scan3A_178 : i32
      %mul3A_180 = arith.constant 16 : i32
      %mul3A_181 = arith.muli %scan3A_179, %mul3A_180 : i32
      %get3A_182 = arith.index_cast %mul3A_181 : i32 to index
      %get3A_183 = tpu.vector_load %arg6[%get3A_182] {strides = array<i32>} : memref<4096xi32, #tpu.memory_space<vmem>>, vector<16xi32>,
      %gather3A_184 = tpu.vector_load_idx %arg5[%get3A_183] : memref<100000xf32, #tpu.memory_space<vmem>>[vector<16xi32>], vector<16xf32>,
      %mul3A_185 = arith.constant 16 : i32
      %mul3A_186 = arith.muli %scan3A_179, %mul3A_185 : i32
      %add3A_187 = arith.constant 8192 : i32
      %add3A_188 = arith.addi %add3A_187, %mul3A_186 : i32
      %swap3A_189 = arith.index_cast %add3A_188 : i32 to index
      %swap3A_190 = tpu.vector_load %arg8[%swap3A_189] {strides = array<i32>} : memref<16384xf32, #tpu.memory_space<vmem>>, vector<16xf32>,
      tpu.vector_store %arg8[%swap3A_189], %gather3A_184 {strides = array<i32>} : memref<16384xf32, #tpu.memory_space<vmem>>, vector<16xf32>,
      %scan3A_191 = arith.constant 7 : i32
      %scan3A_192 = arith.addi %scan3A_104, %scan3A_191 : i32
      %mul3A_193 = arith.constant 16 : i32
      %mul3A_194 = arith.muli %scan3A_192, %mul3A_193 : i32
      %get3A_195 = arith.index_cast %mul3A_194 : i32 to index
      %get3A_196 = tpu.vector_load %arg6[%get3A_195] {strides = array<i32>} : memref<4096xi32, #tpu.memory_space<vmem>>, vector<16xi32>,
      %gather3A_197 = tpu.vector_load_idx %arg5[%get3A_196] : memref<100000xf32, #tpu.memory_space<vmem>>[vector<16xi32>], vector<16xf32>,
      %mul3A_198 = arith.constant 16 : i32
      %mul3A_199 = arith.muli %scan3A_192, %mul3A_198 : i32
      %add3A_200 = arith.constant 8192 : i32
      %add3A_201 = arith.addi %add3A_200, %mul3A_199 : i32
      %swap3A_202 = arith.index_cast %add3A_201 : i32 to index
      %swap3A_203 = tpu.vector_load %arg8[%swap3A_202] {strides = array<i32>} : memref<16384xf32, #tpu.memory_space<vmem>>, vector<16xf32>,
      tpu.vector_store %arg8[%swap3A_202], %gather3A_197 {strides = array<i32>} : memref<16384xf32, #tpu.memory_space<vmem>>, vector<16xf32>,
      %scan3A_204 = arith.constant 8 : i32
      %scan3A_205 = arith.addi %scan3A_104, %scan3A_204 : i32
      %mul3A_206 = arith.constant 16 : i32
      %mul3A_207 = arith.muli %scan3A_205, %mul3A_206 : i32
      %get3A_208 = arith.index_cast %mul3A_207 : i32 to index
      %get3A_209 = tpu.vector_load %arg6[%get3A_208] {strides = array<i32>} : memref<4096xi32, #tpu.memory_space<vmem>>, vector<16xi32>,
      %gather3A_210 = tpu.vector_load_idx %arg5[%get3A_209] : memref<100000xf32, #tpu.memory_space<vmem>>[vector<16xi32>], vector<16xf32>,
      %mul3A_211 = arith.constant 16 : i32
      %mul3A_212 = arith.muli %scan3A_205, %mul3A_211 : i32
      %add3A_213 = arith.constant 8192 : i32
      %add3A_214 = arith.addi %add3A_213, %mul3A_212 : i32
      %swap3A_215 = arith.index_cast %add3A_214 : i32 to index
      %swap3A_216 = tpu.vector_load %arg8[%swap3A_215] {strides = array<i32>} : memref<16384xf32, #tpu.memory_space<vmem>>, vector<16xf32>,
      tpu.vector_store %arg8[%swap3A_215], %gather3A_210 {strides = array<i32>} : memref<16384xf32, #tpu.memory_space<vmem>>, vector<16xf32>,
      %scan3A_217 = arith.constant 9 : i32
      %scan3A_218 = arith.addi %scan3A_104, %scan3A_217 : i32
      %mul3A_219 = arith.constant 16 : i32
      %mul3A_220 = arith.muli %scan3A_218, %mul3A_219 : i32
      %get3A_221 = arith.index_cast %mul3A_220 : i32 to index
      %get3A_222 = tpu.vector_load %arg6[%get3A_221] {strides = array<i32>} : memref<4096xi32, #tpu.memory_space<vmem>>, vector<16xi32>,
      %gather3A_223 = tpu.vector_load_idx %arg5[%get3A_222] : memref<100000xf32, #tpu.memory_space<vmem>>[vector<16xi32>], vector<16xf32>,
      %mul3A_224 = arith.constant 16 : i32
      %mul3A_225 = arith.muli %scan3A_218, %mul3A_224 : i32
      %add3A_226 = arith.constant 8192 : i32
      %add3A_227 = arith.addi %add3A_226, %mul3A_225 : i32
      %swap3A_228 = arith.index_cast %add3A_227 : i32 to index
      %swap3A_229 = tpu.vector_load %arg8[%swap3A_228] {strides = array<i32>} : memref<16384xf32, #tpu.memory_space<vmem>>, vector<16xf32>,
      tpu.vector_store %arg8[%swap3A_228], %gather3A_223 {strides = array<i32>} : memref<16384xf32, #tpu.memory_space<vmem>>, vector<16xf32>,
      %scan3A_230 = arith.constant 10 : i32
      %scan3A_231 = arith.addi %scan3A_104, %scan3A_230 : i32
      %mul3A_232 = arith.constant 16 : i32
      %mul3A_233 = arith.muli %scan3A_231, %mul3A_232 : i32
      %get3A_234 = arith.index_cast %mul3A_233 : i32 to index
      %get3A_235 = tpu.vector_load %arg6[%get3A_234] {strides = array<i32>} : memref<4096xi32, #tpu.memory_space<vmem>>, vector<16xi32>,
      %gather3A_236 = tpu.vector_load_idx %arg5[%get3A_235] : memref<100000xf32, #tpu.memory_space<vmem>>[vector<16xi32>], vector<16xf32>,
      %mul3A_237 = arith.constant 16 : i32
      %mul3A_238 = arith.muli %scan3A_231, %mul3A_237 : i32
      %add3A_239 = arith.constant 8192 : i32
      %add3A_240 = arith.addi %add3A_239, %mul3A_238 : i32
      %swap3A_241 = arith.index_cast %add3A_240 : i32 to index
      %swap3A_242 = tpu.vector_load %arg8[%swap3A_241] {strides = array<i32>} : memref<16384xf32, #tpu.memory_space<vmem>>, vector<16xf32>,
      tpu.vector_store %arg8[%swap3A_241], %gather3A_236 {strides = array<i32>} : memref<16384xf32, #tpu.memory_space<vmem>>, vector<16xf32>,
      %scan3A_243 = arith.constant 11 : i32
      %scan3A_244 = arith.addi %scan3A_104, %scan3A_243 : i32
      %mul3A_245 = arith.constant 16 : i32
      %mul3A_246 = arith.muli %scan3A_244, %mul3A_245 : i32
      %get3A_247 = arith.index_cast %mul3A_246 : i32 to index
      %get3A_248 = tpu.vector_load %arg6[%get3A_247] {strides = array<i32>} : memref<4096xi32, #tpu.memory_space<vmem>>, vector<16xi32>,
      %gather3A_249 = tpu.vector_load_idx %arg5[%get3A_248] : memref<100000xf32, #tpu.memory_space<vmem>>[vector<16xi32>], vector<16xf32>,
      %mul3A_250 = arith.constant 16 : i32
      %mul3A_251 = arith.muli %scan3A_244, %mul3A_250 : i32
      %add3A_252 = arith.constant 8192 : i32
      %add3A_253 = arith.addi %add3A_252, %mul3A_251 : i32
      %swap3A_254 = arith.index_cast %add3A_253 : i32 to index
      %swap3A_255 = tpu.vector_load %arg8[%swap3A_254] {strides = array<i32>} : memref<16384xf32, #tpu.memory_space<vmem>>, vector<16xf32>,
      tpu.vector_store %arg8[%swap3A_254], %gather3A_249 {strides = array<i32>} : memref<16384xf32, #tpu.memory_space<vmem>>, vector<16xf32>,
      %scan3A_256 = arith.constant 12 : i32
      %scan3A_257 = arith.addi %scan3A_104, %scan3A_256 : i32
      %mul3A_258 = arith.constant 16 : i32
      %mul3A_259 = arith.muli %scan3A_257, %mul3A_258 : i32
      %get3A_260 = arith.index_cast %mul3A_259 : i32 to index
      %get3A_261 = tpu.vector_load %arg6[%get3A_260] {strides = array<i32>} : memref<4096xi32, #tpu.memory_space<vmem>>, vector<16xi32>,
      %gather3A_262 = tpu.vector_load_idx %arg5[%get3A_261] : memref<100000xf32, #tpu.memory_space<vmem>>[vector<16xi32>], vector<16xf32>,
      %mul3A_263 = arith.constant 16 : i32
      %mul3A_264 = arith.muli %scan3A_257, %mul3A_263 : i32
      %add3A_265 = arith.constant 8192 : i32
      %add3A_266 = arith.addi %add3A_265, %mul3A_264 : i32
      %swap3A_267 = arith.index_cast %add3A_266 : i32 to index
      %swap3A_268 = tpu.vector_load %arg8[%swap3A_267] {strides = array<i32>} : memref<16384xf32, #tpu.memory_space<vmem>>, vector<16xf32>,
      tpu.vector_store %arg8[%swap3A_267], %gather3A_262 {strides = array<i32>} : memref<16384xf32, #tpu.memory_space<vmem>>, vector<16xf32>,
      %scan3A_269 = arith.constant 13 : i32
      %scan3A_270 = arith.addi %scan3A_104, %scan3A_269 : i32
      %mul3A_271 = arith.constant 16 : i32
      %mul3A_272 = arith.muli %scan3A_270, %mul3A_271 : i32
      %get3A_273 = arith.index_cast %mul3A_272 : i32 to index
      %get3A_274 = tpu.vector_load %arg6[%get3A_273] {strides = array<i32>} : memref<4096xi32, #tpu.memory_space<vmem>>, vector<16xi32>,
      %gather3A_275 = tpu.vector_load_idx %arg5[%get3A_274] : memref<100000xf32, #tpu.memory_space<vmem>>[vector<16xi32>], vector<16xf32>,
      %mul3A_276 = arith.constant 16 : i32
      %mul3A_277 = arith.muli %scan3A_270, %mul3A_276 : i32
      %add3A_278 = arith.constant 8192 : i32
      %add3A_279 = arith.addi %add3A_278, %mul3A_277 : i32
      %swap3A_280 = arith.index_cast %add3A_279 : i32 to index
      %swap3A_281 = tpu.vector_load %arg8[%swap3A_280] {strides = array<i32>} : memref<16384xf32, #tpu.memory_space<vmem>>, vector<16xf32>,
      tpu.vector_store %arg8[%swap3A_280], %gather3A_275 {strides = array<i32>} : memref<16384xf32, #tpu.memory_space<vmem>>, vector<16xf32>,
      %scan3A_282 = arith.constant 14 : i32
      %scan3A_283 = arith.addi %scan3A_104, %scan3A_282 : i32
      %mul3A_284 = arith.constant 16 : i32
      %mul3A_285 = arith.muli %scan3A_283, %mul3A_284 : i32
      %get3A_286 = arith.index_cast %mul3A_285 : i32 to index
      %get3A_287 = tpu.vector_load %arg6[%get3A_286] {strides = array<i32>} : memref<4096xi32, #tpu.memory_space<vmem>>, vector<16xi32>,
      %gather3A_288 = tpu.vector_load_idx %arg5[%get3A_287] : memref<100000xf32, #tpu.memory_space<vmem>>[vector<16xi32>], vector<16xf32>,
      %mul3A_289 = arith.constant 16 : i32
      %mul3A_290 = arith.muli %scan3A_283, %mul3A_289 : i32
      %add3A_291 = arith.constant 8192 : i32
      %add3A_292 = arith.addi %add3A_291, %mul3A_290 : i32
      %swap3A_293 = arith.index_cast %add3A_292 : i32 to index
      %swap3A_294 = tpu.vector_load %arg8[%swap3A_293] {strides = array<i32>} : memref<16384xf32, #tpu.memory_space<vmem>>, vector<16xf32>,
      tpu.vector_store %arg8[%swap3A_293], %gather3A_288 {strides = array<i32>} : memref<16384xf32, #tpu.memory_space<vmem>>, vector<16xf32>,
      %scan3A_295 = arith.constant 15 : i32
      %scan3A_296 = arith.addi %scan3A_104, %scan3A_295 : i32
      %mul3A_297 = arith.constant 16 : i32
      %mul3A_298 = arith.muli %scan3A_296, %mul3A_297 : i32
      %get3A_299 = arith.index_cast %mul3A_298 : i32 to index
      %get3A_300 = tpu.vector_load %arg6[%get3A_299] {strides = array<i32>} : memref<4096xi32, #tpu.memory_space<vmem>>, vector<16xi32>,
      %gather3A_301 = tpu.vector_load_idx %arg5[%get3A_300] : memref<100000xf32, #tpu.memory_space<vmem>>[vector<16xi32>], vector<16xf32>,
      %mul3A_302 = arith.constant 16 : i32
      %mul3A_303 = arith.muli %scan3A_296, %mul3A_302 : i32
      %add3A_304 = arith.constant 8192 : i32
      %add3A_305 = arith.addi %add3A_304, %mul3A_303 : i32
      %swap3A_306 = arith.index_cast %add3A_305 : i32 to index
      %swap3A_307 = tpu.vector_load %arg8[%swap3A_306] {strides = array<i32>} : memref<16384xf32, #tpu.memory_space<vmem>>, vector<16xf32>,
      tpu.vector_store %arg8[%swap3A_306], %gather3A_301 {strides = array<i32>} : memref<16384xf32, #tpu.memory_space<vmem>>, vector<16xf32>,
    }
    %scan3A_78 = arith.constant 256 : i32
    %dma_wait3A_79 = arith.constant 0 : i32
    %dma_wait3A_80 = arith.constant 12288 : i32
    %dma_wait3A_81 = tpu.memref_slice %arg2[%dma_wait3A_79, %dma_wait3A_80] : memref<26x16384xi32, #tpu.memory_space<hbm>> -> memref<1x4096xi32, #tpu.memory_space<hbm>>
    %dma_wait3A_82 = tpu.memref_squeeze %dma_wait3A_81 : memref<1x4096xi32, #tpu.memory_space<hbm>> -> memref<4096xi32, #tpu.memory_space<hbm>>
    %dma_wait3A_83 = arith.constant 12288 : i32
    %dma_wait3A_84 = tpu.memref_slice %arg2[%dma_wait3A_79, %dma_wait3A_83] : memref<26x16384xi32, #tpu.memory_space<hbm>> -> memref<1x4096xi32, #tpu.memory_space<hbm>>
    %dma_wait3A_85 = tpu.memref_squeeze %dma_wait3A_84 : memref<1x4096xi32, #tpu.memory_space<hbm>> -> memref<4096xi32, #tpu.memory_space<hbm>>
    tpu.wait_dma2 semaphore(%arg11 : memref<!tpu.dma_semaphore, #tpu.memory_space<semaphore_mem>>) src(%dma_wait3A_85 : memref<4096xi32, #tpu.memory_space<hbm>>) dst(%arg7 : memref<4096xi32, #tpu.memory_space<vmem>>)
    %scan3A_86 = arith.constant 0 : i32
    %scan3A_87 = arith.constant 0 : i32
    %scan3A_88 = arith.constant 256 : i32
    %scan3A_89 = arith.addi %scan3A_87, %scan3A_88 : i32
    %scan3A_90 = arith.constant 16 : i32
    scf.for %scan3A_104 = %scan3A_87 to %scan3A_89 step %scan3A_90  : i32 {
      %mul3A_105 = arith.constant 16 : i32
      %mul3A_106 = arith.muli %scan3A_104, %mul3A_105 : i32
      %get3A = arith.index_cast %mul3A_106 : i32 to index
      %get3A_107 = tpu.vector_load %arg7[%get3A] {strides = array<i32>} : memref<4096xi32, #tpu.memory_space<vmem>>, vector<16xi32>,
      %gather3A = tpu.vector_load_idx %arg5[%get3A_107] : memref<100000xf32, #tpu.memory_space<vmem>>[vector<16xi32>], vector<16xf32>,
      %mul3A_108 = arith.constant 16 : i32
      %mul3A_109 = arith.muli %scan3A_104, %mul3A_108 : i32
      %add3A_110 = arith.constant 12288 : i32
      %add3A_111 = arith.addi %add3A_110, %mul3A_109 : i32
      %swap3A = arith.index_cast %add3A_111 : i32 to index
      %swap3A_112 = tpu.vector_load %arg8[%swap3A] {strides = array<i32>} : memref<16384xf32, #tpu.memory_space<vmem>>, vector<16xf32>,
      tpu.vector_store %arg8[%swap3A], %gather3A {strides = array<i32>} : memref<16384xf32, #tpu.memory_space<vmem>>, vector<16xf32>,
      %scan3A_113 = arith.constant 1 : i32
      %scan3A_114 = arith.addi %scan3A_104, %scan3A_113 : i32
      %mul3A_115 = arith.constant 16 : i32
      %mul3A_116 = arith.muli %scan3A_114, %mul3A_115 : i32
      %get3A_117 = arith.index_cast %mul3A_116 : i32 to index
      %get3A_118 = tpu.vector_load %arg7[%get3A_117] {strides = array<i32>} : memref<4096xi32, #tpu.memory_space<vmem>>, vector<16xi32>,
      %gather3A_119 = tpu.vector_load_idx %arg5[%get3A_118] : memref<100000xf32, #tpu.memory_space<vmem>>[vector<16xi32>], vector<16xf32>,
      %mul3A_120 = arith.constant 16 : i32
      %mul3A_121 = arith.muli %scan3A_114, %mul3A_120 : i32
      %add3A_122 = arith.constant 12288 : i32
      %add3A_123 = arith.addi %add3A_122, %mul3A_121 : i32
      %swap3A_124 = arith.index_cast %add3A_123 : i32 to index
      %swap3A_125 = tpu.vector_load %arg8[%swap3A_124] {strides = array<i32>} : memref<16384xf32, #tpu.memory_space<vmem>>, vector<16xf32>,
      tpu.vector_store %arg8[%swap3A_124], %gather3A_119 {strides = array<i32>} : memref<16384xf32, #tpu.memory_space<vmem>>, vector<16xf32>,
      %scan3A_126 = arith.constant 2 : i32
      %scan3A_127 = arith.addi %scan3A_104, %scan3A_126 : i32
      %mul3A_128 = arith.constant 16 : i32
      %mul3A_129 = arith.muli %scan3A_127, %mul3A_128 : i32
      %get3A_130 = arith.index_cast %mul3A_129 : i32 to index
      %get3A_131 = tpu.vector_load %arg7[%get3A_130] {strides = array<i32>} : memref<4096xi32, #tpu.memory_space<vmem>>, vector<16xi32>,
      %gather3A_132 = tpu.vector_load_idx %arg5[%get3A_131] : memref<100000xf32, #tpu.memory_space<vmem>>[vector<16xi32>], vector<16xf32>,
      %mul3A_133 = arith.constant 16 : i32
      %mul3A_134 = arith.muli %scan3A_127, %mul3A_133 : i32
      %add3A_135 = arith.constant 12288 : i32
      %add3A_136 = arith.addi %add3A_135, %mul3A_134 : i32
      %swap3A_137 = arith.index_cast %add3A_136 : i32 to index
      %swap3A_138 = tpu.vector_load %arg8[%swap3A_137] {strides = array<i32>} : memref<16384xf32, #tpu.memory_space<vmem>>, vector<16xf32>,
      tpu.vector_store %arg8[%swap3A_137], %gather3A_132 {strides = array<i32>} : memref<16384xf32, #tpu.memory_space<vmem>>, vector<16xf32>,
      %scan3A_139 = arith.constant 3 : i32
      %scan3A_140 = arith.addi %scan3A_104, %scan3A_139 : i32
      %mul3A_141 = arith.constant 16 : i32
      %mul3A_142 = arith.muli %scan3A_140, %mul3A_141 : i32
      %get3A_143 = arith.index_cast %mul3A_142 : i32 to index
      %get3A_144 = tpu.vector_load %arg7[%get3A_143] {strides = array<i32>} : memref<4096xi32, #tpu.memory_space<vmem>>, vector<16xi32>,
      %gather3A_145 = tpu.vector_load_idx %arg5[%get3A_144] : memref<100000xf32, #tpu.memory_space<vmem>>[vector<16xi32>], vector<16xf32>,
      %mul3A_146 = arith.constant 16 : i32
      %mul3A_147 = arith.muli %scan3A_140, %mul3A_146 : i32
      %add3A_148 = arith.constant 12288 : i32
      %add3A_149 = arith.addi %add3A_148, %mul3A_147 : i32
      %swap3A_150 = arith.index_cast %add3A_149 : i32 to index
      %swap3A_151 = tpu.vector_load %arg8[%swap3A_150] {strides = array<i32>} : memref<16384xf32, #tpu.memory_space<vmem>>, vector<16xf32>,
      tpu.vector_store %arg8[%swap3A_150], %gather3A_145 {strides = array<i32>} : memref<16384xf32, #tpu.memory_space<vmem>>, vector<16xf32>,
      %scan3A_152 = arith.constant 4 : i32
      %scan3A_153 = arith.addi %scan3A_104, %scan3A_152 : i32
      %mul3A_154 = arith.constant 16 : i32
      %mul3A_155 = arith.muli %scan3A_153, %mul3A_154 : i32
      %get3A_156 = arith.index_cast %mul3A_155 : i32 to index
      %get3A_157 = tpu.vector_load %arg7[%get3A_156] {strides = array<i32>} : memref<4096xi32, #tpu.memory_space<vmem>>, vector<16xi32>,
      %gather3A_158 = tpu.vector_load_idx %arg5[%get3A_157] : memref<100000xf32, #tpu.memory_space<vmem>>[vector<16xi32>], vector<16xf32>,
      %mul3A_159 = arith.constant 16 : i32
      %mul3A_160 = arith.muli %scan3A_153, %mul3A_159 : i32
      %add3A_161 = arith.constant 12288 : i32
      %add3A_162 = arith.addi %add3A_161, %mul3A_160 : i32
      %swap3A_163 = arith.index_cast %add3A_162 : i32 to index
      %swap3A_164 = tpu.vector_load %arg8[%swap3A_163] {strides = array<i32>} : memref<16384xf32, #tpu.memory_space<vmem>>, vector<16xf32>,
      tpu.vector_store %arg8[%swap3A_163], %gather3A_158 {strides = array<i32>} : memref<16384xf32, #tpu.memory_space<vmem>>, vector<16xf32>,
      %scan3A_165 = arith.constant 5 : i32
      %scan3A_166 = arith.addi %scan3A_104, %scan3A_165 : i32
      %mul3A_167 = arith.constant 16 : i32
      %mul3A_168 = arith.muli %scan3A_166, %mul3A_167 : i32
      %get3A_169 = arith.index_cast %mul3A_168 : i32 to index
      %get3A_170 = tpu.vector_load %arg7[%get3A_169] {strides = array<i32>} : memref<4096xi32, #tpu.memory_space<vmem>>, vector<16xi32>,
      %gather3A_171 = tpu.vector_load_idx %arg5[%get3A_170] : memref<100000xf32, #tpu.memory_space<vmem>>[vector<16xi32>], vector<16xf32>,
      %mul3A_172 = arith.constant 16 : i32
      %mul3A_173 = arith.muli %scan3A_166, %mul3A_172 : i32
      %add3A_174 = arith.constant 12288 : i32
      %add3A_175 = arith.addi %add3A_174, %mul3A_173 : i32
      %swap3A_176 = arith.index_cast %add3A_175 : i32 to index
      %swap3A_177 = tpu.vector_load %arg8[%swap3A_176] {strides = array<i32>} : memref<16384xf32, #tpu.memory_space<vmem>>, vector<16xf32>,
      tpu.vector_store %arg8[%swap3A_176], %gather3A_171 {strides = array<i32>} : memref<16384xf32, #tpu.memory_space<vmem>>, vector<16xf32>,
      %scan3A_178 = arith.constant 6 : i32
      %scan3A_179 = arith.addi %scan3A_104, %scan3A_178 : i32
      %mul3A_180 = arith.constant 16 : i32
      %mul3A_181 = arith.muli %scan3A_179, %mul3A_180 : i32
      %get3A_182 = arith.index_cast %mul3A_181 : i32 to index
      %get3A_183 = tpu.vector_load %arg7[%get3A_182] {strides = array<i32>} : memref<4096xi32, #tpu.memory_space<vmem>>, vector<16xi32>,
      %gather3A_184 = tpu.vector_load_idx %arg5[%get3A_183] : memref<100000xf32, #tpu.memory_space<vmem>>[vector<16xi32>], vector<16xf32>,
      %mul3A_185 = arith.constant 16 : i32
      %mul3A_186 = arith.muli %scan3A_179, %mul3A_185 : i32
      %add3A_187 = arith.constant 12288 : i32
      %add3A_188 = arith.addi %add3A_187, %mul3A_186 : i32
      %swap3A_189 = arith.index_cast %add3A_188 : i32 to index
      %swap3A_190 = tpu.vector_load %arg8[%swap3A_189] {strides = array<i32>} : memref<16384xf32, #tpu.memory_space<vmem>>, vector<16xf32>,
      tpu.vector_store %arg8[%swap3A_189], %gather3A_184 {strides = array<i32>} : memref<16384xf32, #tpu.memory_space<vmem>>, vector<16xf32>,
      %scan3A_191 = arith.constant 7 : i32
      %scan3A_192 = arith.addi %scan3A_104, %scan3A_191 : i32
      %mul3A_193 = arith.constant 16 : i32
      %mul3A_194 = arith.muli %scan3A_192, %mul3A_193 : i32
      %get3A_195 = arith.index_cast %mul3A_194 : i32 to index
      %get3A_196 = tpu.vector_load %arg7[%get3A_195] {strides = array<i32>} : memref<4096xi32, #tpu.memory_space<vmem>>, vector<16xi32>,
      %gather3A_197 = tpu.vector_load_idx %arg5[%get3A_196] : memref<100000xf32, #tpu.memory_space<vmem>>[vector<16xi32>], vector<16xf32>,
      %mul3A_198 = arith.constant 16 : i32
      %mul3A_199 = arith.muli %scan3A_192, %mul3A_198 : i32
      %add3A_200 = arith.constant 12288 : i32
      %add3A_201 = arith.addi %add3A_200, %mul3A_199 : i32
      %swap3A_202 = arith.index_cast %add3A_201 : i32 to index
      %swap3A_203 = tpu.vector_load %arg8[%swap3A_202] {strides = array<i32>} : memref<16384xf32, #tpu.memory_space<vmem>>, vector<16xf32>,
      tpu.vector_store %arg8[%swap3A_202], %gather3A_197 {strides = array<i32>} : memref<16384xf32, #tpu.memory_space<vmem>>, vector<16xf32>,
      %scan3A_204 = arith.constant 8 : i32
      %scan3A_205 = arith.addi %scan3A_104, %scan3A_204 : i32
      %mul3A_206 = arith.constant 16 : i32
      %mul3A_207 = arith.muli %scan3A_205, %mul3A_206 : i32
      %get3A_208 = arith.index_cast %mul3A_207 : i32 to index
      %get3A_209 = tpu.vector_load %arg7[%get3A_208] {strides = array<i32>} : memref<4096xi32, #tpu.memory_space<vmem>>, vector<16xi32>,
      %gather3A_210 = tpu.vector_load_idx %arg5[%get3A_209] : memref<100000xf32, #tpu.memory_space<vmem>>[vector<16xi32>], vector<16xf32>,
      %mul3A_211 = arith.constant 16 : i32
      %mul3A_212 = arith.muli %scan3A_205, %mul3A_211 : i32
      %add3A_213 = arith.constant 12288 : i32
      %add3A_214 = arith.addi %add3A_213, %mul3A_212 : i32
      %swap3A_215 = arith.index_cast %add3A_214 : i32 to index
      %swap3A_216 = tpu.vector_load %arg8[%swap3A_215] {strides = array<i32>} : memref<16384xf32, #tpu.memory_space<vmem>>, vector<16xf32>,
      tpu.vector_store %arg8[%swap3A_215], %gather3A_210 {strides = array<i32>} : memref<16384xf32, #tpu.memory_space<vmem>>, vector<16xf32>,
      %scan3A_217 = arith.constant 9 : i32
      %scan3A_218 = arith.addi %scan3A_104, %scan3A_217 : i32
      %mul3A_219 = arith.constant 16 : i32
      %mul3A_220 = arith.muli %scan3A_218, %mul3A_219 : i32
      %get3A_221 = arith.index_cast %mul3A_220 : i32 to index
      %get3A_222 = tpu.vector_load %arg7[%get3A_221] {strides = array<i32>} : memref<4096xi32, #tpu.memory_space<vmem>>, vector<16xi32>,
      %gather3A_223 = tpu.vector_load_idx %arg5[%get3A_222] : memref<100000xf32, #tpu.memory_space<vmem>>[vector<16xi32>], vector<16xf32>,
      %mul3A_224 = arith.constant 16 : i32
      %mul3A_225 = arith.muli %scan3A_218, %mul3A_224 : i32
      %add3A_226 = arith.constant 12288 : i32
      %add3A_227 = arith.addi %add3A_226, %mul3A_225 : i32
      %swap3A_228 = arith.index_cast %add3A_227 : i32 to index
      %swap3A_229 = tpu.vector_load %arg8[%swap3A_228] {strides = array<i32>} : memref<16384xf32, #tpu.memory_space<vmem>>, vector<16xf32>,
      tpu.vector_store %arg8[%swap3A_228], %gather3A_223 {strides = array<i32>} : memref<16384xf32, #tpu.memory_space<vmem>>, vector<16xf32>,
      %scan3A_230 = arith.constant 10 : i32
      %scan3A_231 = arith.addi %scan3A_104, %scan3A_230 : i32
      %mul3A_232 = arith.constant 16 : i32
      %mul3A_233 = arith.muli %scan3A_231, %mul3A_232 : i32
      %get3A_234 = arith.index_cast %mul3A_233 : i32 to index
      %get3A_235 = tpu.vector_load %arg7[%get3A_234] {strides = array<i32>} : memref<4096xi32, #tpu.memory_space<vmem>>, vector<16xi32>,
      %gather3A_236 = tpu.vector_load_idx %arg5[%get3A_235] : memref<100000xf32, #tpu.memory_space<vmem>>[vector<16xi32>], vector<16xf32>,
      %mul3A_237 = arith.constant 16 : i32
      %mul3A_238 = arith.muli %scan3A_231, %mul3A_237 : i32
      %add3A_239 = arith.constant 12288 : i32
      %add3A_240 = arith.addi %add3A_239, %mul3A_238 : i32
      %swap3A_241 = arith.index_cast %add3A_240 : i32 to index
      %swap3A_242 = tpu.vector_load %arg8[%swap3A_241] {strides = array<i32>} : memref<16384xf32, #tpu.memory_space<vmem>>, vector<16xf32>,
      tpu.vector_store %arg8[%swap3A_241], %gather3A_236 {strides = array<i32>} : memref<16384xf32, #tpu.memory_space<vmem>>, vector<16xf32>,
      %scan3A_243 = arith.constant 11 : i32
      %scan3A_244 = arith.addi %scan3A_104, %scan3A_243 : i32
      %mul3A_245 = arith.constant 16 : i32
      %mul3A_246 = arith.muli %scan3A_244, %mul3A_245 : i32
      %get3A_247 = arith.index_cast %mul3A_246 : i32 to index
      %get3A_248 = tpu.vector_load %arg7[%get3A_247] {strides = array<i32>} : memref<4096xi32, #tpu.memory_space<vmem>>, vector<16xi32>,
      %gather3A_249 = tpu.vector_load_idx %arg5[%get3A_248] : memref<100000xf32, #tpu.memory_space<vmem>>[vector<16xi32>], vector<16xf32>,
      %mul3A_250 = arith.constant 16 : i32
      %mul3A_251 = arith.muli %scan3A_244, %mul3A_250 : i32
      %add3A_252 = arith.constant 12288 : i32
      %add3A_253 = arith.addi %add3A_252, %mul3A_251 : i32
      %swap3A_254 = arith.index_cast %add3A_253 : i32 to index
      %swap3A_255 = tpu.vector_load %arg8[%swap3A_254] {strides = array<i32>} : memref<16384xf32, #tpu.memory_space<vmem>>, vector<16xf32>,
      tpu.vector_store %arg8[%swap3A_254], %gather3A_249 {strides = array<i32>} : memref<16384xf32, #tpu.memory_space<vmem>>, vector<16xf32>,
      %scan3A_256 = arith.constant 12 : i32
      %scan3A_257 = arith.addi %scan3A_104, %scan3A_256 : i32
      %mul3A_258 = arith.constant 16 : i32
      %mul3A_259 = arith.muli %scan3A_257, %mul3A_258 : i32
      %get3A_260 = arith.index_cast %mul3A_259 : i32 to index
      %get3A_261 = tpu.vector_load %arg7[%get3A_260] {strides = array<i32>} : memref<4096xi32, #tpu.memory_space<vmem>>, vector<16xi32>,
      %gather3A_262 = tpu.vector_load_idx %arg5[%get3A_261] : memref<100000xf32, #tpu.memory_space<vmem>>[vector<16xi32>], vector<16xf32>,
      %mul3A_263 = arith.constant 16 : i32
      %mul3A_264 = arith.muli %scan3A_257, %mul3A_263 : i32
      %add3A_265 = arith.constant 12288 : i32
      %add3A_266 = arith.addi %add3A_265, %mul3A_264 : i32
      %swap3A_267 = arith.index_cast %add3A_266 : i32 to index
      %swap3A_268 = tpu.vector_load %arg8[%swap3A_267] {strides = array<i32>} : memref<16384xf32, #tpu.memory_space<vmem>>, vector<16xf32>,
      tpu.vector_store %arg8[%swap3A_267], %gather3A_262 {strides = array<i32>} : memref<16384xf32, #tpu.memory_space<vmem>>, vector<16xf32>,
      %scan3A_269 = arith.constant 13 : i32
      %scan3A_270 = arith.addi %scan3A_104, %scan3A_269 : i32
      %mul3A_271 = arith.constant 16 : i32
      %mul3A_272 = arith.muli %scan3A_270, %mul3A_271 : i32
      %get3A_273 = arith.index_cast %mul3A_272 : i32 to index
      %get3A_274 = tpu.vector_load %arg7[%get3A_273] {strides = array<i32>} : memref<4096xi32, #tpu.memory_space<vmem>>, vector<16xi32>,
      %gather3A_275 = tpu.vector_load_idx %arg5[%get3A_274] : memref<100000xf32, #tpu.memory_space<vmem>>[vector<16xi32>], vector<16xf32>,
      %mul3A_276 = arith.constant 16 : i32
      %mul3A_277 = arith.muli %scan3A_270, %mul3A_276 : i32
      %add3A_278 = arith.constant 12288 : i32
      %add3A_279 = arith.addi %add3A_278, %mul3A_277 : i32
      %swap3A_280 = arith.index_cast %add3A_279 : i32 to index
      %swap3A_281 = tpu.vector_load %arg8[%swap3A_280] {strides = array<i32>} : memref<16384xf32, #tpu.memory_space<vmem>>, vector<16xf32>,
      tpu.vector_store %arg8[%swap3A_280], %gather3A_275 {strides = array<i32>} : memref<16384xf32, #tpu.memory_space<vmem>>, vector<16xf32>,
      %scan3A_282 = arith.constant 14 : i32
      %scan3A_283 = arith.addi %scan3A_104, %scan3A_282 : i32
      %mul3A_284 = arith.constant 16 : i32
      %mul3A_285 = arith.muli %scan3A_283, %mul3A_284 : i32
      %get3A_286 = arith.index_cast %mul3A_285 : i32 to index
      %get3A_287 = tpu.vector_load %arg7[%get3A_286] {strides = array<i32>} : memref<4096xi32, #tpu.memory_space<vmem>>, vector<16xi32>,
      %gather3A_288 = tpu.vector_load_idx %arg5[%get3A_287] : memref<100000xf32, #tpu.memory_space<vmem>>[vector<16xi32>], vector<16xf32>,
      %mul3A_289 = arith.constant 16 : i32
      %mul3A_290 = arith.muli %scan3A_283, %mul3A_289 : i32
      %add3A_291 = arith.constant 12288 : i32
      %add3A_292 = arith.addi %add3A_291, %mul3A_290 : i32
      %swap3A_293 = arith.index_cast %add3A_292 : i32 to index
      %swap3A_294 = tpu.vector_load %arg8[%swap3A_293] {strides = array<i32>} : memref<16384xf32, #tpu.memory_space<vmem>>, vector<16xf32>,
      tpu.vector_store %arg8[%swap3A_293], %gather3A_288 {strides = array<i32>} : memref<16384xf32, #tpu.memory_space<vmem>>, vector<16xf32>,
      %scan3A_295 = arith.constant 15 : i32
      %scan3A_296 = arith.addi %scan3A_104, %scan3A_295 : i32
      %mul3A_297 = arith.constant 16 : i32
      %mul3A_298 = arith.muli %scan3A_296, %mul3A_297 : i32
      %get3A_299 = arith.index_cast %mul3A_298 : i32 to index
      %get3A_300 = tpu.vector_load %arg7[%get3A_299] {strides = array<i32>} : memref<4096xi32, #tpu.memory_space<vmem>>, vector<16xi32>,
      %gather3A_301 = tpu.vector_load_idx %arg5[%get3A_300] : memref<100000xf32, #tpu.memory_space<vmem>>[vector<16xi32>], vector<16xf32>,
      %mul3A_302 = arith.constant 16 : i32
      %mul3A_303 = arith.muli %scan3A_296, %mul3A_302 : i32
      %add3A_304 = arith.constant 12288 : i32
      %add3A_305 = arith.addi %add3A_304, %mul3A_303 : i32
      %swap3A_306 = arith.index_cast %add3A_305 : i32 to index
      %swap3A_307 = tpu.vector_load %arg8[%swap3A_306] {strides = array<i32>} : memref<16384xf32, #tpu.memory_space<vmem>>, vector<16xf32>,
      tpu.vector_store %arg8[%swap3A_306], %gather3A_301 {strides = array<i32>} : memref<16384xf32, #tpu.memory_space<vmem>>, vector<16xf32>,
    }
    %scan3A_91 = arith.constant 256 : i32
    %scan3A_92 = arith.constant 0 : i32
    %scan3A_93 = arith.constant 1 : i32
    %scan3A_94 = arith.constant 25 : i32
    %scan3A_95 = arith.addi %scan3A_93, %scan3A_94 : i32
    %scan3A_96 = arith.constant 1 : i32
    scf.for %scan3A_104 = %scan3A_93 to %scan3A_95 step %scan3A_96  : i32 {
      %dma_start3A_105 = arith.constant 0 : i32
      %dma_start3A_106 = tpu.memref_slice %arg3[%scan3A_104, %add3A, %dma_start3A_105] : memref<26x32x100000xf32, #tpu.memory_space<hbm>> -> memref<1x1x100000xf32, #tpu.memory_space<hbm>>
      %dma_start3A_107 = tpu.memref_squeeze %dma_start3A_106 : memref<1x1x100000xf32, #tpu.memory_space<hbm>> -> memref<100000xf32, #tpu.memory_space<hbm>>
      %dma_start3A_108 = arith.constant 0 : i32
      %dma_start3A_109 = tpu.memref_slice %arg3[%scan3A_104, %add3A, %dma_start3A_108] : memref<26x32x100000xf32, #tpu.memory_space<hbm>> -> memref<1x1x100000xf32, #tpu.memory_space<hbm>>
      %dma_start3A_110 = tpu.memref_squeeze %dma_start3A_109 : memref<1x1x100000xf32, #tpu.memory_space<hbm>> -> memref<100000xf32, #tpu.memory_space<hbm>>
      tpu.enqueue_dma source(%dma_start3A_110 : memref<100000xf32, #tpu.memory_space<hbm>>) target(%arg5 : memref<100000xf32, #tpu.memory_space<vmem>>) target_semaphore(%arg9 : memref<!tpu.dma_semaphore, #tpu.memory_space<semaphore_mem>>)
      %dma_start3A_111 = arith.constant 0 : i32
      %dma_start3A_112 = tpu.memref_slice %arg2[%scan3A_104, %dma_start3A_111] : memref<26x16384xi32, #tpu.memory_space<hbm>> -> memref<1x4096xi32, #tpu.memory_space<hbm>>
      %dma_start3A_113 = tpu.memref_squeeze %dma_start3A_112 : memref<1x4096xi32, #tpu.memory_space<hbm>> -> memref<4096xi32, #tpu.memory_space<hbm>>
      %dma_start3A_114 = arith.constant 0 : i32
      %dma_start3A_115 = tpu.memref_slice %arg2[%scan3A_104, %dma_start3A_114] : memref<26x16384xi32, #tpu.memory_space<hbm>> -> memref<1x4096xi32, #tpu.memory_space<hbm>>
      %dma_start3A_116 = tpu.memref_squeeze %dma_start3A_115 : memref<1x4096xi32, #tpu.memory_space<hbm>> -> memref<4096xi32, #tpu.memory_space<hbm>>
      tpu.enqueue_dma source(%dma_start3A_116 : memref<4096xi32, #tpu.memory_space<hbm>>) target(%arg6 : memref<4096xi32, #tpu.memory_space<vmem>>) target_semaphore(%arg10 : memref<!tpu.dma_semaphore, #tpu.memory_space<semaphore_mem>>)
      %dma_wait3A_117 = arith.constant 0 : i32
      %dma_wait3A_118 = tpu.memref_slice %arg3[%scan3A_104, %add3A, %dma_wait3A_117] : memref<26x32x100000xf32, #tpu.memory_space<hbm>> -> memref<1x1x100000xf32, #tpu.memory_space<hbm>>
      %dma_wait3A_119 = tpu.memref_squeeze %dma_wait3A_118 : memref<1x1x100000xf32, #tpu.memory_space<hbm>> -> memref<100000xf32, #tpu.memory_space<hbm>>
      %dma_wait3A_120 = arith.constant 0 : i32
      %dma_wait3A_121 = tpu.memref_slice %arg3[%scan3A_104, %add3A, %dma_wait3A_120] : memref<26x32x100000xf32, #tpu.memory_space<hbm>> -> memref<1x1x100000xf32, #tpu.memory_space<hbm>>
      %dma_wait3A_122 = tpu.memref_squeeze %dma_wait3A_121 : memref<1x1x100000xf32, #tpu.memory_space<hbm>> -> memref<100000xf32, #tpu.memory_space<hbm>>
      tpu.wait_dma2 semaphore(%arg9 : memref<!tpu.dma_semaphore, #tpu.memory_space<semaphore_mem>>) src(%dma_wait3A_122 : memref<100000xf32, #tpu.memory_space<hbm>>) dst(%arg5 : memref<100000xf32, #tpu.memory_space<vmem>>)
      %dma_wait3A_123 = arith.constant 0 : i32
      %dma_wait3A_124 = tpu.memref_slice %arg2[%scan3A_104, %dma_wait3A_123] : memref<26x16384xi32, #tpu.memory_space<hbm>> -> memref<1x4096xi32, #tpu.memory_space<hbm>>
      %dma_wait3A_125 = tpu.memref_squeeze %dma_wait3A_124 : memref<1x4096xi32, #tpu.memory_space<hbm>> -> memref<4096xi32, #tpu.memory_space<hbm>>
      %dma_wait3A_126 = arith.constant 0 : i32
      %dma_wait3A_127 = tpu.memref_slice %arg2[%scan3A_104, %dma_wait3A_126] : memref<26x16384xi32, #tpu.memory_space<hbm>> -> memref<1x4096xi32, #tpu.memory_space<hbm>>
      %dma_wait3A_128 = tpu.memref_squeeze %dma_wait3A_127 : memref<1x4096xi32, #tpu.memory_space<hbm>> -> memref<4096xi32, #tpu.memory_space<hbm>>
      tpu.wait_dma2 semaphore(%arg10 : memref<!tpu.dma_semaphore, #tpu.memory_space<semaphore_mem>>) src(%dma_wait3A_128 : memref<4096xi32, #tpu.memory_space<hbm>>) dst(%arg6 : memref<4096xi32, #tpu.memory_space<vmem>>)
      %dma_start3A_129 = arith.constant 4096 : i32
      %dma_start3A_130 = tpu.memref_slice %arg2[%scan3A_104, %dma_start3A_129] : memref<26x16384xi32, #tpu.memory_space<hbm>> -> memref<1x4096xi32, #tpu.memory_space<hbm>>
      %dma_start3A_131 = tpu.memref_squeeze %dma_start3A_130 : memref<1x4096xi32, #tpu.memory_space<hbm>> -> memref<4096xi32, #tpu.memory_space<hbm>>
      %dma_start3A_132 = arith.constant 4096 : i32
      %dma_start3A_133 = tpu.memref_slice %arg2[%scan3A_104, %dma_start3A_132] : memref<26x16384xi32, #tpu.memory_space<hbm>> -> memref<1x4096xi32, #tpu.memory_space<hbm>>
      %dma_start3A_134 = tpu.memref_squeeze %dma_start3A_133 : memref<1x4096xi32, #tpu.memory_space<hbm>> -> memref<4096xi32, #tpu.memory_space<hbm>>
      tpu.enqueue_dma source(%dma_start3A_134 : memref<4096xi32, #tpu.memory_space<hbm>>) target(%arg7 : memref<4096xi32, #tpu.memory_space<vmem>>) target_semaphore(%arg11 : memref<!tpu.dma_semaphore, #tpu.memory_space<semaphore_mem>>)
      %scan3A_135 = arith.constant 0 : i32
      %scan3A_136 = arith.constant 0 : i32
      %scan3A_137 = arith.constant 256 : i32
      %scan3A_138 = arith.addi %scan3A_136, %scan3A_137 : i32
      %scan3A_139 = arith.constant 16 : i32
      scf.for %scan3A_189 = %scan3A_136 to %scan3A_138 step %scan3A_139  : i32 {
        %mul3A_190 = arith.constant 16 : i32
        %mul3A_191 = arith.muli %scan3A_189, %mul3A_190 : i32
        %get3A = arith.index_cast %mul3A_191 : i32 to index
        %get3A_192 = tpu.vector_load %arg6[%get3A] {strides = array<i32>} : memref<4096xi32, #tpu.memory_space<vmem>>, vector<16xi32>,
        %gather3A = tpu.vector_load_idx %arg5[%get3A_192] : memref<100000xf32, #tpu.memory_space<vmem>>[vector<16xi32>], vector<16xf32>,
        %mul3A_193 = arith.constant 16 : i32
        %mul3A_194 = arith.muli %scan3A_189, %mul3A_193 : i32
        %add3A_195 = arith.constant 0 : i32
        %add3A_196 = arith.addi %add3A_195, %mul3A_194 : i32
        %swap3A = arith.index_cast %add3A_196 : i32 to index
        %swap3A_197 = tpu.vector_load %arg8[%swap3A] {strides = array<i32>} : memref<16384xf32, #tpu.memory_space<vmem>>, vector<16xf32>,
        tpu.vector_store %arg8[%swap3A], %gather3A {add = true, strides = array<i32>} : memref<16384xf32, #tpu.memory_space<vmem>>, vector<16xf32>,
        %scan3A_198 = arith.constant 1 : i32
        %scan3A_199 = arith.addi %scan3A_189, %scan3A_198 : i32
        %mul3A_200 = arith.constant 16 : i32
        %mul3A_201 = arith.muli %scan3A_199, %mul3A_200 : i32
        %get3A_202 = arith.index_cast %mul3A_201 : i32 to index
        %get3A_203 = tpu.vector_load %arg6[%get3A_202] {strides = array<i32>} : memref<4096xi32, #tpu.memory_space<vmem>>, vector<16xi32>,
        %gather3A_204 = tpu.vector_load_idx %arg5[%get3A_203] : memref<100000xf32, #tpu.memory_space<vmem>>[vector<16xi32>], vector<16xf32>,
        %mul3A_205 = arith.constant 16 : i32
        %mul3A_206 = arith.muli %scan3A_199, %mul3A_205 : i32
        %add3A_207 = arith.constant 0 : i32
        %add3A_208 = arith.addi %add3A_207, %mul3A_206 : i32
        %swap3A_209 = arith.index_cast %add3A_208 : i32 to index
        %swap3A_210 = tpu.vector_load %arg8[%swap3A_209] {strides = array<i32>} : memref<16384xf32, #tpu.memory_space<vmem>>, vector<16xf32>,
        tpu.vector_store %arg8[%swap3A_209], %gather3A_204 {add = true, strides = array<i32>} : memref<16384xf32, #tpu.memory_space<vmem>>, vector<16xf32>,
        %scan3A_211 = arith.constant 2 : i32
        %scan3A_212 = arith.addi %scan3A_189, %scan3A_211 : i32
        %mul3A_213 = arith.constant 16 : i32
        %mul3A_214 = arith.muli %scan3A_212, %mul3A_213 : i32
        %get3A_215 = arith.index_cast %mul3A_214 : i32 to index
        %get3A_216 = tpu.vector_load %arg6[%get3A_215] {strides = array<i32>} : memref<4096xi32, #tpu.memory_space<vmem>>, vector<16xi32>,
        %gather3A_217 = tpu.vector_load_idx %arg5[%get3A_216] : memref<100000xf32, #tpu.memory_space<vmem>>[vector<16xi32>], vector<16xf32>,
        %mul3A_218 = arith.constant 16 : i32
        %mul3A_219 = arith.muli %scan3A_212, %mul3A_218 : i32
        %add3A_220 = arith.constant 0 : i32
        %add3A_221 = arith.addi %add3A_220, %mul3A_219 : i32
        %swap3A_222 = arith.index_cast %add3A_221 : i32 to index
        %swap3A_223 = tpu.vector_load %arg8[%swap3A_222] {strides = array<i32>} : memref<16384xf32, #tpu.memory_space<vmem>>, vector<16xf32>,
        tpu.vector_store %arg8[%swap3A_222], %gather3A_217 {add = true, strides = array<i32>} : memref<16384xf32, #tpu.memory_space<vmem>>, vector<16xf32>,
        %scan3A_224 = arith.constant 3 : i32
        %scan3A_225 = arith.addi %scan3A_189, %scan3A_224 : i32
        %mul3A_226 = arith.constant 16 : i32
        %mul3A_227 = arith.muli %scan3A_225, %mul3A_226 : i32
        %get3A_228 = arith.index_cast %mul3A_227 : i32 to index
        %get3A_229 = tpu.vector_load %arg6[%get3A_228] {strides = array<i32>} : memref<4096xi32, #tpu.memory_space<vmem>>, vector<16xi32>,
        %gather3A_230 = tpu.vector_load_idx %arg5[%get3A_229] : memref<100000xf32, #tpu.memory_space<vmem>>[vector<16xi32>], vector<16xf32>,
        %mul3A_231 = arith.constant 16 : i32
        %mul3A_232 = arith.muli %scan3A_225, %mul3A_231 : i32
        %add3A_233 = arith.constant 0 : i32
        %add3A_234 = arith.addi %add3A_233, %mul3A_232 : i32
        %swap3A_235 = arith.index_cast %add3A_234 : i32 to index
        %swap3A_236 = tpu.vector_load %arg8[%swap3A_235] {strides = array<i32>} : memref<16384xf32, #tpu.memory_space<vmem>>, vector<16xf32>,
        tpu.vector_store %arg8[%swap3A_235], %gather3A_230 {add = true, strides = array<i32>} : memref<16384xf32, #tpu.memory_space<vmem>>, vector<16xf32>,
        %scan3A_237 = arith.constant 4 : i32
        %scan3A_238 = arith.addi %scan3A_189, %scan3A_237 : i32
        %mul3A_239 = arith.constant 16 : i32
        %mul3A_240 = arith.muli %scan3A_238, %mul3A_239 : i32
        %get3A_241 = arith.index_cast %mul3A_240 : i32 to index
        %get3A_242 = tpu.vector_load %arg6[%get3A_241] {strides = array<i32>} : memref<4096xi32, #tpu.memory_space<vmem>>, vector<16xi32>,
        %gather3A_243 = tpu.vector_load_idx %arg5[%get3A_242] : memref<100000xf32, #tpu.memory_space<vmem>>[vector<16xi32>], vector<16xf32>,
        %mul3A_244 = arith.constant 16 : i32
        %mul3A_245 = arith.muli %scan3A_238, %mul3A_244 : i32
        %add3A_246 = arith.constant 0 : i32
        %add3A_247 = arith.addi %add3A_246, %mul3A_245 : i32
        %swap3A_248 = arith.index_cast %add3A_247 : i32 to index
        %swap3A_249 = tpu.vector_load %arg8[%swap3A_248] {strides = array<i32>} : memref<16384xf32, #tpu.memory_space<vmem>>, vector<16xf32>,
        tpu.vector_store %arg8[%swap3A_248], %gather3A_243 {add = true, strides = array<i32>} : memref<16384xf32, #tpu.memory_space<vmem>>, vector<16xf32>,
        %scan3A_250 = arith.constant 5 : i32
        %scan3A_251 = arith.addi %scan3A_189, %scan3A_250 : i32
        %mul3A_252 = arith.constant 16 : i32
        %mul3A_253 = arith.muli %scan3A_251, %mul3A_252 : i32
        %get3A_254 = arith.index_cast %mul3A_253 : i32 to index
        %get3A_255 = tpu.vector_load %arg6[%get3A_254] {strides = array<i32>} : memref<4096xi32, #tpu.memory_space<vmem>>, vector<16xi32>,
        %gather3A_256 = tpu.vector_load_idx %arg5[%get3A_255] : memref<100000xf32, #tpu.memory_space<vmem>>[vector<16xi32>], vector<16xf32>,
        %mul3A_257 = arith.constant 16 : i32
        %mul3A_258 = arith.muli %scan3A_251, %mul3A_257 : i32
        %add3A_259 = arith.constant 0 : i32
        %add3A_260 = arith.addi %add3A_259, %mul3A_258 : i32
        %swap3A_261 = arith.index_cast %add3A_260 : i32 to index
        %swap3A_262 = tpu.vector_load %arg8[%swap3A_261] {strides = array<i32>} : memref<16384xf32, #tpu.memory_space<vmem>>, vector<16xf32>,
        tpu.vector_store %arg8[%swap3A_261], %gather3A_256 {add = true, strides = array<i32>} : memref<16384xf32, #tpu.memory_space<vmem>>, vector<16xf32>,
        %scan3A_263 = arith.constant 6 : i32
        %scan3A_264 = arith.addi %scan3A_189, %scan3A_263 : i32
        %mul3A_265 = arith.constant 16 : i32
        %mul3A_266 = arith.muli %scan3A_264, %mul3A_265 : i32
        %get3A_267 = arith.index_cast %mul3A_266 : i32 to index
        %get3A_268 = tpu.vector_load %arg6[%get3A_267] {strides = array<i32>} : memref<4096xi32, #tpu.memory_space<vmem>>, vector<16xi32>,
        %gather3A_269 = tpu.vector_load_idx %arg5[%get3A_268] : memref<100000xf32, #tpu.memory_space<vmem>>[vector<16xi32>], vector<16xf32>,
        %mul3A_270 = arith.constant 16 : i32
        %mul3A_271 = arith.muli %scan3A_264, %mul3A_270 : i32
        %add3A_272 = arith.constant 0 : i32
        %add3A_273 = arith.addi %add3A_272, %mul3A_271 : i32
        %swap3A_274 = arith.index_cast %add3A_273 : i32 to index
        %swap3A_275 = tpu.vector_load %arg8[%swap3A_274] {strides = array<i32>} : memref<16384xf32, #tpu.memory_space<vmem>>, vector<16xf32>,
        tpu.vector_store %arg8[%swap3A_274], %gather3A_269 {add = true, strides = array<i32>} : memref<16384xf32, #tpu.memory_space<vmem>>, vector<16xf32>,
        %scan3A_276 = arith.constant 7 : i32
        %scan3A_277 = arith.addi %scan3A_189, %scan3A_276 : i32
        %mul3A_278 = arith.constant 16 : i32
        %mul3A_279 = arith.muli %scan3A_277, %mul3A_278 : i32
        %get3A_280 = arith.index_cast %mul3A_279 : i32 to index
        %get3A_281 = tpu.vector_load %arg6[%get3A_280] {strides = array<i32>} : memref<4096xi32, #tpu.memory_space<vmem>>, vector<16xi32>,
        %gather3A_282 = tpu.vector_load_idx %arg5[%get3A_281] : memref<100000xf32, #tpu.memory_space<vmem>>[vector<16xi32>], vector<16xf32>,
        %mul3A_283 = arith.constant 16 : i32
        %mul3A_284 = arith.muli %scan3A_277, %mul3A_283 : i32
        %add3A_285 = arith.constant 0 : i32
        %add3A_286 = arith.addi %add3A_285, %mul3A_284 : i32
        %swap3A_287 = arith.index_cast %add3A_286 : i32 to index
        %swap3A_288 = tpu.vector_load %arg8[%swap3A_287] {strides = array<i32>} : memref<16384xf32, #tpu.memory_space<vmem>>, vector<16xf32>,
        tpu.vector_store %arg8[%swap3A_287], %gather3A_282 {add = true, strides = array<i32>} : memref<16384xf32, #tpu.memory_space<vmem>>, vector<16xf32>,
        %scan3A_289 = arith.constant 8 : i32
        %scan3A_290 = arith.addi %scan3A_189, %scan3A_289 : i32
        %mul3A_291 = arith.constant 16 : i32
        %mul3A_292 = arith.muli %scan3A_290, %mul3A_291 : i32
        %get3A_293 = arith.index_cast %mul3A_292 : i32 to index
        %get3A_294 = tpu.vector_load %arg6[%get3A_293] {strides = array<i32>} : memref<4096xi32, #tpu.memory_space<vmem>>, vector<16xi32>,
        %gather3A_295 = tpu.vector_load_idx %arg5[%get3A_294] : memref<100000xf32, #tpu.memory_space<vmem>>[vector<16xi32>], vector<16xf32>,
        %mul3A_296 = arith.constant 16 : i32
        %mul3A_297 = arith.muli %scan3A_290, %mul3A_296 : i32
        %add3A_298 = arith.constant 0 : i32
        %add3A_299 = arith.addi %add3A_298, %mul3A_297 : i32
        %swap3A_300 = arith.index_cast %add3A_299 : i32 to index
        %swap3A_301 = tpu.vector_load %arg8[%swap3A_300] {strides = array<i32>} : memref<16384xf32, #tpu.memory_space<vmem>>, vector<16xf32>,
        tpu.vector_store %arg8[%swap3A_300], %gather3A_295 {add = true, strides = array<i32>} : memref<16384xf32, #tpu.memory_space<vmem>>, vector<16xf32>,
        %scan3A_302 = arith.constant 9 : i32
        %scan3A_303 = arith.addi %scan3A_189, %scan3A_302 : i32
        %mul3A_304 = arith.constant 16 : i32
        %mul3A_305 = arith.muli %scan3A_303, %mul3A_304 : i32
        %get3A_306 = arith.index_cast %mul3A_305 : i32 to index
        %get3A_307 = tpu.vector_load %arg6[%get3A_306] {strides = array<i32>} : memref<4096xi32, #tpu.memory_space<vmem>>, vector<16xi32>,
        %gather3A_308 = tpu.vector_load_idx %arg5[%get3A_307] : memref<100000xf32, #tpu.memory_space<vmem>>[vector<16xi32>], vector<16xf32>,
        %mul3A_309 = arith.constant 16 : i32
        %mul3A_310 = arith.muli %scan3A_303, %mul3A_309 : i32
        %add3A_311 = arith.constant 0 : i32
        %add3A_312 = arith.addi %add3A_311, %mul3A_310 : i32
        %swap3A_313 = arith.index_cast %add3A_312 : i32 to index
        %swap3A_314 = tpu.vector_load %arg8[%swap3A_313] {strides = array<i32>} : memref<16384xf32, #tpu.memory_space<vmem>>, vector<16xf32>,
        tpu.vector_store %arg8[%swap3A_313], %gather3A_308 {add = true, strides = array<i32>} : memref<16384xf32, #tpu.memory_space<vmem>>, vector<16xf32>,
        %scan3A_315 = arith.constant 10 : i32
        %scan3A_316 = arith.addi %scan3A_189, %scan3A_315 : i32
        %mul3A_317 = arith.constant 16 : i32
        %mul3A_318 = arith.muli %scan3A_316, %mul3A_317 : i32
        %get3A_319 = arith.index_cast %mul3A_318 : i32 to index
        %get3A_320 = tpu.vector_load %arg6[%get3A_319] {strides = array<i32>} : memref<4096xi32, #tpu.memory_space<vmem>>, vector<16xi32>,
        %gather3A_321 = tpu.vector_load_idx %arg5[%get3A_320] : memref<100000xf32, #tpu.memory_space<vmem>>[vector<16xi32>], vector<16xf32>,
        %mul3A_322 = arith.constant 16 : i32
        %mul3A_323 = arith.muli %scan3A_316, %mul3A_322 : i32
        %add3A_324 = arith.constant 0 : i32
        %add3A_325 = arith.addi %add3A_324, %mul3A_323 : i32
        %swap3A_326 = arith.index_cast %add3A_325 : i32 to index
        %swap3A_327 = tpu.vector_load %arg8[%swap3A_326] {strides = array<i32>} : memref<16384xf32, #tpu.memory_space<vmem>>, vector<16xf32>,
        tpu.vector_store %arg8[%swap3A_326], %gather3A_321 {add = true, strides = array<i32>} : memref<16384xf32, #tpu.memory_space<vmem>>, vector<16xf32>,
        %scan3A_328 = arith.constant 11 : i32
        %scan3A_329 = arith.addi %scan3A_189, %scan3A_328 : i32
        %mul3A_330 = arith.constant 16 : i32
        %mul3A_331 = arith.muli %scan3A_329, %mul3A_330 : i32
        %get3A_332 = arith.index_cast %mul3A_331 : i32 to index
        %get3A_333 = tpu.vector_load %arg6[%get3A_332] {strides = array<i32>} : memref<4096xi32, #tpu.memory_space<vmem>>, vector<16xi32>,
        %gather3A_334 = tpu.vector_load_idx %arg5[%get3A_333] : memref<100000xf32, #tpu.memory_space<vmem>>[vector<16xi32>], vector<16xf32>,
        %mul3A_335 = arith.constant 16 : i32
        %mul3A_336 = arith.muli %scan3A_329, %mul3A_335 : i32
        %add3A_337 = arith.constant 0 : i32
        %add3A_338 = arith.addi %add3A_337, %mul3A_336 : i32
        %swap3A_339 = arith.index_cast %add3A_338 : i32 to index
        %swap3A_340 = tpu.vector_load %arg8[%swap3A_339] {strides = array<i32>} : memref<16384xf32, #tpu.memory_space<vmem>>, vector<16xf32>,
        tpu.vector_store %arg8[%swap3A_339], %gather3A_334 {add = true, strides = array<i32>} : memref<16384xf32, #tpu.memory_space<vmem>>, vector<16xf32>,
        %scan3A_341 = arith.constant 12 : i32
        %scan3A_342 = arith.addi %scan3A_189, %scan3A_341 : i32
        %mul3A_343 = arith.constant 16 : i32
        %mul3A_344 = arith.muli %scan3A_342, %mul3A_343 : i32
        %get3A_345 = arith.index_cast %mul3A_344 : i32 to index
        %get3A_346 = tpu.vector_load %arg6[%get3A_345] {strides = array<i32>} : memref<4096xi32, #tpu.memory_space<vmem>>, vector<16xi32>,
        %gather3A_347 = tpu.vector_load_idx %arg5[%get3A_346] : memref<100000xf32, #tpu.memory_space<vmem>>[vector<16xi32>], vector<16xf32>,
        %mul3A_348 = arith.constant 16 : i32
        %mul3A_349 = arith.muli %scan3A_342, %mul3A_348 : i32
        %add3A_350 = arith.constant 0 : i32
        %add3A_351 = arith.addi %add3A_350, %mul3A_349 : i32
        %swap3A_352 = arith.index_cast %add3A_351 : i32 to index
        %swap3A_353 = tpu.vector_load %arg8[%swap3A_352] {strides = array<i32>} : memref<16384xf32, #tpu.memory_space<vmem>>, vector<16xf32>,
        tpu.vector_store %arg8[%swap3A_352], %gather3A_347 {add = true, strides = array<i32>} : memref<16384xf32, #tpu.memory_space<vmem>>, vector<16xf32>,
        %scan3A_354 = arith.constant 13 : i32
        %scan3A_355 = arith.addi %scan3A_189, %scan3A_354 : i32
        %mul3A_356 = arith.constant 16 : i32
        %mul3A_357 = arith.muli %scan3A_355, %mul3A_356 : i32
        %get3A_358 = arith.index_cast %mul3A_357 : i32 to index
        %get3A_359 = tpu.vector_load %arg6[%get3A_358] {strides = array<i32>} : memref<4096xi32, #tpu.memory_space<vmem>>, vector<16xi32>,
        %gather3A_360 = tpu.vector_load_idx %arg5[%get3A_359] : memref<100000xf32, #tpu.memory_space<vmem>>[vector<16xi32>], vector<16xf32>,
        %mul3A_361 = arith.constant 16 : i32
        %mul3A_362 = arith.muli %scan3A_355, %mul3A_361 : i32
        %add3A_363 = arith.constant 0 : i32
        %add3A_364 = arith.addi %add3A_363, %mul3A_362 : i32
        %swap3A_365 = arith.index_cast %add3A_364 : i32 to index
        %swap3A_366 = tpu.vector_load %arg8[%swap3A_365] {strides = array<i32>} : memref<16384xf32, #tpu.memory_space<vmem>>, vector<16xf32>,
        tpu.vector_store %arg8[%swap3A_365], %gather3A_360 {add = true, strides = array<i32>} : memref<16384xf32, #tpu.memory_space<vmem>>, vector<16xf32>,
        %scan3A_367 = arith.constant 14 : i32
        %scan3A_368 = arith.addi %scan3A_189, %scan3A_367 : i32
        %mul3A_369 = arith.constant 16 : i32
        %mul3A_370 = arith.muli %scan3A_368, %mul3A_369 : i32
        %get3A_371 = arith.index_cast %mul3A_370 : i32 to index
        %get3A_372 = tpu.vector_load %arg6[%get3A_371] {strides = array<i32>} : memref<4096xi32, #tpu.memory_space<vmem>>, vector<16xi32>,
        %gather3A_373 = tpu.vector_load_idx %arg5[%get3A_372] : memref<100000xf32, #tpu.memory_space<vmem>>[vector<16xi32>], vector<16xf32>,
        %mul3A_374 = arith.constant 16 : i32
        %mul3A_375 = arith.muli %scan3A_368, %mul3A_374 : i32
        %add3A_376 = arith.constant 0 : i32
        %add3A_377 = arith.addi %add3A_376, %mul3A_375 : i32
        %swap3A_378 = arith.index_cast %add3A_377 : i32 to index
        %swap3A_379 = tpu.vector_load %arg8[%swap3A_378] {strides = array<i32>} : memref<16384xf32, #tpu.memory_space<vmem>>, vector<16xf32>,
        tpu.vector_store %arg8[%swap3A_378], %gather3A_373 {add = true, strides = array<i32>} : memref<16384xf32, #tpu.memory_space<vmem>>, vector<16xf32>,
        %scan3A_380 = arith.constant 15 : i32
        %scan3A_381 = arith.addi %scan3A_189, %scan3A_380 : i32
        %mul3A_382 = arith.constant 16 : i32
        %mul3A_383 = arith.muli %scan3A_381, %mul3A_382 : i32
        %get3A_384 = arith.index_cast %mul3A_383 : i32 to index
        %get3A_385 = tpu.vector_load %arg6[%get3A_384] {strides = array<i32>} : memref<4096xi32, #tpu.memory_space<vmem>>, vector<16xi32>,
        %gather3A_386 = tpu.vector_load_idx %arg5[%get3A_385] : memref<100000xf32, #tpu.memory_space<vmem>>[vector<16xi32>], vector<16xf32>,
        %mul3A_387 = arith.constant 16 : i32
        %mul3A_388 = arith.muli %scan3A_381, %mul3A_387 : i32
        %add3A_389 = arith.constant 0 : i32
        %add3A_390 = arith.addi %add3A_389, %mul3A_388 : i32
        %swap3A_391 = arith.index_cast %add3A_390 : i32 to index
        %swap3A_392 = tpu.vector_load %arg8[%swap3A_391] {strides = array<i32>} : memref<16384xf32, #tpu.memory_space<vmem>>, vector<16xf32>,
        tpu.vector_store %arg8[%swap3A_391], %gather3A_386 {add = true, strides = array<i32>} : memref<16384xf32, #tpu.memory_space<vmem>>, vector<16xf32>,
      }
      %scan3A_140 = arith.constant 256 : i32
      %dma_wait3A_141 = arith.constant 4096 : i32
      %dma_wait3A_142 = tpu.memref_slice %arg2[%scan3A_104, %dma_wait3A_141] : memref<26x16384xi32, #tpu.memory_space<hbm>> -> memref<1x4096xi32, #tpu.memory_space<hbm>>
      %dma_wait3A_143 = tpu.memref_squeeze %dma_wait3A_142 : memref<1x4096xi32, #tpu.memory_space<hbm>> -> memref<4096xi32, #tpu.memory_space<hbm>>
      %dma_wait3A_144 = arith.constant 4096 : i32
      %dma_wait3A_145 = tpu.memref_slice %arg2[%scan3A_104, %dma_wait3A_144] : memref<26x16384xi32, #tpu.memory_space<hbm>> -> memref<1x4096xi32, #tpu.memory_space<hbm>>
      %dma_wait3A_146 = tpu.memref_squeeze %dma_wait3A_145 : memref<1x4096xi32, #tpu.memory_space<hbm>> -> memref<4096xi32, #tpu.memory_space<hbm>>
      tpu.wait_dma2 semaphore(%arg11 : memref<!tpu.dma_semaphore, #tpu.memory_space<semaphore_mem>>) src(%dma_wait3A_146 : memref<4096xi32, #tpu.memory_space<hbm>>) dst(%arg7 : memref<4096xi32, #tpu.memory_space<vmem>>)
      %dma_start3A_147 = arith.constant 8192 : i32
      %dma_start3A_148 = tpu.memref_slice %arg2[%scan3A_104, %dma_start3A_147] : memref<26x16384xi32, #tpu.memory_space<hbm>> -> memref<1x4096xi32, #tpu.memory_space<hbm>>
      %dma_start3A_149 = tpu.memref_squeeze %dma_start3A_148 : memref<1x4096xi32, #tpu.memory_space<hbm>> -> memref<4096xi32, #tpu.memory_space<hbm>>
      %dma_start3A_150 = arith.constant 8192 : i32
      %dma_start3A_151 = tpu.memref_slice %arg2[%scan3A_104, %dma_start3A_150] : memref<26x16384xi32, #tpu.memory_space<hbm>> -> memref<1x4096xi32, #tpu.memory_space<hbm>>
      %dma_start3A_152 = tpu.memref_squeeze %dma_start3A_151 : memref<1x4096xi32, #tpu.memory_space<hbm>> -> memref<4096xi32, #tpu.memory_space<hbm>>
      tpu.enqueue_dma source(%dma_start3A_152 : memref<4096xi32, #tpu.memory_space<hbm>>) target(%arg6 : memref<4096xi32, #tpu.memory_space<vmem>>) target_semaphore(%arg10 : memref<!tpu.dma_semaphore, #tpu.memory_space<semaphore_mem>>)
      %scan3A_153 = arith.constant 0 : i32
      %scan3A_154 = arith.constant 0 : i32
      %scan3A_155 = arith.constant 256 : i32
      %scan3A_156 = arith.addi %scan3A_154, %scan3A_155 : i32
      %scan3A_157 = arith.constant 16 : i32
      scf.for %scan3A_189 = %scan3A_154 to %scan3A_156 step %scan3A_157  : i32 {
        %mul3A_190 = arith.constant 16 : i32
        %mul3A_191 = arith.muli %scan3A_189, %mul3A_190 : i32
        %get3A = arith.index_cast %mul3A_191 : i32 to index
        %get3A_192 = tpu.vector_load %arg7[%get3A] {strides = array<i32>} : memref<4096xi32, #tpu.memory_space<vmem>>, vector<16xi32>,
        %gather3A = tpu.vector_load_idx %arg5[%get3A_192] : memref<100000xf32, #tpu.memory_space<vmem>>[vector<16xi32>], vector<16xf32>,
        %mul3A_193 = arith.constant 16 : i32
        %mul3A_194 = arith.muli %scan3A_189, %mul3A_193 : i32
        %add3A_195 = arith.constant 4096 : i32
        %add3A_196 = arith.addi %add3A_195, %mul3A_194 : i32
        %swap3A = arith.index_cast %add3A_196 : i32 to index
        %swap3A_197 = tpu.vector_load %arg8[%swap3A] {strides = array<i32>} : memref<16384xf32, #tpu.memory_space<vmem>>, vector<16xf32>,
        tpu.vector_store %arg8[%swap3A], %gather3A {add = true, strides = array<i32>} : memref<16384xf32, #tpu.memory_space<vmem>>, vector<16xf32>,
        %scan3A_198 = arith.constant 1 : i32
        %scan3A_199 = arith.addi %scan3A_189, %scan3A_198 : i32
        %mul3A_200 = arith.constant 16 : i32
        %mul3A_201 = arith.muli %scan3A_199, %mul3A_200 : i32
        %get3A_202 = arith.index_cast %mul3A_201 : i32 to index
        %get3A_203 = tpu.vector_load %arg7[%get3A_202] {strides = array<i32>} : memref<4096xi32, #tpu.memory_space<vmem>>, vector<16xi32>,
        %gather3A_204 = tpu.vector_load_idx %arg5[%get3A_203] : memref<100000xf32, #tpu.memory_space<vmem>>[vector<16xi32>], vector<16xf32>,
        %mul3A_205 = arith.constant 16 : i32
        %mul3A_206 = arith.muli %scan3A_199, %mul3A_205 : i32
        %add3A_207 = arith.constant 4096 : i32
        %add3A_208 = arith.addi %add3A_207, %mul3A_206 : i32
        %swap3A_209 = arith.index_cast %add3A_208 : i32 to index
        %swap3A_210 = tpu.vector_load %arg8[%swap3A_209] {strides = array<i32>} : memref<16384xf32, #tpu.memory_space<vmem>>, vector<16xf32>,
        tpu.vector_store %arg8[%swap3A_209], %gather3A_204 {add = true, strides = array<i32>} : memref<16384xf32, #tpu.memory_space<vmem>>, vector<16xf32>,
        %scan3A_211 = arith.constant 2 : i32
        %scan3A_212 = arith.addi %scan3A_189, %scan3A_211 : i32
        %mul3A_213 = arith.constant 16 : i32
        %mul3A_214 = arith.muli %scan3A_212, %mul3A_213 : i32
        %get3A_215 = arith.index_cast %mul3A_214 : i32 to index
        %get3A_216 = tpu.vector_load %arg7[%get3A_215] {strides = array<i32>} : memref<4096xi32, #tpu.memory_space<vmem>>, vector<16xi32>,
        %gather3A_217 = tpu.vector_load_idx %arg5[%get3A_216] : memref<100000xf32, #tpu.memory_space<vmem>>[vector<16xi32>], vector<16xf32>,
        %mul3A_218 = arith.constant 16 : i32
        %mul3A_219 = arith.muli %scan3A_212, %mul3A_218 : i32
        %add3A_220 = arith.constant 4096 : i32
        %add3A_221 = arith.addi %add3A_220, %mul3A_219 : i32
        %swap3A_222 = arith.index_cast %add3A_221 : i32 to index
        %swap3A_223 = tpu.vector_load %arg8[%swap3A_222] {strides = array<i32>} : memref<16384xf32, #tpu.memory_space<vmem>>, vector<16xf32>,
        tpu.vector_store %arg8[%swap3A_222], %gather3A_217 {add = true, strides = array<i32>} : memref<16384xf32, #tpu.memory_space<vmem>>, vector<16xf32>,
        %scan3A_224 = arith.constant 3 : i32
        %scan3A_225 = arith.addi %scan3A_189, %scan3A_224 : i32
        %mul3A_226 = arith.constant 16 : i32
        %mul3A_227 = arith.muli %scan3A_225, %mul3A_226 : i32
        %get3A_228 = arith.index_cast %mul3A_227 : i32 to index
        %get3A_229 = tpu.vector_load %arg7[%get3A_228] {strides = array<i32>} : memref<4096xi32, #tpu.memory_space<vmem>>, vector<16xi32>,
        %gather3A_230 = tpu.vector_load_idx %arg5[%get3A_229] : memref<100000xf32, #tpu.memory_space<vmem>>[vector<16xi32>], vector<16xf32>,
        %mul3A_231 = arith.constant 16 : i32
        %mul3A_232 = arith.muli %scan3A_225, %mul3A_231 : i32
        %add3A_233 = arith.constant 4096 : i32
        %add3A_234 = arith.addi %add3A_233, %mul3A_232 : i32
        %swap3A_235 = arith.index_cast %add3A_234 : i32 to index
        %swap3A_236 = tpu.vector_load %arg8[%swap3A_235] {strides = array<i32>} : memref<16384xf32, #tpu.memory_space<vmem>>, vector<16xf32>,
        tpu.vector_store %arg8[%swap3A_235], %gather3A_230 {add = true, strides = array<i32>} : memref<16384xf32, #tpu.memory_space<vmem>>, vector<16xf32>,
        %scan3A_237 = arith.constant 4 : i32
        %scan3A_238 = arith.addi %scan3A_189, %scan3A_237 : i32
        %mul3A_239 = arith.constant 16 : i32
        %mul3A_240 = arith.muli %scan3A_238, %mul3A_239 : i32
        %get3A_241 = arith.index_cast %mul3A_240 : i32 to index
        %get3A_242 = tpu.vector_load %arg7[%get3A_241] {strides = array<i32>} : memref<4096xi32, #tpu.memory_space<vmem>>, vector<16xi32>,
        %gather3A_243 = tpu.vector_load_idx %arg5[%get3A_242] : memref<100000xf32, #tpu.memory_space<vmem>>[vector<16xi32>], vector<16xf32>,
        %mul3A_244 = arith.constant 16 : i32
        %mul3A_245 = arith.muli %scan3A_238, %mul3A_244 : i32
        %add3A_246 = arith.constant 4096 : i32
        %add3A_247 = arith.addi %add3A_246, %mul3A_245 : i32
        %swap3A_248 = arith.index_cast %add3A_247 : i32 to index
        %swap3A_249 = tpu.vector_load %arg8[%swap3A_248] {strides = array<i32>} : memref<16384xf32, #tpu.memory_space<vmem>>, vector<16xf32>,
        tpu.vector_store %arg8[%swap3A_248], %gather3A_243 {add = true, strides = array<i32>} : memref<16384xf32, #tpu.memory_space<vmem>>, vector<16xf32>,
        %scan3A_250 = arith.constant 5 : i32
        %scan3A_251 = arith.addi %scan3A_189, %scan3A_250 : i32
        %mul3A_252 = arith.constant 16 : i32
        %mul3A_253 = arith.muli %scan3A_251, %mul3A_252 : i32
        %get3A_254 = arith.index_cast %mul3A_253 : i32 to index
        %get3A_255 = tpu.vector_load %arg7[%get3A_254] {strides = array<i32>} : memref<4096xi32, #tpu.memory_space<vmem>>, vector<16xi32>,
        %gather3A_256 = tpu.vector_load_idx %arg5[%get3A_255] : memref<100000xf32, #tpu.memory_space<vmem>>[vector<16xi32>], vector<16xf32>,
        %mul3A_257 = arith.constant 16 : i32
        %mul3A_258 = arith.muli %scan3A_251, %mul3A_257 : i32
        %add3A_259 = arith.constant 4096 : i32
        %add3A_260 = arith.addi %add3A_259, %mul3A_258 : i32
        %swap3A_261 = arith.index_cast %add3A_260 : i32 to index
        %swap3A_262 = tpu.vector_load %arg8[%swap3A_261] {strides = array<i32>} : memref<16384xf32, #tpu.memory_space<vmem>>, vector<16xf32>,
        tpu.vector_store %arg8[%swap3A_261], %gather3A_256 {add = true, strides = array<i32>} : memref<16384xf32, #tpu.memory_space<vmem>>, vector<16xf32>,
        %scan3A_263 = arith.constant 6 : i32
        %scan3A_264 = arith.addi %scan3A_189, %scan3A_263 : i32
        %mul3A_265 = arith.constant 16 : i32
        %mul3A_266 = arith.muli %scan3A_264, %mul3A_265 : i32
        %get3A_267 = arith.index_cast %mul3A_266 : i32 to index
        %get3A_268 = tpu.vector_load %arg7[%get3A_267] {strides = array<i32>} : memref<4096xi32, #tpu.memory_space<vmem>>, vector<16xi32>,
        %gather3A_269 = tpu.vector_load_idx %arg5[%get3A_268] : memref<100000xf32, #tpu.memory_space<vmem>>[vector<16xi32>], vector<16xf32>,
        %mul3A_270 = arith.constant 16 : i32
        %mul3A_271 = arith.muli %scan3A_264, %mul3A_270 : i32
        %add3A_272 = arith.constant 4096 : i32
        %add3A_273 = arith.addi %add3A_272, %mul3A_271 : i32
        %swap3A_274 = arith.index_cast %add3A_273 : i32 to index
        %swap3A_275 = tpu.vector_load %arg8[%swap3A_274] {strides = array<i32>} : memref<16384xf32, #tpu.memory_space<vmem>>, vector<16xf32>,
        tpu.vector_store %arg8[%swap3A_274], %gather3A_269 {add = true, strides = array<i32>} : memref<16384xf32, #tpu.memory_space<vmem>>, vector<16xf32>,
        %scan3A_276 = arith.constant 7 : i32
        %scan3A_277 = arith.addi %scan3A_189, %scan3A_276 : i32
        %mul3A_278 = arith.constant 16 : i32
        %mul3A_279 = arith.muli %scan3A_277, %mul3A_278 : i32
        %get3A_280 = arith.index_cast %mul3A_279 : i32 to index
        %get3A_281 = tpu.vector_load %arg7[%get3A_280] {strides = array<i32>} : memref<4096xi32, #tpu.memory_space<vmem>>, vector<16xi32>,
        %gather3A_282 = tpu.vector_load_idx %arg5[%get3A_281] : memref<100000xf32, #tpu.memory_space<vmem>>[vector<16xi32>], vector<16xf32>,
        %mul3A_283 = arith.constant 16 : i32
        %mul3A_284 = arith.muli %scan3A_277, %mul3A_283 : i32
        %add3A_285 = arith.constant 4096 : i32
        %add3A_286 = arith.addi %add3A_285, %mul3A_284 : i32
        %swap3A_287 = arith.index_cast %add3A_286 : i32 to index
        %swap3A_288 = tpu.vector_load %arg8[%swap3A_287] {strides = array<i32>} : memref<16384xf32, #tpu.memory_space<vmem>>, vector<16xf32>,
        tpu.vector_store %arg8[%swap3A_287], %gather3A_282 {add = true, strides = array<i32>} : memref<16384xf32, #tpu.memory_space<vmem>>, vector<16xf32>,
        %scan3A_289 = arith.constant 8 : i32
        %scan3A_290 = arith.addi %scan3A_189, %scan3A_289 : i32
        %mul3A_291 = arith.constant 16 : i32
        %mul3A_292 = arith.muli %scan3A_290, %mul3A_291 : i32
        %get3A_293 = arith.index_cast %mul3A_292 : i32 to index
        %get3A_294 = tpu.vector_load %arg7[%get3A_293] {strides = array<i32>} : memref<4096xi32, #tpu.memory_space<vmem>>, vector<16xi32>,
        %gather3A_295 = tpu.vector_load_idx %arg5[%get3A_294] : memref<100000xf32, #tpu.memory_space<vmem>>[vector<16xi32>], vector<16xf32>,
        %mul3A_296 = arith.constant 16 : i32
        %mul3A_297 = arith.muli %scan3A_290, %mul3A_296 : i32
        %add3A_298 = arith.constant 4096 : i32
        %add3A_299 = arith.addi %add3A_298, %mul3A_297 : i32
        %swap3A_300 = arith.index_cast %add3A_299 : i32 to index
        %swap3A_301 = tpu.vector_load %arg8[%swap3A_300] {strides = array<i32>} : memref<16384xf32, #tpu.memory_space<vmem>>, vector<16xf32>,
        tpu.vector_store %arg8[%swap3A_300], %gather3A_295 {add = true, strides = array<i32>} : memref<16384xf32, #tpu.memory_space<vmem>>, vector<16xf32>,
        %scan3A_302 = arith.constant 9 : i32
        %scan3A_303 = arith.addi %scan3A_189, %scan3A_302 : i32
        %mul3A_304 = arith.constant 16 : i32
        %mul3A_305 = arith.muli %scan3A_303, %mul3A_304 : i32
        %get3A_306 = arith.index_cast %mul3A_305 : i32 to index
        %get3A_307 = tpu.vector_load %arg7[%get3A_306] {strides = array<i32>} : memref<4096xi32, #tpu.memory_space<vmem>>, vector<16xi32>,
        %gather3A_308 = tpu.vector_load_idx %arg5[%get3A_307] : memref<100000xf32, #tpu.memory_space<vmem>>[vector<16xi32>], vector<16xf32>,
        %mul3A_309 = arith.constant 16 : i32
        %mul3A_310 = arith.muli %scan3A_303, %mul3A_309 : i32
        %add3A_311 = arith.constant 4096 : i32
        %add3A_312 = arith.addi %add3A_311, %mul3A_310 : i32
        %swap3A_313 = arith.index_cast %add3A_312 : i32 to index
        %swap3A_314 = tpu.vector_load %arg8[%swap3A_313] {strides = array<i32>} : memref<16384xf32, #tpu.memory_space<vmem>>, vector<16xf32>,
        tpu.vector_store %arg8[%swap3A_313], %gather3A_308 {add = true, strides = array<i32>} : memref<16384xf32, #tpu.memory_space<vmem>>, vector<16xf32>,
        %scan3A_315 = arith.constant 10 : i32
        %scan3A_316 = arith.addi %scan3A_189, %scan3A_315 : i32
        %mul3A_317 = arith.constant 16 : i32
        %mul3A_318 = arith.muli %scan3A_316, %mul3A_317 : i32
        %get3A_319 = arith.index_cast %mul3A_318 : i32 to index
        %get3A_320 = tpu.vector_load %arg7[%get3A_319] {strides = array<i32>} : memref<4096xi32, #tpu.memory_space<vmem>>, vector<16xi32>,
        %gather3A_321 = tpu.vector_load_idx %arg5[%get3A_320] : memref<100000xf32, #tpu.memory_space<vmem>>[vector<16xi32>], vector<16xf32>,
        %mul3A_322 = arith.constant 16 : i32
        %mul3A_323 = arith.muli %scan3A_316, %mul3A_322 : i32
        %add3A_324 = arith.constant 4096 : i32
        %add3A_325 = arith.addi %add3A_324, %mul3A_323 : i32
        %swap3A_326 = arith.index_cast %add3A_325 : i32 to index
        %swap3A_327 = tpu.vector_load %arg8[%swap3A_326] {strides = array<i32>} : memref<16384xf32, #tpu.memory_space<vmem>>, vector<16xf32>,
        tpu.vector_store %arg8[%swap3A_326], %gather3A_321 {add = true, strides = array<i32>} : memref<16384xf32, #tpu.memory_space<vmem>>, vector<16xf32>,
        %scan3A_328 = arith.constant 11 : i32
        %scan3A_329 = arith.addi %scan3A_189, %scan3A_328 : i32
        %mul3A_330 = arith.constant 16 : i32
        %mul3A_331 = arith.muli %scan3A_329, %mul3A_330 : i32
        %get3A_332 = arith.index_cast %mul3A_331 : i32 to index
        %get3A_333 = tpu.vector_load %arg7[%get3A_332] {strides = array<i32>} : memref<4096xi32, #tpu.memory_space<vmem>>, vector<16xi32>,
        %gather3A_334 = tpu.vector_load_idx %arg5[%get3A_333] : memref<100000xf32, #tpu.memory_space<vmem>>[vector<16xi32>], vector<16xf32>,
        %mul3A_335 = arith.constant 16 : i32
        %mul3A_336 = arith.muli %scan3A_329, %mul3A_335 : i32
        %add3A_337 = arith.constant 4096 : i32
        %add3A_338 = arith.addi %add3A_337, %mul3A_336 : i32
        %swap3A_339 = arith.index_cast %add3A_338 : i32 to index
        %swap3A_340 = tpu.vector_load %arg8[%swap3A_339] {strides = array<i32>} : memref<16384xf32, #tpu.memory_space<vmem>>, vector<16xf32>,
        tpu.vector_store %arg8[%swap3A_339], %gather3A_334 {add = true, strides = array<i32>} : memref<16384xf32, #tpu.memory_space<vmem>>, vector<16xf32>,
        %scan3A_341 = arith.constant 12 : i32
        %scan3A_342 = arith.addi %scan3A_189, %scan3A_341 : i32
        %mul3A_343 = arith.constant 16 : i32
        %mul3A_344 = arith.muli %scan3A_342, %mul3A_343 : i32
        %get3A_345 = arith.index_cast %mul3A_344 : i32 to index
        %get3A_346 = tpu.vector_load %arg7[%get3A_345] {strides = array<i32>} : memref<4096xi32, #tpu.memory_space<vmem>>, vector<16xi32>,
        %gather3A_347 = tpu.vector_load_idx %arg5[%get3A_346] : memref<100000xf32, #tpu.memory_space<vmem>>[vector<16xi32>], vector<16xf32>,
        %mul3A_348 = arith.constant 16 : i32
        %mul3A_349 = arith.muli %scan3A_342, %mul3A_348 : i32
        %add3A_350 = arith.constant 4096 : i32
        %add3A_351 = arith.addi %add3A_350, %mul3A_349 : i32
        %swap3A_352 = arith.index_cast %add3A_351 : i32 to index
        %swap3A_353 = tpu.vector_load %arg8[%swap3A_352] {strides = array<i32>} : memref<16384xf32, #tpu.memory_space<vmem>>, vector<16xf32>,
        tpu.vector_store %arg8[%swap3A_352], %gather3A_347 {add = true, strides = array<i32>} : memref<16384xf32, #tpu.memory_space<vmem>>, vector<16xf32>,
        %scan3A_354 = arith.constant 13 : i32
        %scan3A_355 = arith.addi %scan3A_189, %scan3A_354 : i32
        %mul3A_356 = arith.constant 16 : i32
        %mul3A_357 = arith.muli %scan3A_355, %mul3A_356 : i32
        %get3A_358 = arith.index_cast %mul3A_357 : i32 to index
        %get3A_359 = tpu.vector_load %arg7[%get3A_358] {strides = array<i32>} : memref<4096xi32, #tpu.memory_space<vmem>>, vector<16xi32>,
        %gather3A_360 = tpu.vector_load_idx %arg5[%get3A_359] : memref<100000xf32, #tpu.memory_space<vmem>>[vector<16xi32>], vector<16xf32>,
        %mul3A_361 = arith.constant 16 : i32
        %mul3A_362 = arith.muli %scan3A_355, %mul3A_361 : i32
        %add3A_363 = arith.constant 4096 : i32
        %add3A_364 = arith.addi %add3A_363, %mul3A_362 : i32
        %swap3A_365 = arith.index_cast %add3A_364 : i32 to index
        %swap3A_366 = tpu.vector_load %arg8[%swap3A_365] {strides = array<i32>} : memref<16384xf32, #tpu.memory_space<vmem>>, vector<16xf32>,
        tpu.vector_store %arg8[%swap3A_365], %gather3A_360 {add = true, strides = array<i32>} : memref<16384xf32, #tpu.memory_space<vmem>>, vector<16xf32>,
        %scan3A_367 = arith.constant 14 : i32
        %scan3A_368 = arith.addi %scan3A_189, %scan3A_367 : i32
        %mul3A_369 = arith.constant 16 : i32
        %mul3A_370 = arith.muli %scan3A_368, %mul3A_369 : i32
        %get3A_371 = arith.index_cast %mul3A_370 : i32 to index
        %get3A_372 = tpu.vector_load %arg7[%get3A_371] {strides = array<i32>} : memref<4096xi32, #tpu.memory_space<vmem>>, vector<16xi32>,
        %gather3A_373 = tpu.vector_load_idx %arg5[%get3A_372] : memref<100000xf32, #tpu.memory_space<vmem>>[vector<16xi32>], vector<16xf32>,
        %mul3A_374 = arith.constant 16 : i32
        %mul3A_375 = arith.muli %scan3A_368, %mul3A_374 : i32
        %add3A_376 = arith.constant 4096 : i32
        %add3A_377 = arith.addi %add3A_376, %mul3A_375 : i32
        %swap3A_378 = arith.index_cast %add3A_377 : i32 to index
        %swap3A_379 = tpu.vector_load %arg8[%swap3A_378] {strides = array<i32>} : memref<16384xf32, #tpu.memory_space<vmem>>, vector<16xf32>,
        tpu.vector_store %arg8[%swap3A_378], %gather3A_373 {add = true, strides = array<i32>} : memref<16384xf32, #tpu.memory_space<vmem>>, vector<16xf32>,
        %scan3A_380 = arith.constant 15 : i32
        %scan3A_381 = arith.addi %scan3A_189, %scan3A_380 : i32
        %mul3A_382 = arith.constant 16 : i32
        %mul3A_383 = arith.muli %scan3A_381, %mul3A_382 : i32
        %get3A_384 = arith.index_cast %mul3A_383 : i32 to index
        %get3A_385 = tpu.vector_load %arg7[%get3A_384] {strides = array<i32>} : memref<4096xi32, #tpu.memory_space<vmem>>, vector<16xi32>,
        %gather3A_386 = tpu.vector_load_idx %arg5[%get3A_385] : memref<100000xf32, #tpu.memory_space<vmem>>[vector<16xi32>], vector<16xf32>,
        %mul3A_387 = arith.constant 16 : i32
        %mul3A_388 = arith.muli %scan3A_381, %mul3A_387 : i32
        %add3A_389 = arith.constant 4096 : i32
        %add3A_390 = arith.addi %add3A_389, %mul3A_388 : i32
        %swap3A_391 = arith.index_cast %add3A_390 : i32 to index
        %swap3A_392 = tpu.vector_load %arg8[%swap3A_391] {strides = array<i32>} : memref<16384xf32, #tpu.memory_space<vmem>>, vector<16xf32>,
        tpu.vector_store %arg8[%swap3A_391], %gather3A_386 {add = true, strides = array<i32>} : memref<16384xf32, #tpu.memory_space<vmem>>, vector<16xf32>,
      }
      %scan3A_158 = arith.constant 256 : i32
      %dma_wait3A_159 = arith.constant 8192 : i32
      %dma_wait3A_160 = tpu.memref_slice %arg2[%scan3A_104, %dma_wait3A_159] : memref<26x16384xi32, #tpu.memory_space<hbm>> -> memref<1x4096xi32, #tpu.memory_space<hbm>>
      %dma_wait3A_161 = tpu.memref_squeeze %dma_wait3A_160 : memref<1x4096xi32, #tpu.memory_space<hbm>> -> memref<4096xi32, #tpu.memory_space<hbm>>
      %dma_wait3A_162 = arith.constant 8192 : i32
      %dma_wait3A_163 = tpu.memref_slice %arg2[%scan3A_104, %dma_wait3A_162] : memref<26x16384xi32, #tpu.memory_space<hbm>> -> memref<1x4096xi32, #tpu.memory_space<hbm>>
      %dma_wait3A_164 = tpu.memref_squeeze %dma_wait3A_163 : memref<1x4096xi32, #tpu.memory_space<hbm>> -> memref<4096xi32, #tpu.memory_space<hbm>>
      tpu.wait_dma2 semaphore(%arg10 : memref<!tpu.dma_semaphore, #tpu.memory_space<semaphore_mem>>) src(%dma_wait3A_164 : memref<4096xi32, #tpu.memory_space<hbm>>) dst(%arg6 : memref<4096xi32, #tpu.memory_space<vmem>>)
      %dma_start3A_165 = arith.constant 12288 : i32
      %dma_start3A_166 = tpu.memref_slice %arg2[%scan3A_104, %dma_start3A_165] : memref<26x16384xi32, #tpu.memory_space<hbm>> -> memref<1x4096xi32, #tpu.memory_space<hbm>>
      %dma_start3A_167 = tpu.memref_squeeze %dma_start3A_166 : memref<1x4096xi32, #tpu.memory_space<hbm>> -> memref<4096xi32, #tpu.memory_space<hbm>>
      %dma_start3A_168 = arith.constant 12288 : i32
      %dma_start3A_169 = tpu.memref_slice %arg2[%scan3A_104, %dma_start3A_168] : memref<26x16384xi32, #tpu.memory_space<hbm>> -> memref<1x4096xi32, #tpu.memory_space<hbm>>
      %dma_start3A_170 = tpu.memref_squeeze %dma_start3A_169 : memref<1x4096xi32, #tpu.memory_space<hbm>> -> memref<4096xi32, #tpu.memory_space<hbm>>
      tpu.enqueue_dma source(%dma_start3A_170 : memref<4096xi32, #tpu.memory_space<hbm>>) target(%arg7 : memref<4096xi32, #tpu.memory_space<vmem>>) target_semaphore(%arg11 : memref<!tpu.dma_semaphore, #tpu.memory_space<semaphore_mem>>)
      %scan3A_171 = arith.constant 0 : i32
      %scan3A_172 = arith.constant 0 : i32
      %scan3A_173 = arith.constant 256 : i32
      %scan3A_174 = arith.addi %scan3A_172, %scan3A_173 : i32
      %scan3A_175 = arith.constant 16 : i32
      scf.for %scan3A_189 = %scan3A_172 to %scan3A_174 step %scan3A_175  : i32 {
        %mul3A_190 = arith.constant 16 : i32
        %mul3A_191 = arith.muli %scan3A_189, %mul3A_190 : i32
        %get3A = arith.index_cast %mul3A_191 : i32 to index
        %get3A_192 = tpu.vector_load %arg6[%get3A] {strides = array<i32>} : memref<4096xi32, #tpu.memory_space<vmem>>, vector<16xi32>,
        %gather3A = tpu.vector_load_idx %arg5[%get3A_192] : memref<100000xf32, #tpu.memory_space<vmem>>[vector<16xi32>], vector<16xf32>,
        %mul3A_193 = arith.constant 16 : i32
        %mul3A_194 = arith.muli %scan3A_189, %mul3A_193 : i32
        %add3A_195 = arith.constant 8192 : i32
        %add3A_196 = arith.addi %add3A_195, %mul3A_194 : i32
        %swap3A = arith.index_cast %add3A_196 : i32 to index
        %swap3A_197 = tpu.vector_load %arg8[%swap3A] {strides = array<i32>} : memref<16384xf32, #tpu.memory_space<vmem>>, vector<16xf32>,
        tpu.vector_store %arg8[%swap3A], %gather3A {add = true, strides = array<i32>} : memref<16384xf32, #tpu.memory_space<vmem>>, vector<16xf32>,
        %scan3A_198 = arith.constant 1 : i32
        %scan3A_199 = arith.addi %scan3A_189, %scan3A_198 : i32
        %mul3A_200 = arith.constant 16 : i32
        %mul3A_201 = arith.muli %scan3A_199, %mul3A_200 : i32
        %get3A_202 = arith.index_cast %mul3A_201 : i32 to index
        %get3A_203 = tpu.vector_load %arg6[%get3A_202] {strides = array<i32>} : memref<4096xi32, #tpu.memory_space<vmem>>, vector<16xi32>,
        %gather3A_204 = tpu.vector_load_idx %arg5[%get3A_203] : memref<100000xf32, #tpu.memory_space<vmem>>[vector<16xi32>], vector<16xf32>,
        %mul3A_205 = arith.constant 16 : i32
        %mul3A_206 = arith.muli %scan3A_199, %mul3A_205 : i32
        %add3A_207 = arith.constant 8192 : i32
        %add3A_208 = arith.addi %add3A_207, %mul3A_206 : i32
        %swap3A_209 = arith.index_cast %add3A_208 : i32 to index
        %swap3A_210 = tpu.vector_load %arg8[%swap3A_209] {strides = array<i32>} : memref<16384xf32, #tpu.memory_space<vmem>>, vector<16xf32>,
        tpu.vector_store %arg8[%swap3A_209], %gather3A_204 {add = true, strides = array<i32>} : memref<16384xf32, #tpu.memory_space<vmem>>, vector<16xf32>,
        %scan3A_211 = arith.constant 2 : i32
        %scan3A_212 = arith.addi %scan3A_189, %scan3A_211 : i32
        %mul3A_213 = arith.constant 16 : i32
        %mul3A_214 = arith.muli %scan3A_212, %mul3A_213 : i32
        %get3A_215 = arith.index_cast %mul3A_214 : i32 to index
        %get3A_216 = tpu.vector_load %arg6[%get3A_215] {strides = array<i32>} : memref<4096xi32, #tpu.memory_space<vmem>>, vector<16xi32>,
        %gather3A_217 = tpu.vector_load_idx %arg5[%get3A_216] : memref<100000xf32, #tpu.memory_space<vmem>>[vector<16xi32>], vector<16xf32>,
        %mul3A_218 = arith.constant 16 : i32
        %mul3A_219 = arith.muli %scan3A_212, %mul3A_218 : i32
        %add3A_220 = arith.constant 8192 : i32
        %add3A_221 = arith.addi %add3A_220, %mul3A_219 : i32
        %swap3A_222 = arith.index_cast %add3A_221 : i32 to index
        %swap3A_223 = tpu.vector_load %arg8[%swap3A_222] {strides = array<i32>} : memref<16384xf32, #tpu.memory_space<vmem>>, vector<16xf32>,
        tpu.vector_store %arg8[%swap3A_222], %gather3A_217 {add = true, strides = array<i32>} : memref<16384xf32, #tpu.memory_space<vmem>>, vector<16xf32>,
        %scan3A_224 = arith.constant 3 : i32
        %scan3A_225 = arith.addi %scan3A_189, %scan3A_224 : i32
        %mul3A_226 = arith.constant 16 : i32
        %mul3A_227 = arith.muli %scan3A_225, %mul3A_226 : i32
        %get3A_228 = arith.index_cast %mul3A_227 : i32 to index
        %get3A_229 = tpu.vector_load %arg6[%get3A_228] {strides = array<i32>} : memref<4096xi32, #tpu.memory_space<vmem>>, vector<16xi32>,
        %gather3A_230 = tpu.vector_load_idx %arg5[%get3A_229] : memref<100000xf32, #tpu.memory_space<vmem>>[vector<16xi32>], vector<16xf32>,
        %mul3A_231 = arith.constant 16 : i32
        %mul3A_232 = arith.muli %scan3A_225, %mul3A_231 : i32
        %add3A_233 = arith.constant 8192 : i32
        %add3A_234 = arith.addi %add3A_233, %mul3A_232 : i32
        %swap3A_235 = arith.index_cast %add3A_234 : i32 to index
        %swap3A_236 = tpu.vector_load %arg8[%swap3A_235] {strides = array<i32>} : memref<16384xf32, #tpu.memory_space<vmem>>, vector<16xf32>,
        tpu.vector_store %arg8[%swap3A_235], %gather3A_230 {add = true, strides = array<i32>} : memref<16384xf32, #tpu.memory_space<vmem>>, vector<16xf32>,
        %scan3A_237 = arith.constant 4 : i32
        %scan3A_238 = arith.addi %scan3A_189, %scan3A_237 : i32
        %mul3A_239 = arith.constant 16 : i32
        %mul3A_240 = arith.muli %scan3A_238, %mul3A_239 : i32
        %get3A_241 = arith.index_cast %mul3A_240 : i32 to index
        %get3A_242 = tpu.vector_load %arg6[%get3A_241] {strides = array<i32>} : memref<4096xi32, #tpu.memory_space<vmem>>, vector<16xi32>,
        %gather3A_243 = tpu.vector_load_idx %arg5[%get3A_242] : memref<100000xf32, #tpu.memory_space<vmem>>[vector<16xi32>], vector<16xf32>,
        %mul3A_244 = arith.constant 16 : i32
        %mul3A_245 = arith.muli %scan3A_238, %mul3A_244 : i32
        %add3A_246 = arith.constant 8192 : i32
        %add3A_247 = arith.addi %add3A_246, %mul3A_245 : i32
        %swap3A_248 = arith.index_cast %add3A_247 : i32 to index
        %swap3A_249 = tpu.vector_load %arg8[%swap3A_248] {strides = array<i32>} : memref<16384xf32, #tpu.memory_space<vmem>>, vector<16xf32>,
        tpu.vector_store %arg8[%swap3A_248], %gather3A_243 {add = true, strides = array<i32>} : memref<16384xf32, #tpu.memory_space<vmem>>, vector<16xf32>,
        %scan3A_250 = arith.constant 5 : i32
        %scan3A_251 = arith.addi %scan3A_189, %scan3A_250 : i32
        %mul3A_252 = arith.constant 16 : i32
        %mul3A_253 = arith.muli %scan3A_251, %mul3A_252 : i32
        %get3A_254 = arith.index_cast %mul3A_253 : i32 to index
        %get3A_255 = tpu.vector_load %arg6[%get3A_254] {strides = array<i32>} : memref<4096xi32, #tpu.memory_space<vmem>>, vector<16xi32>,
        %gather3A_256 = tpu.vector_load_idx %arg5[%get3A_255] : memref<100000xf32, #tpu.memory_space<vmem>>[vector<16xi32>], vector<16xf32>,
        %mul3A_257 = arith.constant 16 : i32
        %mul3A_258 = arith.muli %scan3A_251, %mul3A_257 : i32
        %add3A_259 = arith.constant 8192 : i32
        %add3A_260 = arith.addi %add3A_259, %mul3A_258 : i32
        %swap3A_261 = arith.index_cast %add3A_260 : i32 to index
        %swap3A_262 = tpu.vector_load %arg8[%swap3A_261] {strides = array<i32>} : memref<16384xf32, #tpu.memory_space<vmem>>, vector<16xf32>,
        tpu.vector_store %arg8[%swap3A_261], %gather3A_256 {add = true, strides = array<i32>} : memref<16384xf32, #tpu.memory_space<vmem>>, vector<16xf32>,
        %scan3A_263 = arith.constant 6 : i32
        %scan3A_264 = arith.addi %scan3A_189, %scan3A_263 : i32
        %mul3A_265 = arith.constant 16 : i32
        %mul3A_266 = arith.muli %scan3A_264, %mul3A_265 : i32
        %get3A_267 = arith.index_cast %mul3A_266 : i32 to index
        %get3A_268 = tpu.vector_load %arg6[%get3A_267] {strides = array<i32>} : memref<4096xi32, #tpu.memory_space<vmem>>, vector<16xi32>,
        %gather3A_269 = tpu.vector_load_idx %arg5[%get3A_268] : memref<100000xf32, #tpu.memory_space<vmem>>[vector<16xi32>], vector<16xf32>,
        %mul3A_270 = arith.constant 16 : i32
        %mul3A_271 = arith.muli %scan3A_264, %mul3A_270 : i32
        %add3A_272 = arith.constant 8192 : i32
        %add3A_273 = arith.addi %add3A_272, %mul3A_271 : i32
        %swap3A_274 = arith.index_cast %add3A_273 : i32 to index
        %swap3A_275 = tpu.vector_load %arg8[%swap3A_274] {strides = array<i32>} : memref<16384xf32, #tpu.memory_space<vmem>>, vector<16xf32>,
        tpu.vector_store %arg8[%swap3A_274], %gather3A_269 {add = true, strides = array<i32>} : memref<16384xf32, #tpu.memory_space<vmem>>, vector<16xf32>,
        %scan3A_276 = arith.constant 7 : i32
        %scan3A_277 = arith.addi %scan3A_189, %scan3A_276 : i32
        %mul3A_278 = arith.constant 16 : i32
        %mul3A_279 = arith.muli %scan3A_277, %mul3A_278 : i32
        %get3A_280 = arith.index_cast %mul3A_279 : i32 to index
        %get3A_281 = tpu.vector_load %arg6[%get3A_280] {strides = array<i32>} : memref<4096xi32, #tpu.memory_space<vmem>>, vector<16xi32>,
        %gather3A_282 = tpu.vector_load_idx %arg5[%get3A_281] : memref<100000xf32, #tpu.memory_space<vmem>>[vector<16xi32>], vector<16xf32>,
        %mul3A_283 = arith.constant 16 : i32
        %mul3A_284 = arith.muli %scan3A_277, %mul3A_283 : i32
        %add3A_285 = arith.constant 8192 : i32
        %add3A_286 = arith.addi %add3A_285, %mul3A_284 : i32
        %swap3A_287 = arith.index_cast %add3A_286 : i32 to index
        %swap3A_288 = tpu.vector_load %arg8[%swap3A_287] {strides = array<i32>} : memref<16384xf32, #tpu.memory_space<vmem>>, vector<16xf32>,
        tpu.vector_store %arg8[%swap3A_287], %gather3A_282 {add = true, strides = array<i32>} : memref<16384xf32, #tpu.memory_space<vmem>>, vector<16xf32>,
        %scan3A_289 = arith.constant 8 : i32
        %scan3A_290 = arith.addi %scan3A_189, %scan3A_289 : i32
        %mul3A_291 = arith.constant 16 : i32
        %mul3A_292 = arith.muli %scan3A_290, %mul3A_291 : i32
        %get3A_293 = arith.index_cast %mul3A_292 : i32 to index
        %get3A_294 = tpu.vector_load %arg6[%get3A_293] {strides = array<i32>} : memref<4096xi32, #tpu.memory_space<vmem>>, vector<16xi32>,
        %gather3A_295 = tpu.vector_load_idx %arg5[%get3A_294] : memref<100000xf32, #tpu.memory_space<vmem>>[vector<16xi32>], vector<16xf32>,
        %mul3A_296 = arith.constant 16 : i32
        %mul3A_297 = arith.muli %scan3A_290, %mul3A_296 : i32
        %add3A_298 = arith.constant 8192 : i32
        %add3A_299 = arith.addi %add3A_298, %mul3A_297 : i32
        %swap3A_300 = arith.index_cast %add3A_299 : i32 to index
        %swap3A_301 = tpu.vector_load %arg8[%swap3A_300] {strides = array<i32>} : memref<16384xf32, #tpu.memory_space<vmem>>, vector<16xf32>,
        tpu.vector_store %arg8[%swap3A_300], %gather3A_295 {add = true, strides = array<i32>} : memref<16384xf32, #tpu.memory_space<vmem>>, vector<16xf32>,
        %scan3A_302 = arith.constant 9 : i32
        %scan3A_303 = arith.addi %scan3A_189, %scan3A_302 : i32
        %mul3A_304 = arith.constant 16 : i32
        %mul3A_305 = arith.muli %scan3A_303, %mul3A_304 : i32
        %get3A_306 = arith.index_cast %mul3A_305 : i32 to index
        %get3A_307 = tpu.vector_load %arg6[%get3A_306] {strides = array<i32>} : memref<4096xi32, #tpu.memory_space<vmem>>, vector<16xi32>,
        %gather3A_308 = tpu.vector_load_idx %arg5[%get3A_307] : memref<100000xf32, #tpu.memory_space<vmem>>[vector<16xi32>], vector<16xf32>,
        %mul3A_309 = arith.constant 16 : i32
        %mul3A_310 = arith.muli %scan3A_303, %mul3A_309 : i32
        %add3A_311 = arith.constant 8192 : i32
        %add3A_312 = arith.addi %add3A_311, %mul3A_310 : i32
        %swap3A_313 = arith.index_cast %add3A_312 : i32 to index
        %swap3A_314 = tpu.vector_load %arg8[%swap3A_313] {strides = array<i32>} : memref<16384xf32, #tpu.memory_space<vmem>>, vector<16xf32>,
        tpu.vector_store %arg8[%swap3A_313], %gather3A_308 {add = true, strides = array<i32>} : memref<16384xf32, #tpu.memory_space<vmem>>, vector<16xf32>,
        %scan3A_315 = arith.constant 10 : i32
        %scan3A_316 = arith.addi %scan3A_189, %scan3A_315 : i32
        %mul3A_317 = arith.constant 16 : i32
        %mul3A_318 = arith.muli %scan3A_316, %mul3A_317 : i32
        %get3A_319 = arith.index_cast %mul3A_318 : i32 to index
        %get3A_320 = tpu.vector_load %arg6[%get3A_319] {strides = array<i32>} : memref<4096xi32, #tpu.memory_space<vmem>>, vector<16xi32>,
        %gather3A_321 = tpu.vector_load_idx %arg5[%get3A_320] : memref<100000xf32, #tpu.memory_space<vmem>>[vector<16xi32>], vector<16xf32>,
        %mul3A_322 = arith.constant 16 : i32
        %mul3A_323 = arith.muli %scan3A_316, %mul3A_322 : i32
        %add3A_324 = arith.constant 8192 : i32
        %add3A_325 = arith.addi %add3A_324, %mul3A_323 : i32
        %swap3A_326 = arith.index_cast %add3A_325 : i32 to index
        %swap3A_327 = tpu.vector_load %arg8[%swap3A_326] {strides = array<i32>} : memref<16384xf32, #tpu.memory_space<vmem>>, vector<16xf32>,
        tpu.vector_store %arg8[%swap3A_326], %gather3A_321 {add = true, strides = array<i32>} : memref<16384xf32, #tpu.memory_space<vmem>>, vector<16xf32>,
        %scan3A_328 = arith.constant 11 : i32
        %scan3A_329 = arith.addi %scan3A_189, %scan3A_328 : i32
        %mul3A_330 = arith.constant 16 : i32
        %mul3A_331 = arith.muli %scan3A_329, %mul3A_330 : i32
        %get3A_332 = arith.index_cast %mul3A_331 : i32 to index
        %get3A_333 = tpu.vector_load %arg6[%get3A_332] {strides = array<i32>} : memref<4096xi32, #tpu.memory_space<vmem>>, vector<16xi32>,
        %gather3A_334 = tpu.vector_load_idx %arg5[%get3A_333] : memref<100000xf32, #tpu.memory_space<vmem>>[vector<16xi32>], vector<16xf32>,
        %mul3A_335 = arith.constant 16 : i32
        %mul3A_336 = arith.muli %scan3A_329, %mul3A_335 : i32
        %add3A_337 = arith.constant 8192 : i32
        %add3A_338 = arith.addi %add3A_337, %mul3A_336 : i32
        %swap3A_339 = arith.index_cast %add3A_338 : i32 to index
        %swap3A_340 = tpu.vector_load %arg8[%swap3A_339] {strides = array<i32>} : memref<16384xf32, #tpu.memory_space<vmem>>, vector<16xf32>,
        tpu.vector_store %arg8[%swap3A_339], %gather3A_334 {add = true, strides = array<i32>} : memref<16384xf32, #tpu.memory_space<vmem>>, vector<16xf32>,
        %scan3A_341 = arith.constant 12 : i32
        %scan3A_342 = arith.addi %scan3A_189, %scan3A_341 : i32
        %mul3A_343 = arith.constant 16 : i32
        %mul3A_344 = arith.muli %scan3A_342, %mul3A_343 : i32
        %get3A_345 = arith.index_cast %mul3A_344 : i32 to index
        %get3A_346 = tpu.vector_load %arg6[%get3A_345] {strides = array<i32>} : memref<4096xi32, #tpu.memory_space<vmem>>, vector<16xi32>,
        %gather3A_347 = tpu.vector_load_idx %arg5[%get3A_346] : memref<100000xf32, #tpu.memory_space<vmem>>[vector<16xi32>], vector<16xf32>,
        %mul3A_348 = arith.constant 16 : i32
        %mul3A_349 = arith.muli %scan3A_342, %mul3A_348 : i32
        %add3A_350 = arith.constant 8192 : i32
        %add3A_351 = arith.addi %add3A_350, %mul3A_349 : i32
        %swap3A_352 = arith.index_cast %add3A_351 : i32 to index
        %swap3A_353 = tpu.vector_load %arg8[%swap3A_352] {strides = array<i32>} : memref<16384xf32, #tpu.memory_space<vmem>>, vector<16xf32>,
        tpu.vector_store %arg8[%swap3A_352], %gather3A_347 {add = true, strides = array<i32>} : memref<16384xf32, #tpu.memory_space<vmem>>, vector<16xf32>,
        %scan3A_354 = arith.constant 13 : i32
        %scan3A_355 = arith.addi %scan3A_189, %scan3A_354 : i32
        %mul3A_356 = arith.constant 16 : i32
        %mul3A_357 = arith.muli %scan3A_355, %mul3A_356 : i32
        %get3A_358 = arith.index_cast %mul3A_357 : i32 to index
        %get3A_359 = tpu.vector_load %arg6[%get3A_358] {strides = array<i32>} : memref<4096xi32, #tpu.memory_space<vmem>>, vector<16xi32>,
        %gather3A_360 = tpu.vector_load_idx %arg5[%get3A_359] : memref<100000xf32, #tpu.memory_space<vmem>>[vector<16xi32>], vector<16xf32>,
        %mul3A_361 = arith.constant 16 : i32
        %mul3A_362 = arith.muli %scan3A_355, %mul3A_361 : i32
        %add3A_363 = arith.constant 8192 : i32
        %add3A_364 = arith.addi %add3A_363, %mul3A_362 : i32
        %swap3A_365 = arith.index_cast %add3A_364 : i32 to index
        %swap3A_366 = tpu.vector_load %arg8[%swap3A_365] {strides = array<i32>} : memref<16384xf32, #tpu.memory_space<vmem>>, vector<16xf32>,
        tpu.vector_store %arg8[%swap3A_365], %gather3A_360 {add = true, strides = array<i32>} : memref<16384xf32, #tpu.memory_space<vmem>>, vector<16xf32>,
        %scan3A_367 = arith.constant 14 : i32
        %scan3A_368 = arith.addi %scan3A_189, %scan3A_367 : i32
        %mul3A_369 = arith.constant 16 : i32
        %mul3A_370 = arith.muli %scan3A_368, %mul3A_369 : i32
        %get3A_371 = arith.index_cast %mul3A_370 : i32 to index
        %get3A_372 = tpu.vector_load %arg6[%get3A_371] {strides = array<i32>} : memref<4096xi32, #tpu.memory_space<vmem>>, vector<16xi32>,
        %gather3A_373 = tpu.vector_load_idx %arg5[%get3A_372] : memref<100000xf32, #tpu.memory_space<vmem>>[vector<16xi32>], vector<16xf32>,
        %mul3A_374 = arith.constant 16 : i32
        %mul3A_375 = arith.muli %scan3A_368, %mul3A_374 : i32
        %add3A_376 = arith.constant 8192 : i32
        %add3A_377 = arith.addi %add3A_376, %mul3A_375 : i32
        %swap3A_378 = arith.index_cast %add3A_377 : i32 to index
        %swap3A_379 = tpu.vector_load %arg8[%swap3A_378] {strides = array<i32>} : memref<16384xf32, #tpu.memory_space<vmem>>, vector<16xf32>,
        tpu.vector_store %arg8[%swap3A_378], %gather3A_373 {add = true, strides = array<i32>} : memref<16384xf32, #tpu.memory_space<vmem>>, vector<16xf32>,
        %scan3A_380 = arith.constant 15 : i32
        %scan3A_381 = arith.addi %scan3A_189, %scan3A_380 : i32
        %mul3A_382 = arith.constant 16 : i32
        %mul3A_383 = arith.muli %scan3A_381, %mul3A_382 : i32
        %get3A_384 = arith.index_cast %mul3A_383 : i32 to index
        %get3A_385 = tpu.vector_load %arg6[%get3A_384] {strides = array<i32>} : memref<4096xi32, #tpu.memory_space<vmem>>, vector<16xi32>,
        %gather3A_386 = tpu.vector_load_idx %arg5[%get3A_385] : memref<100000xf32, #tpu.memory_space<vmem>>[vector<16xi32>], vector<16xf32>,
        %mul3A_387 = arith.constant 16 : i32
        %mul3A_388 = arith.muli %scan3A_381, %mul3A_387 : i32
        %add3A_389 = arith.constant 8192 : i32
        %add3A_390 = arith.addi %add3A_389, %mul3A_388 : i32
        %swap3A_391 = arith.index_cast %add3A_390 : i32 to index
        %swap3A_392 = tpu.vector_load %arg8[%swap3A_391] {strides = array<i32>} : memref<16384xf32, #tpu.memory_space<vmem>>, vector<16xf32>,
        tpu.vector_store %arg8[%swap3A_391], %gather3A_386 {add = true, strides = array<i32>} : memref<16384xf32, #tpu.memory_space<vmem>>, vector<16xf32>,
      }
      %scan3A_176 = arith.constant 256 : i32
      %dma_wait3A_177 = arith.constant 12288 : i32
      %dma_wait3A_178 = tpu.memref_slice %arg2[%scan3A_104, %dma_wait3A_177] : memref<26x16384xi32, #tpu.memory_space<hbm>> -> memref<1x4096xi32, #tpu.memory_space<hbm>>
      %dma_wait3A_179 = tpu.memref_squeeze %dma_wait3A_178 : memref<1x4096xi32, #tpu.memory_space<hbm>> -> memref<4096xi32, #tpu.memory_space<hbm>>
      %dma_wait3A_180 = arith.constant 12288 : i32
      %dma_wait3A_181 = tpu.memref_slice %arg2[%scan3A_104, %dma_wait3A_180] : memref<26x16384xi32, #tpu.memory_space<hbm>> -> memref<1x4096xi32, #tpu.memory_space<hbm>>
      %dma_wait3A_182 = tpu.memref_squeeze %dma_wait3A_181 : memref<1x4096xi32, #tpu.memory_space<hbm>> -> memref<4096xi32, #tpu.memory_space<hbm>>
      tpu.wait_dma2 semaphore(%arg11 : memref<!tpu.dma_semaphore, #tpu.memory_space<semaphore_mem>>) src(%dma_wait3A_182 : memref<4096xi32, #tpu.memory_space<hbm>>) dst(%arg7 : memref<4096xi32, #tpu.memory_space<vmem>>)
      %scan3A_183 = arith.constant 0 : i32
      %scan3A_184 = arith.constant 0 : i32
      %scan3A_185 = arith.constant 256 : i32
      %scan3A_186 = arith.addi %scan3A_184, %scan3A_185 : i32
      %scan3A_187 = arith.constant 16 : i32
      scf.for %scan3A_189 = %scan3A_184 to %scan3A_186 step %scan3A_187  : i32 {
        %mul3A_190 = arith.constant 16 : i32
        %mul3A_191 = arith.muli %scan3A_189, %mul3A_190 : i32
        %get3A = arith.index_cast %mul3A_191 : i32 to index
        %get3A_192 = tpu.vector_load %arg7[%get3A] {strides = array<i32>} : memref<4096xi32, #tpu.memory_space<vmem>>, vector<16xi32>,
        %gather3A = tpu.vector_load_idx %arg5[%get3A_192] : memref<100000xf32, #tpu.memory_space<vmem>>[vector<16xi32>], vector<16xf32>,
        %mul3A_193 = arith.constant 16 : i32
        %mul3A_194 = arith.muli %scan3A_189, %mul3A_193 : i32
        %add3A_195 = arith.constant 12288 : i32
        %add3A_196 = arith.addi %add3A_195, %mul3A_194 : i32
        %swap3A = arith.index_cast %add3A_196 : i32 to index
        %swap3A_197 = tpu.vector_load %arg8[%swap3A] {strides = array<i32>} : memref<16384xf32, #tpu.memory_space<vmem>>, vector<16xf32>,
        tpu.vector_store %arg8[%swap3A], %gather3A {add = true, strides = array<i32>} : memref<16384xf32, #tpu.memory_space<vmem>>, vector<16xf32>,
        %scan3A_198 = arith.constant 1 : i32
        %scan3A_199 = arith.addi %scan3A_189, %scan3A_198 : i32
        %mul3A_200 = arith.constant 16 : i32
        %mul3A_201 = arith.muli %scan3A_199, %mul3A_200 : i32
        %get3A_202 = arith.index_cast %mul3A_201 : i32 to index
        %get3A_203 = tpu.vector_load %arg7[%get3A_202] {strides = array<i32>} : memref<4096xi32, #tpu.memory_space<vmem>>, vector<16xi32>,
        %gather3A_204 = tpu.vector_load_idx %arg5[%get3A_203] : memref<100000xf32, #tpu.memory_space<vmem>>[vector<16xi32>], vector<16xf32>,
        %mul3A_205 = arith.constant 16 : i32
        %mul3A_206 = arith.muli %scan3A_199, %mul3A_205 : i32
        %add3A_207 = arith.constant 12288 : i32
        %add3A_208 = arith.addi %add3A_207, %mul3A_206 : i32
        %swap3A_209 = arith.index_cast %add3A_208 : i32 to index
        %swap3A_210 = tpu.vector_load %arg8[%swap3A_209] {strides = array<i32>} : memref<16384xf32, #tpu.memory_space<vmem>>, vector<16xf32>,
        tpu.vector_store %arg8[%swap3A_209], %gather3A_204 {add = true, strides = array<i32>} : memref<16384xf32, #tpu.memory_space<vmem>>, vector<16xf32>,
        %scan3A_211 = arith.constant 2 : i32
        %scan3A_212 = arith.addi %scan3A_189, %scan3A_211 : i32
        %mul3A_213 = arith.constant 16 : i32
        %mul3A_214 = arith.muli %scan3A_212, %mul3A_213 : i32
        %get3A_215 = arith.index_cast %mul3A_214 : i32 to index
        %get3A_216 = tpu.vector_load %arg7[%get3A_215] {strides = array<i32>} : memref<4096xi32, #tpu.memory_space<vmem>>, vector<16xi32>,
        %gather3A_217 = tpu.vector_load_idx %arg5[%get3A_216] : memref<100000xf32, #tpu.memory_space<vmem>>[vector<16xi32>], vector<16xf32>,
        %mul3A_218 = arith.constant 16 : i32
        %mul3A_219 = arith.muli %scan3A_212, %mul3A_218 : i32
        %add3A_220 = arith.constant 12288 : i32
        %add3A_221 = arith.addi %add3A_220, %mul3A_219 : i32
        %swap3A_222 = arith.index_cast %add3A_221 : i32 to index
        %swap3A_223 = tpu.vector_load %arg8[%swap3A_222] {strides = array<i32>} : memref<16384xf32, #tpu.memory_space<vmem>>, vector<16xf32>,
        tpu.vector_store %arg8[%swap3A_222], %gather3A_217 {add = true, strides = array<i32>} : memref<16384xf32, #tpu.memory_space<vmem>>, vector<16xf32>,
        %scan3A_224 = arith.constant 3 : i32
        %scan3A_225 = arith.addi %scan3A_189, %scan3A_224 : i32
        %mul3A_226 = arith.constant 16 : i32
        %mul3A_227 = arith.muli %scan3A_225, %mul3A_226 : i32
        %get3A_228 = arith.index_cast %mul3A_227 : i32 to index
        %get3A_229 = tpu.vector_load %arg7[%get3A_228] {strides = array<i32>} : memref<4096xi32, #tpu.memory_space<vmem>>, vector<16xi32>,
        %gather3A_230 = tpu.vector_load_idx %arg5[%get3A_229] : memref<100000xf32, #tpu.memory_space<vmem>>[vector<16xi32>], vector<16xf32>,
        %mul3A_231 = arith.constant 16 : i32
        %mul3A_232 = arith.muli %scan3A_225, %mul3A_231 : i32
        %add3A_233 = arith.constant 12288 : i32
        %add3A_234 = arith.addi %add3A_233, %mul3A_232 : i32
        %swap3A_235 = arith.index_cast %add3A_234 : i32 to index
        %swap3A_236 = tpu.vector_load %arg8[%swap3A_235] {strides = array<i32>} : memref<16384xf32, #tpu.memory_space<vmem>>, vector<16xf32>,
        tpu.vector_store %arg8[%swap3A_235], %gather3A_230 {add = true, strides = array<i32>} : memref<16384xf32, #tpu.memory_space<vmem>>, vector<16xf32>,
        %scan3A_237 = arith.constant 4 : i32
        %scan3A_238 = arith.addi %scan3A_189, %scan3A_237 : i32
        %mul3A_239 = arith.constant 16 : i32
        %mul3A_240 = arith.muli %scan3A_238, %mul3A_239 : i32
        %get3A_241 = arith.index_cast %mul3A_240 : i32 to index
        %get3A_242 = tpu.vector_load %arg7[%get3A_241] {strides = array<i32>} : memref<4096xi32, #tpu.memory_space<vmem>>, vector<16xi32>,
        %gather3A_243 = tpu.vector_load_idx %arg5[%get3A_242] : memref<100000xf32, #tpu.memory_space<vmem>>[vector<16xi32>], vector<16xf32>,
        %mul3A_244 = arith.constant 16 : i32
        %mul3A_245 = arith.muli %scan3A_238, %mul3A_244 : i32
        %add3A_246 = arith.constant 12288 : i32
        %add3A_247 = arith.addi %add3A_246, %mul3A_245 : i32
        %swap3A_248 = arith.index_cast %add3A_247 : i32 to index
        %swap3A_249 = tpu.vector_load %arg8[%swap3A_248] {strides = array<i32>} : memref<16384xf32, #tpu.memory_space<vmem>>, vector<16xf32>,
        tpu.vector_store %arg8[%swap3A_248], %gather3A_243 {add = true, strides = array<i32>} : memref<16384xf32, #tpu.memory_space<vmem>>, vector<16xf32>,
        %scan3A_250 = arith.constant 5 : i32
        %scan3A_251 = arith.addi %scan3A_189, %scan3A_250 : i32
        %mul3A_252 = arith.constant 16 : i32
        %mul3A_253 = arith.muli %scan3A_251, %mul3A_252 : i32
        %get3A_254 = arith.index_cast %mul3A_253 : i32 to index
        %get3A_255 = tpu.vector_load %arg7[%get3A_254] {strides = array<i32>} : memref<4096xi32, #tpu.memory_space<vmem>>, vector<16xi32>,
        %gather3A_256 = tpu.vector_load_idx %arg5[%get3A_255] : memref<100000xf32, #tpu.memory_space<vmem>>[vector<16xi32>], vector<16xf32>,
        %mul3A_257 = arith.constant 16 : i32
        %mul3A_258 = arith.muli %scan3A_251, %mul3A_257 : i32
        %add3A_259 = arith.constant 12288 : i32
        %add3A_260 = arith.addi %add3A_259, %mul3A_258 : i32
        %swap3A_261 = arith.index_cast %add3A_260 : i32 to index
        %swap3A_262 = tpu.vector_load %arg8[%swap3A_261] {strides = array<i32>} : memref<16384xf32, #tpu.memory_space<vmem>>, vector<16xf32>,
        tpu.vector_store %arg8[%swap3A_261], %gather3A_256 {add = true, strides = array<i32>} : memref<16384xf32, #tpu.memory_space<vmem>>, vector<16xf32>,
        %scan3A_263 = arith.constant 6 : i32
        %scan3A_264 = arith.addi %scan3A_189, %scan3A_263 : i32
        %mul3A_265 = arith.constant 16 : i32
        %mul3A_266 = arith.muli %scan3A_264, %mul3A_265 : i32
        %get3A_267 = arith.index_cast %mul3A_266 : i32 to index
        %get3A_268 = tpu.vector_load %arg7[%get3A_267] {strides = array<i32>} : memref<4096xi32, #tpu.memory_space<vmem>>, vector<16xi32>,
        %gather3A_269 = tpu.vector_load_idx %arg5[%get3A_268] : memref<100000xf32, #tpu.memory_space<vmem>>[vector<16xi32>], vector<16xf32>,
        %mul3A_270 = arith.constant 16 : i32
        %mul3A_271 = arith.muli %scan3A_264, %mul3A_270 : i32
        %add3A_272 = arith.constant 12288 : i32
        %add3A_273 = arith.addi %add3A_272, %mul3A_271 : i32
        %swap3A_274 = arith.index_cast %add3A_273 : i32 to index
        %swap3A_275 = tpu.vector_load %arg8[%swap3A_274] {strides = array<i32>} : memref<16384xf32, #tpu.memory_space<vmem>>, vector<16xf32>,
        tpu.vector_store %arg8[%swap3A_274], %gather3A_269 {add = true, strides = array<i32>} : memref<16384xf32, #tpu.memory_space<vmem>>, vector<16xf32>,
        %scan3A_276 = arith.constant 7 : i32
        %scan3A_277 = arith.addi %scan3A_189, %scan3A_276 : i32
        %mul3A_278 = arith.constant 16 : i32
        %mul3A_279 = arith.muli %scan3A_277, %mul3A_278 : i32
        %get3A_280 = arith.index_cast %mul3A_279 : i32 to index
        %get3A_281 = tpu.vector_load %arg7[%get3A_280] {strides = array<i32>} : memref<4096xi32, #tpu.memory_space<vmem>>, vector<16xi32>,
        %gather3A_282 = tpu.vector_load_idx %arg5[%get3A_281] : memref<100000xf32, #tpu.memory_space<vmem>>[vector<16xi32>], vector<16xf32>,
        %mul3A_283 = arith.constant 16 : i32
        %mul3A_284 = arith.muli %scan3A_277, %mul3A_283 : i32
        %add3A_285 = arith.constant 12288 : i32
        %add3A_286 = arith.addi %add3A_285, %mul3A_284 : i32
        %swap3A_287 = arith.index_cast %add3A_286 : i32 to index
        %swap3A_288 = tpu.vector_load %arg8[%swap3A_287] {strides = array<i32>} : memref<16384xf32, #tpu.memory_space<vmem>>, vector<16xf32>,
        tpu.vector_store %arg8[%swap3A_287], %gather3A_282 {add = true, strides = array<i32>} : memref<16384xf32, #tpu.memory_space<vmem>>, vector<16xf32>,
        %scan3A_289 = arith.constant 8 : i32
        %scan3A_290 = arith.addi %scan3A_189, %scan3A_289 : i32
        %mul3A_291 = arith.constant 16 : i32
        %mul3A_292 = arith.muli %scan3A_290, %mul3A_291 : i32
        %get3A_293 = arith.index_cast %mul3A_292 : i32 to index
        %get3A_294 = tpu.vector_load %arg7[%get3A_293] {strides = array<i32>} : memref<4096xi32, #tpu.memory_space<vmem>>, vector<16xi32>,
        %gather3A_295 = tpu.vector_load_idx %arg5[%get3A_294] : memref<100000xf32, #tpu.memory_space<vmem>>[vector<16xi32>], vector<16xf32>,
        %mul3A_296 = arith.constant 16 : i32
        %mul3A_297 = arith.muli %scan3A_290, %mul3A_296 : i32
        %add3A_298 = arith.constant 12288 : i32
        %add3A_299 = arith.addi %add3A_298, %mul3A_297 : i32
        %swap3A_300 = arith.index_cast %add3A_299 : i32 to index
        %swap3A_301 = tpu.vector_load %arg8[%swap3A_300] {strides = array<i32>} : memref<16384xf32, #tpu.memory_space<vmem>>, vector<16xf32>,
        tpu.vector_store %arg8[%swap3A_300], %gather3A_295 {add = true, strides = array<i32>} : memref<16384xf32, #tpu.memory_space<vmem>>, vector<16xf32>,
        %scan3A_302 = arith.constant 9 : i32
        %scan3A_303 = arith.addi %scan3A_189, %scan3A_302 : i32
        %mul3A_304 = arith.constant 16 : i32
        %mul3A_305 = arith.muli %scan3A_303, %mul3A_304 : i32
        %get3A_306 = arith.index_cast %mul3A_305 : i32 to index
        %get3A_307 = tpu.vector_load %arg7[%get3A_306] {strides = array<i32>} : memref<4096xi32, #tpu.memory_space<vmem>>, vector<16xi32>,
        %gather3A_308 = tpu.vector_load_idx %arg5[%get3A_307] : memref<100000xf32, #tpu.memory_space<vmem>>[vector<16xi32>], vector<16xf32>,
        %mul3A_309 = arith.constant 16 : i32
        %mul3A_310 = arith.muli %scan3A_303, %mul3A_309 : i32
        %add3A_311 = arith.constant 12288 : i32
        %add3A_312 = arith.addi %add3A_311, %mul3A_310 : i32
        %swap3A_313 = arith.index_cast %add3A_312 : i32 to index
        %swap3A_314 = tpu.vector_load %arg8[%swap3A_313] {strides = array<i32>} : memref<16384xf32, #tpu.memory_space<vmem>>, vector<16xf32>,
        tpu.vector_store %arg8[%swap3A_313], %gather3A_308 {add = true, strides = array<i32>} : memref<16384xf32, #tpu.memory_space<vmem>>, vector<16xf32>,
        %scan3A_315 = arith.constant 10 : i32
        %scan3A_316 = arith.addi %scan3A_189, %scan3A_315 : i32
        %mul3A_317 = arith.constant 16 : i32
        %mul3A_318 = arith.muli %scan3A_316, %mul3A_317 : i32
        %get3A_319 = arith.index_cast %mul3A_318 : i32 to index
        %get3A_320 = tpu.vector_load %arg7[%get3A_319] {strides = array<i32>} : memref<4096xi32, #tpu.memory_space<vmem>>, vector<16xi32>,
        %gather3A_321 = tpu.vector_load_idx %arg5[%get3A_320] : memref<100000xf32, #tpu.memory_space<vmem>>[vector<16xi32>], vector<16xf32>,
        %mul3A_322 = arith.constant 16 : i32
        %mul3A_323 = arith.muli %scan3A_316, %mul3A_322 : i32
        %add3A_324 = arith.constant 12288 : i32
        %add3A_325 = arith.addi %add3A_324, %mul3A_323 : i32
        %swap3A_326 = arith.index_cast %add3A_325 : i32 to index
        %swap3A_327 = tpu.vector_load %arg8[%swap3A_326] {strides = array<i32>} : memref<16384xf32, #tpu.memory_space<vmem>>, vector<16xf32>,
        tpu.vector_store %arg8[%swap3A_326], %gather3A_321 {add = true, strides = array<i32>} : memref<16384xf32, #tpu.memory_space<vmem>>, vector<16xf32>,
        %scan3A_328 = arith.constant 11 : i32
        %scan3A_329 = arith.addi %scan3A_189, %scan3A_328 : i32
        %mul3A_330 = arith.constant 16 : i32
        %mul3A_331 = arith.muli %scan3A_329, %mul3A_330 : i32
        %get3A_332 = arith.index_cast %mul3A_331 : i32 to index
        %get3A_333 = tpu.vector_load %arg7[%get3A_332] {strides = array<i32>} : memref<4096xi32, #tpu.memory_space<vmem>>, vector<16xi32>,
        %gather3A_334 = tpu.vector_load_idx %arg5[%get3A_333] : memref<100000xf32, #tpu.memory_space<vmem>>[vector<16xi32>], vector<16xf32>,
        %mul3A_335 = arith.constant 16 : i32
        %mul3A_336 = arith.muli %scan3A_329, %mul3A_335 : i32
        %add3A_337 = arith.constant 12288 : i32
        %add3A_338 = arith.addi %add3A_337, %mul3A_336 : i32
        %swap3A_339 = arith.index_cast %add3A_338 : i32 to index
        %swap3A_340 = tpu.vector_load %arg8[%swap3A_339] {strides = array<i32>} : memref<16384xf32, #tpu.memory_space<vmem>>, vector<16xf32>,
        tpu.vector_store %arg8[%swap3A_339], %gather3A_334 {add = true, strides = array<i32>} : memref<16384xf32, #tpu.memory_space<vmem>>, vector<16xf32>,
        %scan3A_341 = arith.constant 12 : i32
        %scan3A_342 = arith.addi %scan3A_189, %scan3A_341 : i32
        %mul3A_343 = arith.constant 16 : i32
        %mul3A_344 = arith.muli %scan3A_342, %mul3A_343 : i32
        %get3A_345 = arith.index_cast %mul3A_344 : i32 to index
        %get3A_346 = tpu.vector_load %arg7[%get3A_345] {strides = array<i32>} : memref<4096xi32, #tpu.memory_space<vmem>>, vector<16xi32>,
        %gather3A_347 = tpu.vector_load_idx %arg5[%get3A_346] : memref<100000xf32, #tpu.memory_space<vmem>>[vector<16xi32>], vector<16xf32>,
        %mul3A_348 = arith.constant 16 : i32
        %mul3A_349 = arith.muli %scan3A_342, %mul3A_348 : i32
        %add3A_350 = arith.constant 12288 : i32
        %add3A_351 = arith.addi %add3A_350, %mul3A_349 : i32
        %swap3A_352 = arith.index_cast %add3A_351 : i32 to index
        %swap3A_353 = tpu.vector_load %arg8[%swap3A_352] {strides = array<i32>} : memref<16384xf32, #tpu.memory_space<vmem>>, vector<16xf32>,
        tpu.vector_store %arg8[%swap3A_352], %gather3A_347 {add = true, strides = array<i32>} : memref<16384xf32, #tpu.memory_space<vmem>>, vector<16xf32>,
        %scan3A_354 = arith.constant 13 : i32
        %scan3A_355 = arith.addi %scan3A_189, %scan3A_354 : i32
        %mul3A_356 = arith.constant 16 : i32
        %mul3A_357 = arith.muli %scan3A_355, %mul3A_356 : i32
        %get3A_358 = arith.index_cast %mul3A_357 : i32 to index
        %get3A_359 = tpu.vector_load %arg7[%get3A_358] {strides = array<i32>} : memref<4096xi32, #tpu.memory_space<vmem>>, vector<16xi32>,
        %gather3A_360 = tpu.vector_load_idx %arg5[%get3A_359] : memref<100000xf32, #tpu.memory_space<vmem>>[vector<16xi32>], vector<16xf32>,
        %mul3A_361 = arith.constant 16 : i32
        %mul3A_362 = arith.muli %scan3A_355, %mul3A_361 : i32
        %add3A_363 = arith.constant 12288 : i32
        %add3A_364 = arith.addi %add3A_363, %mul3A_362 : i32
        %swap3A_365 = arith.index_cast %add3A_364 : i32 to index
        %swap3A_366 = tpu.vector_load %arg8[%swap3A_365] {strides = array<i32>} : memref<16384xf32, #tpu.memory_space<vmem>>, vector<16xf32>,
        tpu.vector_store %arg8[%swap3A_365], %gather3A_360 {add = true, strides = array<i32>} : memref<16384xf32, #tpu.memory_space<vmem>>, vector<16xf32>,
        %scan3A_367 = arith.constant 14 : i32
        %scan3A_368 = arith.addi %scan3A_189, %scan3A_367 : i32
        %mul3A_369 = arith.constant 16 : i32
        %mul3A_370 = arith.muli %scan3A_368, %mul3A_369 : i32
        %get3A_371 = arith.index_cast %mul3A_370 : i32 to index
        %get3A_372 = tpu.vector_load %arg7[%get3A_371] {strides = array<i32>} : memref<4096xi32, #tpu.memory_space<vmem>>, vector<16xi32>,
        %gather3A_373 = tpu.vector_load_idx %arg5[%get3A_372] : memref<100000xf32, #tpu.memory_space<vmem>>[vector<16xi32>], vector<16xf32>,
        %mul3A_374 = arith.constant 16 : i32
        %mul3A_375 = arith.muli %scan3A_368, %mul3A_374 : i32
        %add3A_376 = arith.constant 12288 : i32
        %add3A_377 = arith.addi %add3A_376, %mul3A_375 : i32
        %swap3A_378 = arith.index_cast %add3A_377 : i32 to index
        %swap3A_379 = tpu.vector_load %arg8[%swap3A_378] {strides = array<i32>} : memref<16384xf32, #tpu.memory_space<vmem>>, vector<16xf32>,
        tpu.vector_store %arg8[%swap3A_378], %gather3A_373 {add = true, strides = array<i32>} : memref<16384xf32, #tpu.memory_space<vmem>>, vector<16xf32>,
        %scan3A_380 = arith.constant 15 : i32
        %scan3A_381 = arith.addi %scan3A_189, %scan3A_380 : i32
        %mul3A_382 = arith.constant 16 : i32
        %mul3A_383 = arith.muli %scan3A_381, %mul3A_382 : i32
        %get3A_384 = arith.index_cast %mul3A_383 : i32 to index
        %get3A_385 = tpu.vector_load %arg7[%get3A_384] {strides = array<i32>} : memref<4096xi32, #tpu.memory_space<vmem>>, vector<16xi32>,
        %gather3A_386 = tpu.vector_load_idx %arg5[%get3A_385] : memref<100000xf32, #tpu.memory_space<vmem>>[vector<16xi32>], vector<16xf32>,
        %mul3A_387 = arith.constant 16 : i32
        %mul3A_388 = arith.muli %scan3A_381, %mul3A_387 : i32
        %add3A_389 = arith.constant 12288 : i32
        %add3A_390 = arith.addi %add3A_389, %mul3A_388 : i32
        %swap3A_391 = arith.index_cast %add3A_390 : i32 to index
        %swap3A_392 = tpu.vector_load %arg8[%swap3A_391] {strides = array<i32>} : memref<16384xf32, #tpu.memory_space<vmem>>, vector<16xf32>,
        tpu.vector_store %arg8[%swap3A_391], %gather3A_386 {add = true, strides = array<i32>} : memref<16384xf32, #tpu.memory_space<vmem>>, vector<16xf32>,
      }
      %scan3A_188 = arith.constant 256 : i32
    }
    %scan3A_97 = arith.constant 25 : i32
    %scan3A_98 = arith.constant 0 : i32
    %scan3A_99 = arith.constant 0 : i32
    %scan3A_100 = arith.constant 1024 : i32
    %scan3A_101 = arith.addi %scan3A_99, %scan3A_100 : i32
    %scan3A_102 = arith.constant 8 : i32
    scf.for %scan3A_104 = %scan3A_99 to %scan3A_101 step %scan3A_102  : i32 {
      %mul3A_105 = arith.constant 16 : i32
      %mul3A_106 = arith.muli %scan3A_104, %mul3A_105 : i32
      %get3A = arith.index_cast %mul3A_106 : i32 to index
      %get3A_107 = tpu.vector_load %arg8[%get3A] {strides = array<i32>} : memref<16384xf32, #tpu.memory_space<vmem>>, vector<16xf32>,
      %mul3A_108 = arith.constant 0.0384615399 : f32
      %mul3A_109 = vector.broadcast %mul3A_108 : f32 to vector<16xf32>
      %mul3A_110 = arith.mulf %get3A_107, %mul3A_109 : vector<16xf32>
      %swap3A = arith.index_cast %mul3A_106 : i32 to index
      %swap3A_111 = tpu.vector_load %arg8[%swap3A] {strides = array<i32>} : memref<16384xf32, #tpu.memory_space<vmem>>, vector<16xf32>,
      tpu.vector_store %arg8[%swap3A], %mul3A_110 {strides = array<i32>} : memref<16384xf32, #tpu.memory_space<vmem>>, vector<16xf32>,
      %scan3A_112 = arith.constant 1 : i32
      %scan3A_113 = arith.addi %scan3A_104, %scan3A_112 : i32
      %mul3A_114 = arith.constant 16 : i32
      %mul3A_115 = arith.muli %scan3A_113, %mul3A_114 : i32
      %get3A_116 = arith.index_cast %mul3A_115 : i32 to index
      %get3A_117 = tpu.vector_load %arg8[%get3A_116] {strides = array<i32>} : memref<16384xf32, #tpu.memory_space<vmem>>, vector<16xf32>,
      %mul3A_118 = arith.constant 0.0384615399 : f32
      %mul3A_119 = vector.broadcast %mul3A_118 : f32 to vector<16xf32>
      %mul3A_120 = arith.mulf %get3A_117, %mul3A_119 : vector<16xf32>
      %swap3A_121 = arith.index_cast %mul3A_115 : i32 to index
      %swap3A_122 = tpu.vector_load %arg8[%swap3A_121] {strides = array<i32>} : memref<16384xf32, #tpu.memory_space<vmem>>, vector<16xf32>,
      tpu.vector_store %arg8[%swap3A_121], %mul3A_120 {strides = array<i32>} : memref<16384xf32, #tpu.memory_space<vmem>>, vector<16xf32>,
      %scan3A_123 = arith.constant 2 : i32
      %scan3A_124 = arith.addi %scan3A_104, %scan3A_123 : i32
      %mul3A_125 = arith.constant 16 : i32
      %mul3A_126 = arith.muli %scan3A_124, %mul3A_125 : i32
      %get3A_127 = arith.index_cast %mul3A_126 : i32 to index
      %get3A_128 = tpu.vector_load %arg8[%get3A_127] {strides = array<i32>} : memref<16384xf32, #tpu.memory_space<vmem>>, vector<16xf32>,
      %mul3A_129 = arith.constant 0.0384615399 : f32
      %mul3A_130 = vector.broadcast %mul3A_129 : f32 to vector<16xf32>
      %mul3A_131 = arith.mulf %get3A_128, %mul3A_130 : vector<16xf32>
      %swap3A_132 = arith.index_cast %mul3A_126 : i32 to index
      %swap3A_133 = tpu.vector_load %arg8[%swap3A_132] {strides = array<i32>} : memref<16384xf32, #tpu.memory_space<vmem>>, vector<16xf32>,
      tpu.vector_store %arg8[%swap3A_132], %mul3A_131 {strides = array<i32>} : memref<16384xf32, #tpu.memory_space<vmem>>, vector<16xf32>,
      %scan3A_134 = arith.constant 3 : i32
      %scan3A_135 = arith.addi %scan3A_104, %scan3A_134 : i32
      %mul3A_136 = arith.constant 16 : i32
      %mul3A_137 = arith.muli %scan3A_135, %mul3A_136 : i32
      %get3A_138 = arith.index_cast %mul3A_137 : i32 to index
      %get3A_139 = tpu.vector_load %arg8[%get3A_138] {strides = array<i32>} : memref<16384xf32, #tpu.memory_space<vmem>>, vector<16xf32>,
      %mul3A_140 = arith.constant 0.0384615399 : f32
      %mul3A_141 = vector.broadcast %mul3A_140 : f32 to vector<16xf32>
      %mul3A_142 = arith.mulf %get3A_139, %mul3A_141 : vector<16xf32>
      %swap3A_143 = arith.index_cast %mul3A_137 : i32 to index
      %swap3A_144 = tpu.vector_load %arg8[%swap3A_143] {strides = array<i32>} : memref<16384xf32, #tpu.memory_space<vmem>>, vector<16xf32>,
      tpu.vector_store %arg8[%swap3A_143], %mul3A_142 {strides = array<i32>} : memref<16384xf32, #tpu.memory_space<vmem>>, vector<16xf32>,
      %scan3A_145 = arith.constant 4 : i32
      %scan3A_146 = arith.addi %scan3A_104, %scan3A_145 : i32
      %mul3A_147 = arith.constant 16 : i32
      %mul3A_148 = arith.muli %scan3A_146, %mul3A_147 : i32
      %get3A_149 = arith.index_cast %mul3A_148 : i32 to index
      %get3A_150 = tpu.vector_load %arg8[%get3A_149] {strides = array<i32>} : memref<16384xf32, #tpu.memory_space<vmem>>, vector<16xf32>,
      %mul3A_151 = arith.constant 0.0384615399 : f32
      %mul3A_152 = vector.broadcast %mul3A_151 : f32 to vector<16xf32>
      %mul3A_153 = arith.mulf %get3A_150, %mul3A_152 : vector<16xf32>
      %swap3A_154 = arith.index_cast %mul3A_148 : i32 to index
      %swap3A_155 = tpu.vector_load %arg8[%swap3A_154] {strides = array<i32>} : memref<16384xf32, #tpu.memory_space<vmem>>, vector<16xf32>,
      tpu.vector_store %arg8[%swap3A_154], %mul3A_153 {strides = array<i32>} : memref<16384xf32, #tpu.memory_space<vmem>>, vector<16xf32>,
      %scan3A_156 = arith.constant 5 : i32
      %scan3A_157 = arith.addi %scan3A_104, %scan3A_156 : i32
      %mul3A_158 = arith.constant 16 : i32
      %mul3A_159 = arith.muli %scan3A_157, %mul3A_158 : i32
      %get3A_160 = arith.index_cast %mul3A_159 : i32 to index
      %get3A_161 = tpu.vector_load %arg8[%get3A_160] {strides = array<i32>} : memref<16384xf32, #tpu.memory_space<vmem>>, vector<16xf32>,
      %mul3A_162 = arith.constant 0.0384615399 : f32
      %mul3A_163 = vector.broadcast %mul3A_162 : f32 to vector<16xf32>
      %mul3A_164 = arith.mulf %get3A_161, %mul3A_163 : vector<16xf32>
      %swap3A_165 = arith.index_cast %mul3A_159 : i32 to index
      %swap3A_166 = tpu.vector_load %arg8[%swap3A_165] {strides = array<i32>} : memref<16384xf32, #tpu.memory_space<vmem>>, vector<16xf32>,
      tpu.vector_store %arg8[%swap3A_165], %mul3A_164 {strides = array<i32>} : memref<16384xf32, #tpu.memory_space<vmem>>, vector<16xf32>,
      %scan3A_167 = arith.constant 6 : i32
      %scan3A_168 = arith.addi %scan3A_104, %scan3A_167 : i32
      %mul3A_169 = arith.constant 16 : i32
      %mul3A_170 = arith.muli %scan3A_168, %mul3A_169 : i32
      %get3A_171 = arith.index_cast %mul3A_170 : i32 to index
      %get3A_172 = tpu.vector_load %arg8[%get3A_171] {strides = array<i32>} : memref<16384xf32, #tpu.memory_space<vmem>>, vector<16xf32>,
      %mul3A_173 = arith.constant 0.0384615399 : f32
      %mul3A_174 = vector.broadcast %mul3A_173 : f32 to vector<16xf32>
      %mul3A_175 = arith.mulf %get3A_172, %mul3A_174 : vector<16xf32>
      %swap3A_176 = arith.index_cast %mul3A_170 : i32 to index
      %swap3A_177 = tpu.vector_load %arg8[%swap3A_176] {strides = array<i32>} : memref<16384xf32, #tpu.memory_space<vmem>>, vector<16xf32>,
      tpu.vector_store %arg8[%swap3A_176], %mul3A_175 {strides = array<i32>} : memref<16384xf32, #tpu.memory_space<vmem>>, vector<16xf32>,
      %scan3A_178 = arith.constant 7 : i32
      %scan3A_179 = arith.addi %scan3A_104, %scan3A_178 : i32
      %mul3A_180 = arith.constant 16 : i32
      %mul3A_181 = arith.muli %scan3A_179, %mul3A_180 : i32
      %get3A_182 = arith.index_cast %mul3A_181 : i32 to index
      %get3A_183 = tpu.vector_load %arg8[%get3A_182] {strides = array<i32>} : memref<16384xf32, #tpu.memory_space<vmem>>, vector<16xf32>,
      %mul3A_184 = arith.constant 0.0384615399 : f32
      %mul3A_185 = vector.broadcast %mul3A_184 : f32 to vector<16xf32>
      %mul3A_186 = arith.mulf %get3A_183, %mul3A_185 : vector<16xf32>
      %swap3A_187 = arith.index_cast %mul3A_181 : i32 to index
      %swap3A_188 = tpu.vector_load %arg8[%swap3A_187] {strides = array<i32>} : memref<16384xf32, #tpu.memory_space<vmem>>, vector<16xf32>,
      tpu.vector_store %arg8[%swap3A_187], %mul3A_186 {strides = array<i32>} : memref<16384xf32, #tpu.memory_space<vmem>>, vector<16xf32>,
    }
    %scan3A_103 = arith.constant 1024 : i32
    "tpu.region"() ({
      %run_scoped3A = tpu.sem_alloc : memref<!tpu.dma_semaphore, #tpu.memory_space<semaphore_mem>>
      %dma_start3A_104 = arith.constant 0 : i32
      %dma_start3A_105 = tpu.memref_slice %arg4[%add3A, %dma_start3A_104] : memref<32x16384xf32, #tpu.memory_space<hbm>> -> memref<1x16384xf32, #tpu.memory_space<hbm>>
      %dma_start3A_106 = tpu.memref_squeeze %dma_start3A_105 : memref<1x16384xf32, #tpu.memory_space<hbm>> -> memref<16384xf32, #tpu.memory_space<hbm>>
      %dma_start3A_107 = arith.constant 0 : i32
      %dma_start3A_108 = tpu.memref_slice %arg4[%add3A, %dma_start3A_107] : memref<32x16384xf32, #tpu.memory_space<hbm>> -> memref<1x16384xf32, #tpu.memory_space<hbm>>
      %dma_start3A_109 = tpu.memref_squeeze %dma_start3A_108 : memref<1x16384xf32, #tpu.memory_space<hbm>> -> memref<16384xf32, #tpu.memory_space<hbm>>
      tpu.enqueue_dma source(%arg8 : memref<16384xf32, #tpu.memory_space<vmem>>) target(%dma_start3A_109 : memref<16384xf32, #tpu.memory_space<hbm>>) target_semaphore(%run_scoped3A : memref<!tpu.dma_semaphore, #tpu.memory_space<semaphore_mem>>)
      %dma_wait3A_110 = arith.constant 0 : i32
      %dma_wait3A_111 = tpu.memref_slice %arg4[%add3A, %dma_wait3A_110] : memref<32x16384xf32, #tpu.memory_space<hbm>> -> memref<1x16384xf32, #tpu.memory_space<hbm>>
      %dma_wait3A_112 = tpu.memref_squeeze %dma_wait3A_111 : memref<1x16384xf32, #tpu.memory_space<hbm>> -> memref<16384xf32, #tpu.memory_space<hbm>>
      %dma_wait3A_113 = arith.constant 0 : i32
      %dma_wait3A_114 = tpu.memref_slice %arg4[%add3A, %dma_wait3A_113] : memref<32x16384xf32, #tpu.memory_space<hbm>> -> memref<1x16384xf32, #tpu.memory_space<hbm>>
      %dma_wait3A_115 = tpu.memref_squeeze %dma_wait3A_114 : memref<1x16384xf32, #tpu.memory_space<hbm>> -> memref<16384xf32, #tpu.memory_space<hbm>>
      tpu.wait_dma2 semaphore(%run_scoped3A : memref<!tpu.dma_semaphore, #tpu.memory_space<semaphore_mem>>) src(%arg8 : memref<16384xf32, #tpu.memory_space<vmem>>) dst(%dma_wait3A_115 : memref<16384xf32, #tpu.memory_space<hbm>>)
      tpu.yield
    }) : () -> ()
    return
  }
}

</mosaic_0001>

<sc_bundles>
// kernel: kernel.3.cloned.1.call-start
scs
__scs_entry_jumppad:
0x0: {  	(pc) =	sbr.rel $0x88, $3  }
0x1: {  	(tag) =	ssettag $0x0;
	lr =	simm.s32 $0x1  }
0x2: {  	[smem:$0x3F9F] =	sst lr;
	_ =	strace $0xD0000000  }
0x3: {  	_ = 	snop  }
0x4: {  	_ = 	snop  }
0x5: {  	_ = 	snop  }
0x6: {  	_ = 	snop  }
0x7: {  	_ = 	snop  }
__scs_overlays_trampoline_lowered:
0x8: {  	[smem:$0x3FAE] =	sst s0  }
0x9: {  	[smem:$0x3FAF] =	sst s1  }
0xa: {  	[smem:$0x3FB0] =	sst s2  }
0xb: {  	[smem:$0x3FB1] =	sst s3  }
0xc: {  	[smem:$0x3FB2] =	sst s4  }
0xd: {  	[smem:$0x3FB3] =	sst s5  }
0xe: {  	[smem:$0x3FB4] =	sst s6  }
0xf: {  	[smem:$0x3FB5] =	sst s7  }
0x10: {  	[smem:$0x3FB6] =	sst s8  }
0x11: {  	[smem:$0x3FB7] =	sst s9;
	s0 =	simm.s32 @!p0 $0x0  }
0x12: {  	s1 =	sld [smem:$0x3F9D];
	s0 =	simm.s32 @p0 $0x1  }
0x13: {  	[smem:$0x3FB8] =	sst s0;
	s0 =	simm.s32 @!p1 $0x0  }
0x14: {  	s2 =	sld [smem:$0x3F9C];
	s0 =	simm.s32 @p1 $0x1  }
0x15: {  	[smem:$0x3FB9] =	sst s0;
	s0 =	simm.s32 @!p2 $0x0  }
0x16: {  	s3 =	sld [smem:$0x3FDB];
	s0 =	simm.s32 @p2 $0x1  }
0x17: {  	s4 =	simm.s32 $0x1BF5;
	[smem:$0x3FBB] =	sst s0  }
0x18: {  	s0 =	sld [smem:$0x3F9E];
	_ =	swait.ge [sflag:s4], $0x0  }
0x19: {  	s7 =	sld [smem:$0x3F9F]  }
0x1a: {  	s8 =	sadd.s32 $0xFFFFE003, lr  }
0x1b: {  	s9 =	sadd.s32 $0xFFFFFEF7, lr;
	s5 =	simm.s32 $0xFFFFFFFF;
	p2 =	slt.u32 s8, $0xFFFFF086  }
0x1c: {  	p1 =	slt.u32 s9, $0xF7A;
	s5 =	simm.s32 @!p2 $0x0  }
0x1d: {  	s5 =	simm.s32 @p1 $0x1;
	p0 =	seq.s32 s7, s2  }
0x1e: {  	s7 =	smul.u32 @!p0 $0xF7A, s2;
	p2 =	seq.s32 @!p0 s5, $0x0  }
0x1f: {  	s9 =	smul.u32 $0xF7A, s1;
	s8 =	simm.s32 @!p0 $0x1BF5;
	p2 =	por !p2, p0  }
0x20: {  	[sflag:s8] =	ssyncset.s32 @!p0 $0xFFFFF086;
	s6 =	sadd.s32 @!p0 s3, s7;
	s7 =	simm.s32 @!p0 $0x108  }
0x21: {  	s3 =	sadd.s32 s3, s9;
	s6 =	sadd.s32 @!p0 $0x88, s6;
	s7 =	simm.s32 @p2 $0x1082  }
0x22: {  	[simem:s7], [sflag:s8] =	dma.local @!p0 [hbm:s6], $0xF7A  }
0x23: {  	s9 =	sor.u32 $0xD0000000, s2;
	s6 =	simm.s32 $0x108;
	_ =	swait.ge @!p0 [sflag:s8], $0x0  }
0x24: {  	s3 =	sadd.s32 $0x88, s3;
	s6 =	simm.s32 @!p1 $0x1082;
	[sflag:s4] =	ssyncset.s32 $0xFFFFF086  }
0x25: {  	[simem:s6], [sflag:s4] =	dma.local [hbm:s3], $0xF7A  }
0x26: {  	[smem:$0x3F9F] =	sst s1;
	(tag) =	ssettag s2;
	_ =	strace s9  }
0x27: {  	s1 =	sld [smem:$0x3FAF]  }
0x28: {  	s2 =	sld [smem:$0x3FB0]  }
0x29: {  	s4 =	sld [smem:$0x3FB2]  }
0x2a: {  	p0 =	seq.s32 s5, $0x0;
	s5 =	sld [smem:$0x3FB3]  }
0x2b: {  	s6 =	sld [smem:$0x3FB4]  }
0x2c: {  	s7 =	sld [smem:$0x3FB5]  }
0x2d: {  	s3 =	simm.s32 $0x108;
	s8 =	sld [smem:$0x3FB6]  }
0x2e: {  	s3 =	simm.s32 @!p0 $0x1082;
	s9 =	sld [smem:$0x3FB7]  }
0x2f: {  	lr =	sadd.s32 s0, s3;
	s0 =	sld [smem:$0x3FAE]  }
0x30: {  	s3 =	sld [smem:$0x3FB1]  }
0x31: {  	[smem:$0x3FBA] =	sst s10  }
0x32: {  	s10 =	sld [smem:$0x3FB8];
	_ =	sdelay $0x3  }
0x33: {  	p0 =	seq.s32 s10, $0x1;
	s10 =	sld [smem:$0x3FBA];
	_ =	sdelay $0x3  }
0x34: {  	[smem:$0x3FBA] =	sst s10  }
0x35: {  	s10 =	sld [smem:$0x3FB9];
	_ =	sdelay $0x3  }
0x36: {  	p1 =	seq.s32 s10, $0x1;
	s10 =	sld [smem:$0x3FBA];
	_ =	sdelay $0x3  }
0x37: {  	[smem:$0x3FBA] =	sst s10  }
0x38: {  	s10 =	sld [smem:$0x3FBB]  }
0x39: {  	_ = 	snop;
	(pc) =	sbr.ind lr, $3  }
0x3a: {  	_ = 	snop  }
0x3b: {  	_ = 	snop  }
0x3c: {  	p2 =	seq.s32 s10, $0x1;
	s10 =	sld [smem:$0x3FBA]  }
0x3d: {  	_ =	shalt  }
0x3e: {  	_ =	shalt  }
0x3f: {  	_ =	shalt  }
0x40: {  	_ =	shalt  }
0x41: {  	_ =	shalt  }
0x42: {  	_ =	shalt  }
0x43: {  	_ =	shalt  }
0x44: {  	_ =	shalt  }
0x45: {  	_ =	shalt  }
0x46: {  	_ =	shalt  }
0x47: {  	_ =	shalt  }
0x48: {  	_ =	shalt  }
0x49: {  	_ =	shalt  }
0x4a: {  	_ =	shalt  }
0x4b: {  	_ =	shalt  }
0x4c: {  	_ =	shalt  }
0x4d: {  	_ =	shalt  }
0x4e: {  	_ =	shalt  }
0x4f: {  	_ =	shalt  }
0x50: {  	_ =	shalt  }
0x51: {  	_ =	shalt  }
0x52: {  	_ =	shalt  }
0x53: {  	_ =	shalt  }
0x54: {  	_ =	shalt  }
0x55: {  	_ =	shalt  }
0x56: {  	_ =	shalt  }
0x57: {  	_ =	shalt  }
0x58: {  	_ =	shalt  }
0x59: {  	_ =	shalt  }
0x5a: {  	_ =	shalt  }
0x5b: {  	_ =	shalt  }
0x5c: {  	_ =	shalt  }
0x5d: {  	_ =	shalt  }
0x5e: {  	_ =	shalt  }
0x5f: {  	_ =	shalt  }
0x60: {  	_ =	shalt  }
0x61: {  	_ =	shalt  }
0x62: {  	_ =	shalt  }
0x63: {  	_ =	shalt  }
0x64: {  	_ =	shalt  }
0x65: {  	_ =	shalt  }
0x66: {  	_ =	shalt  }
0x67: {  	_ =	shalt  }
0x68: {  	_ =	shalt  }
0x69: {  	_ =	shalt  }
0x6a: {  	_ =	shalt  }
0x6b: {  	_ =	shalt  }
0x6c: {  	_ =	shalt  }
0x6d: {  	_ =	shalt  }
0x6e: {  	_ =	shalt  }
0x6f: {  	_ =	shalt  }
0x70: {  	_ =	shalt  }
0x71: {  	_ =	shalt  }
0x72: {  	_ =	shalt  }
0x73: {  	_ =	shalt  }
0x74: {  	_ =	shalt  }
0x75: {  	_ =	shalt  }
0x76: {  	_ =	shalt  }
0x77: {  	_ =	shalt  }
0x78: {  	_ =	shalt  }
0x79: {  	_ =	shalt  }
0x7a: {  	_ =	shalt  }
0x7b: {  	_ =	shalt  }
0x7c: {  	_ =	shalt  }
0x7d: {  	_ =	shalt  }
0x7e: {  	_ =	shalt  }
0x7f: {  	_ =	shalt  }
0x80: {  	_ =	shalt  }
0x81: {  	_ =	shalt  }
0x82: {  	_ =	shalt  }
0x83: {  	_ =	shalt  }
0x84: {  	_ =	shalt  }
0x85: {  	_ =	shalt  }
0x86: {  	_ =	shalt  }
0x87: {  	_ =	shalt  }
.Lfunc_end0:
.L_simem_size_0:
called_computation_lowered:
.L_overlay_start_0:
0x88: {  	s2 =	sld [smem:$0x3FD9]  }
0x89: {  	s3 =	sld [smem:$0x3FFE];
	_ =	sdelay $0x1  }
0x8a: {  	s1 =	srdreg.scid  }
0x8b: {  	s0 =	sand.u32 $0x1, s1  }
0x8c: {  	s18 =	sshll.u32 s0, $0xA;
	s2 =	sadd.s32 s3, s2  }
0x8d: {  	s2 =	sadd.s32 s2, s18  }
0x8e: {  	[smem:$0x3FC6] =	sst s2  }
0x8f: {  	_ = 	snop  }
0x90: {  	s2 =	sld [smem:$0x3FC9]  }
0x91: {  	s19 =	sld [smem:$0x3FC8]  }
0x92: {  	s4 =	sld [smem:$0x3FD0];
	(tm) =	ssettm $0x1  }
0x93: {  	s5 =	sld [smem:$0x3FFB];
	_ =	sdelay $0x3  }
0x94: {  	_ =	strace s5  }
0x95: {  	s5 =	sld [smem:$0x3FFC];
	_ =	sdelay $0x3  }
0x96: {  	_ =	strace s5  }
0x97: {  	s5 =	sld [smem:$0x3FFD];
	_ =	sdelay $0x3  }
0x98: {  	_ =	strace s5  }
0x99: {  	_ =	strace $0x8FFFFFFF  }
0x9a: {  	s20 =	sld [smem:$0x3FDB];
	_ =	sdelay $0x1  }
0x9b: {  	s6 =	simm.s32 $_scs_section_size  }
0x9c: {  	s7 =	simm.s32 $_size__tile_overlayer_lowered;
	s8 =	simm.s32 $_tile_overlayer_lowered  }
0x9d: {  	s23 =	simm.s32 $0x1BFF;
	s22 =	sshll.u32 s8, $0x1;
	s5 =	sadd.s32 s6, s20  }
0x9e: {  	s9 =	simm.s32 $0x0;
	s21 =	sshll.u32 s7, $0x1;
	s7 =	sadd.s32 s22, s5  }
0x9f: {  	[timem:s9], [sflag:s23] =	dma.local [hbm:s7], s21  }
0xa0: {  	_ =	swait.ge [sflag:s23], s21  }
0xa1: {  	s6 =	ssub.s32 $0x0, s21;
	[sflag:s23] =	ssyncset.done $0x0  }
0xa2: {  	[sflag:s23] =	ssyncadd.s32 s6;
	_ =	sdelay $0x1  }
0xa3: {  	s24 =	simm.s32 $0x1B8B  }
0xa4: {  	_ =	swait.ge [sflag:s24], $0x1  }
0xa5: {  	[sflag:s24] =	ssyncset.done $0x0  }
0xa6: {  	s25 =	simm.s32 $0x1B8E;
	[sflag:s24] =	ssyncadd.s32 $0xFFFFFFFF  }
0xa7: {  	s26 =	simm.s32 $execute0_lowered;
	[smem:$0x3FD2] =	sst s25  }
0xa8: {  	s6 =	sshll.u32 s26, $0x1;
	_ =	strace $0x80000046;
	[dreg:$0x1] =	wrdreg $0xFFFFFFFF  }
0xa9: {  	s28 =	simm.s32 $_size_execute0_lowered;
	s5 =	sadd.s32 s5, s6;
	[dreg:$0x0] =	wrdreg $0x0  }
0xaa: {  	s6 =	sshll.u32 s28, $0x1;
	[dreg:$0x2] =	wrdreg s5  }
0xab: {  	[dreg:$0x3] =	wrdreg s6  }
0xac: {  	[dreg:$0x4] =	wrdreg $0xC0  }
0xad: {  	_ =	task [dreg:s9], $0x5FFFF  }
0xae: {  	[dreg:$0x1] =	wrdreg $0xFFFFFFFF  }
0xaf: {  	[dreg:$0x0] =	wrdreg $0x60  }
0xb0: {  	[dreg:$0x2] =	wrdreg s2  }
0xb1: {  	[dreg:$0x3] =	wrdreg s19  }
0xb2: {  	[dreg:$0x4] =	wrdreg s4  }
0xb3: {  	[dreg:$0x5] =	wrdreg $0x9  }
0xb4: {  	_ =	task.clear_ibuf [dreg:s9], $0x6FFFF;
	_ =	strace $0x90000046  }
0xb5: {  	s29 =	simm.s32 $0x9;
	_ =	strace $0x80000048  }
0xb6: {  	_ =	swait.ge [sflag:s29], $0x1  }
0xb7: {  	[sflag:s29] =	ssyncadd.s32 $0xFFFFFFFF  }
0xb8: {  	_ =	strace $0x90000048  }
0xb9: {  	_ =	sfence  }
0xba: {  	s30 =	sld [smem:$0x0];
	_ =	sdelay $0x2  }
0xbb: {  	s31 =	sshll.u32 s1, $0xD;
	s1 =	sshrl.u32 s1, $0x2  }
0xbc: {  	s3 =	sand.u32 $0x4000, s31;
	s1 =	sadd.s32 s1, s30  }
0xbd: {  	s0 =	sor.u32 s3, s0;
	s1 =	sshll.u32 s1, $0x11  }
0xbe: {  	s0 =	sor.u32 s1, s0  }
0xbf: {  	s0 =	sadd.s32 $0x8F2B, s0  }
0xc0: {  	[sflag:s0] =	ssyncadd.remote.s32 $0x1  }
0xc1: {  	_ =	sfence.sel $0xFFFF  }
0xc2: {  	[dreg:$0x0] =	wrdreg $0xFFFFFFFF;
	(pc) =	sbr.abs _section_cstart, $3  }
0xc3: {  	[dreg:$0x1] =	wrdreg $0xFFFFFFFF  }
0xc4: {  	_ =	task.clear_ibuf [dreg:s9], $0x2FFFF;
	_ =	strace $0x9FFFFFFF  }
0xc5: {  	(tm) =	ssettm $0x7FFFFFFF  }
tec
execute0_lowered:
.L_overlay_start_1:
0x0: {  	(tag) =	ssettag $0x1  }
0x1: {  	s1 =	rddreg [dreg:$0x0]  }
0x2: {  	s2 =	rddreg [dreg:$0x1]  }
0x3: {  	s10 =	rddreg [dreg:$0x2]  }
0x4: {  	s0 =	rddreg [dreg:$0x3]  }
0x5: {  	s4 =	simm.s32 $0x0;
	s5 =	srdreg.scid;
	s3 =	stileid.u32  }
0x6: {  	s13 =	simm.s32 $0x400;
	s14 =	simm.s32 $0x18700;
	s15 =	simm.s32 $0x1  }
0x7: {  	s16 =	simm.s32 $0x2;
	s17 =	simm.s32 $0x19700;
	s18 =	simm.s32 $0x3  }
0x8: {  	s19 =	simm.s32 $0x1A700;
	s20 =	simm.s32 $0x4;
	s21 =	simm.s32 $0x0  }
0x9: {  	s5 =	sand.u32 $0x1, s5;
	s6 =	sshrl.u32 s3, $0x2;
	s7 =	sshll.u32 s3, $0x8  }
0xa: {  	[smem:$0x7FF] =	sst s4;
	s8 =	smul.u32 $0xC3800, s6;
	s9 =	sshll.u32 s5, $0x7  }
0xb: {  	s7 =	sand.u32 $0x300, s7;
	s11 =	ssub.s32 $0x2, s5;
	_ =	strace $0x80000047  }
0xc: {  	s31 =	sshll.u32 s6, $0x11;
	s9 =	sor.u32 s9, s7;
	s29 =	sshrl.u32 s11, $0x1  }
0xd: {  	s7 =	sadd.s32 $0x1000, s1;
	s5 =	sor.u32 s8, s9;
	s11 =	ssub.s32 s11, s29  }
0xe: {  	s12 =	sor.u32 s31, s9;
	s8 =	sadd.s32 $0x2000, s1;
	s9 =	sadd.s32 $0x3000, s1  }
0xf: {  	s30 =	sshrl.u32 s5, $0x3;
	s12 =	sshrl.u32 s12, $0x3;
	s11 =	smax.u32 s11, $0x1  }
0x10: {  	s6 =	sadd.s32 s2, s30;
	s10 =	sadd.s32 s10, s12;
	s12 =	simm.s32 $0x80  }
.LBB2_1:
0x11: {  	[tilespmem:s4], [sflag:$0x1] =	stream.strided.gather [hbm4b:s6+s12], $0x18700, s13, s12, $0x38;
	[tilespmem:$0x1E700] =	vst v63  }
0x12: {  	_ = 	snop  }
0x13: {  	[tilespmem:s14], [sflag:$0x2] =	stream.strided.gather [hbm4b:s1+s12], $0x1000, s13, s12, $0x38;
	[tilespmem:$0x1E700] =	vst v63  }
0x14: {  	_ =	swait.ge [sflag:s15], $0x18700  }
0x15: {  	[sflag:s15] =	ssyncset.done $0x0  }
0x16: {  	[sflag:s15] =	ssyncadd.s32 $0xFFFE7900  }
0x17: {  	_ =	swait.ge [sflag:s16], $0x1000  }
0x18: {  	s22 =	simm.s32 $0xFFFFFFF0;
	[sflag:s16] =	ssyncset.done $0x0  }
0x19: {  	s23 =	simm.s32 $0x1A780;
	s24 =	simm.s32 $0x18780;
	[sflag:s16] =	ssyncadd.s32 $0xFFFFF000  }
0x1a: {  	[tilespmem:s17], [sflag:$0x3] =	stream.strided.gather [hbm4b:s7+s12], $0x1000, s13, s12, $0x38;
	[tilespmem:$0x1E700] =	vst v63  }
.LBB2_2:
0x1b: {  	v0 =	vld [tilespmem:s24+$0xFFFFFF80];
	_ =	sdelay $0x7  }
0x1c: {  	v0 =	vld.idx.msk [tilespmem:v0+s4+$0x0], $0xffff;
	_ =	sdelay $0x4  }
0x1d: {  	[tilespmem:s23+$0xFFFFFF80] =	vst v0  }
0x1e: {  	v0 =	vld [tilespmem:s24+$0xFFFFFF90];
	_ =	sdelay $0x7  }
0x1f: {  	v0 =	vld.idx.msk [tilespmem:v0+s4+$0x0], $0xffff;
	_ =	sdelay $0x4  }
0x20: {  	[tilespmem:s23+$0xFFFFFF90] =	vst v0  }
0x21: {  	v0 =	vld [tilespmem:s24+$0xFFFFFFA0];
	_ =	sdelay $0x7  }
0x22: {  	v0 =	vld.idx.msk [tilespmem:v0+s4+$0x0], $0xffff;
	_ =	sdelay $0x4  }
0x23: {  	[tilespmem:s23+$0xFFFFFFA0] =	vst v0  }
0x24: {  	v0 =	vld [tilespmem:s24+$0xFFFFFFB0];
	_ =	sdelay $0x7  }
0x25: {  	v0 =	vld.idx.msk [tilespmem:v0+s4+$0x0], $0xffff;
	_ =	sdelay $0x4  }
0x26: {  	[tilespmem:s23+$0xFFFFFFB0] =	vst v0  }
0x27: {  	v0 =	vld [tilespmem:s24+$0xFFFFFFC0];
	_ =	sdelay $0x7  }
0x28: {  	v0 =	vld.idx.msk [tilespmem:v0+s4+$0x0], $0xffff;
	_ =	sdelay $0x4  }
0x29: {  	[tilespmem:s23+$0xFFFFFFC0] =	vst v0  }
0x2a: {  	v0 =	vld [tilespmem:s24+$0xFFFFFFD0];
	_ =	sdelay $0x7  }
0x2b: {  	v0 =	vld.idx.msk [tilespmem:v0+s4+$0x0], $0xffff;
	_ =	sdelay $0x4  }
0x2c: {  	[tilespmem:s23+$0xFFFFFFD0] =	vst v0  }
0x2d: {  	v0 =	vld [tilespmem:s24+$0xFFFFFFE0];
	_ =	sdelay $0x7  }
0x2e: {  	v0 =	vld.idx.msk [tilespmem:v0+s4+$0x0], $0xffff;
	_ =	sdelay $0x4  }
0x2f: {  	[tilespmem:s23+$0xFFFFFFE0] =	vst v0  }
0x30: {  	v0 =	vld [tilespmem:s24+$0xFFFFFFF0];
	_ =	sdelay $0x7  }
0x31: {  	v0 =	vld.idx.msk [tilespmem:v0+s4+$0x0], $0xffff;
	_ =	sdelay $0x4  }
0x32: {  	[tilespmem:s23+$0xFFFFFFF0] =	vst v0  }
0x33: {  	v0 =	vld [tilespmem:s24+$0x0];
	_ =	sdelay $0x7  }
0x34: {  	v0 =	vld.idx.msk [tilespmem:v0+s4+$0x0], $0xffff;
	_ =	sdelay $0x4  }
0x35: {  	[tilespmem:s23+$0x0] =	vst v0  }
0x36: {  	v0 =	vld [tilespmem:s24+$0x10];
	_ =	sdelay $0x7  }
0x37: {  	v0 =	vld.idx.msk [tilespmem:v0+s4+$0x0], $0xffff;
	_ =	sdelay $0x4  }
0x38: {  	[tilespmem:s23+$0x10] =	vst v0  }
0x39: {  	v0 =	vld [tilespmem:s24+$0x20];
	_ =	sdelay $0x7  }
0x3a: {  	v0 =	vld.idx.msk [tilespmem:v0+s4+$0x0], $0xffff;
	_ =	sdelay $0x4  }
0x3b: {  	[tilespmem:s23+$0x20] =	vst v0  }
0x3c: {  	v0 =	vld [tilespmem:s24+$0x30];
	_ =	sdelay $0x7  }
0x3d: {  	v0 =	vld.idx.msk [tilespmem:v0+s4+$0x0], $0xffff;
	_ =	sdelay $0x4  }
0x3e: {  	[tilespmem:s23+$0x30] =	vst v0  }
0x3f: {  	v0 =	vld [tilespmem:s24+$0x40];
	_ =	sdelay $0x7  }
0x40: {  	v0 =	vld.idx.msk [tilespmem:v0+s4+$0x0], $0xffff;
	_ =	sdelay $0x4  }
0x41: {  	[tilespmem:s23+$0x40] =	vst v0  }
0x42: {  	v0 =	vld [tilespmem:s24+$0x50];
	_ =	sdelay $0x7  }
0x43: {  	v0 =	vld.idx.msk [tilespmem:v0+s4+$0x0], $0xffff;
	_ =	sdelay $0x4  }
0x44: {  	[tilespmem:s23+$0x50] =	vst v0  }
0x45: {  	v0 =	vld [tilespmem:s24+$0x60];
	_ =	sdelay $0x7  }
0x46: {  	v0 =	vld.idx.msk [tilespmem:v0+s4+$0x0], $0xffff;
	_ =	sdelay $0x4  }
0x47: {  	[tilespmem:s23+$0x60] =	vst v0  }
0x48: {  	v0 =	vld [tilespmem:s24+$0x70];
	_ =	sdelay $0x6  }
0x49: {  	s22 =	sadd.s32 $0x10, s22  }
0x4a: {  	p0 =	slt.u32 s22, $0xF0;
	v0 =	vld.idx.msk [tilespmem:v0+s4+$0x0], $0xffff  }
.Ltmp0:
0x4b: {  	_ = 	snop;
	(pc) =	sbr.rel @p0 .LBB2_2-.Ltmp0, $2  }
0x4c: {  	_ =	sdelay $0x2  }
0x4d: {  	s24 =	sadd.s32 $0x100, s24;
	[tilespmem:s23+$0x70] =	vst v0;
	s23 =	sadd.s32 $0x100, s23  }
0x4e: {  	_ =	swait.ge [sflag:s18], $0x1000  }
0x4f: {  	s22 =	simm.s32 $0xFFFFFFF0;
	[sflag:s18] =	ssyncset.done $0x0  }
0x50: {  	s23 =	simm.s32 $0x19780;
	s24 =	simm.s32 $0x1B7F0;
	[sflag:s18] =	ssyncadd.s32 $0xFFFFF000  }
0x51: {  	[tilespmem:s14], [sflag:$0x2] =	stream.strided.gather [hbm4b:s8+s12], $0x1000, s13, s12, $0x38;
	[tilespmem:$0x1E700] =	vst v63  }
.LBB2_4:
0x52: {  	v0 =	vld [tilespmem:s23+$0xFFFFFF80];
	_ =	sdelay $0x7  }
0x53: {  	v0 =	vld.idx.msk [tilespmem:v0+s4+$0x0], $0xffff;
	_ =	sdelay $0x4  }
0x54: {  	[tilespmem:s24+$0xFFFFFF10] =	vst v0  }
0x55: {  	v0 =	vld [tilespmem:s23+$0xFFFFFF90];
	_ =	sdelay $0x7  }
0x56: {  	v0 =	vld.idx.msk [tilespmem:v0+s4+$0x0], $0xffff;
	_ =	sdelay $0x4  }
0x57: {  	[tilespmem:s24+$0xFFFFFF20] =	vst v0  }
0x58: {  	v0 =	vld [tilespmem:s23+$0xFFFFFFA0];
	_ =	sdelay $0x7  }
0x59: {  	v0 =	vld.idx.msk [tilespmem:v0+s4+$0x0], $0xffff;
	_ =	sdelay $0x4  }
0x5a: {  	[tilespmem:s24+$0xFFFFFF30] =	vst v0  }
0x5b: {  	v0 =	vld [tilespmem:s23+$0xFFFFFFB0];
	_ =	sdelay $0x7  }
0x5c: {  	v0 =	vld.idx.msk [tilespmem:v0+s4+$0x0], $0xffff;
	_ =	sdelay $0x4  }
0x5d: {  	[tilespmem:s24+$0xFFFFFF40] =	vst v0  }
0x5e: {  	v0 =	vld [tilespmem:s23+$0xFFFFFFC0];
	_ =	sdelay $0x7  }
0x5f: {  	v0 =	vld.idx.msk [tilespmem:v0+s4+$0x0], $0xffff;
	_ =	sdelay $0x4  }
0x60: {  	[tilespmem:s24+$0xFFFFFF50] =	vst v0  }
0x61: {  	v0 =	vld [tilespmem:s23+$0xFFFFFFD0];
	_ =	sdelay $0x7  }
0x62: {  	v0 =	vld.idx.msk [tilespmem:v0+s4+$0x0], $0xffff;
	_ =	sdelay $0x4  }
0x63: {  	[tilespmem:s24+$0xFFFFFF60] =	vst v0  }
0x64: {  	v0 =	vld [tilespmem:s23+$0xFFFFFFE0];
	_ =	sdelay $0x7  }
0x65: {  	v0 =	vld.idx.msk [tilespmem:v0+s4+$0x0], $0xffff;
	_ =	sdelay $0x4  }
0x66: {  	[tilespmem:s24+$0xFFFFFF70] =	vst v0  }
0x67: {  	v0 =	vld [tilespmem:s23+$0xFFFFFFF0];
	_ =	sdelay $0x7  }
0x68: {  	v0 =	vld.idx.msk [tilespmem:v0+s4+$0x0], $0xffff;
	_ =	sdelay $0x4  }
0x69: {  	[tilespmem:s24+$0xFFFFFF80] =	vst v0  }
0x6a: {  	v0 =	vld [tilespmem:s23+$0x0];
	_ =	sdelay $0x7  }
0x6b: {  	v0 =	vld.idx.msk [tilespmem:v0+s4+$0x0], $0xffff;
	_ =	sdelay $0x4  }
0x6c: {  	[tilespmem:s24+$0xFFFFFF90] =	vst v0  }
0x6d: {  	v0 =	vld [tilespmem:s23+$0x10];
	_ =	sdelay $0x7  }
0x6e: {  	v0 =	vld.idx.msk [tilespmem:v0+s4+$0x0], $0xffff;
	_ =	sdelay $0x4  }
0x6f: {  	[tilespmem:s24+$0xFFFFFFA0] =	vst v0  }
0x70: {  	v0 =	vld [tilespmem:s23+$0x20];
	_ =	sdelay $0x7  }
0x71: {  	v0 =	vld.idx.msk [tilespmem:v0+s4+$0x0], $0xffff;
	_ =	sdelay $0x4  }
0x72: {  	[tilespmem:s24+$0xFFFFFFB0] =	vst v0  }
0x73: {  	v0 =	vld [tilespmem:s23+$0x30];
	_ =	sdelay $0x7  }
0x74: {  	v0 =	vld.idx.msk [tilespmem:v0+s4+$0x0], $0xffff;
	_ =	sdelay $0x4  }
0x75: {  	[tilespmem:s24+$0xFFFFFFC0] =	vst v0  }
0x76: {  	v0 =	vld [tilespmem:s23+$0x40];
	_ =	sdelay $0x7  }
0x77: {  	v0 =	vld.idx.msk [tilespmem:v0+s4+$0x0], $0xffff;
	_ =	sdelay $0x4  }
0x78: {  	[tilespmem:s24+$0xFFFFFFD0] =	vst v0  }
0x79: {  	v0 =	vld [tilespmem:s23+$0x50];
	_ =	sdelay $0x7  }
0x7a: {  	v0 =	vld.idx.msk [tilespmem:v0+s4+$0x0], $0xffff;
	_ =	sdelay $0x4  }
0x7b: {  	[tilespmem:s24+$0xFFFFFFE0] =	vst v0  }
0x7c: {  	v0 =	vld [tilespmem:s23+$0x60];
	_ =	sdelay $0x7  }
0x7d: {  	v0 =	vld.idx.msk [tilespmem:v0+s4+$0x0], $0xffff;
	_ =	sdelay $0x4  }
0x7e: {  	[tilespmem:s24+$0xFFFFFFF0] =	vst v0  }
0x7f: {  	v0 =	vld [tilespmem:s23+$0x70];
	_ =	sdelay $0x6  }
0x80: {  	s22 =	sadd.s32 $0x10, s22  }
0x81: {  	p0 =	slt.u32 s22, $0xF0;
	v0 =	vld.idx.msk [tilespmem:v0+s4+$0x0], $0xffff  }
.Ltmp1:
0x82: {  	_ = 	snop;
	(pc) =	sbr.rel @p0 .LBB2_4-.Ltmp1, $2  }
0x83: {  	_ =	sdelay $0x2  }
0x84: {  	s23 =	sadd.s32 $0x100, s23;
	[tilespmem:s24+$0x0] =	vst v0;
	s24 =	sadd.s32 $0x100, s24  }
0x85: {  	_ =	swait.ge [sflag:s16], $0x1000  }
0x86: {  	s22 =	simm.s32 $0xFFFFFFF0;
	[sflag:s16] =	ssyncset.done $0x0  }
0x87: {  	s23 =	simm.s32 $0x18780;
	s24 =	simm.s32 $0x1C7F0;
	[sflag:s16] =	ssyncadd.s32 $0xFFFFF000  }
0x88: {  	[tilespmem:s17], [sflag:$0x3] =	stream.strided.gather [hbm4b:s9+s12], $0x1000, s13, s12, $0x38;
	[tilespmem:$0x1E700] =	vst v63  }
.LBB2_6:
0x89: {  	v0 =	vld [tilespmem:s23+$0xFFFFFF80];
	_ =	sdelay $0x7  }
0x8a: {  	v0 =	vld.idx.msk [tilespmem:v0+s4+$0x0], $0xffff;
	_ =	sdelay $0x4  }
0x8b: {  	[tilespmem:s24+$0xFFFFFF10] =	vst v0  }
0x8c: {  	v0 =	vld [tilespmem:s23+$0xFFFFFF90];
	_ =	sdelay $0x7  }
0x8d: {  	v0 =	vld.idx.msk [tilespmem:v0+s4+$0x0], $0xffff;
	_ =	sdelay $0x4  }
0x8e: {  	[tilespmem:s24+$0xFFFFFF20] =	vst v0  }
0x8f: {  	v0 =	vld [tilespmem:s23+$0xFFFFFFA0];
	_ =	sdelay $0x7  }
0x90: {  	v0 =	vld.idx.msk [tilespmem:v0+s4+$0x0], $0xffff;
	_ =	sdelay $0x4  }
0x91: {  	[tilespmem:s24+$0xFFFFFF30] =	vst v0  }
0x92: {  	v0 =	vld [tilespmem:s23+$0xFFFFFFB0];
	_ =	sdelay $0x7  }
0x93: {  	v0 =	vld.idx.msk [tilespmem:v0+s4+$0x0], $0xffff;
	_ =	sdelay $0x4  }
0x94: {  	[tilespmem:s24+$0xFFFFFF40] =	vst v0  }
0x95: {  	v0 =	vld [tilespmem:s23+$0xFFFFFFC0];
	_ =	sdelay $0x7  }
0x96: {  	v0 =	vld.idx.msk [tilespmem:v0+s4+$0x0], $0xffff;
	_ =	sdelay $0x4  }
0x97: {  	[tilespmem:s24+$0xFFFFFF50] =	vst v0  }
0x98: {  	v0 =	vld [tilespmem:s23+$0xFFFFFFD0];
	_ =	sdelay $0x7  }
0x99: {  	v0 =	vld.idx.msk [tilespmem:v0+s4+$0x0], $0xffff;
	_ =	sdelay $0x4  }
0x9a: {  	[tilespmem:s24+$0xFFFFFF60] =	vst v0  }
0x9b: {  	v0 =	vld [tilespmem:s23+$0xFFFFFFE0];
	_ =	sdelay $0x7  }
0x9c: {  	v0 =	vld.idx.msk [tilespmem:v0+s4+$0x0], $0xffff;
	_ =	sdelay $0x4  }
0x9d: {  	[tilespmem:s24+$0xFFFFFF70] =	vst v0  }
0x9e: {  	v0 =	vld [tilespmem:s23+$0xFFFFFFF0];
	_ =	sdelay $0x7  }
0x9f: {  	v0 =	vld.idx.msk [tilespmem:v0+s4+$0x0], $0xffff;
	_ =	sdelay $0x4  }
0xa0: {  	[tilespmem:s24+$0xFFFFFF80] =	vst v0  }
0xa1: {  	v0 =	vld [tilespmem:s23+$0x0];
	_ =	sdelay $0x7  }
0xa2: {  	v0 =	vld.idx.msk [tilespmem:v0+s4+$0x0], $0xffff;
	_ =	sdelay $0x4  }
0xa3: {  	[tilespmem:s24+$0xFFFFFF90] =	vst v0  }
0xa4: {  	v0 =	vld [tilespmem:s23+$0x10];
	_ =	sdelay $0x7  }
0xa5: {  	v0 =	vld.idx.msk [tilespmem:v0+s4+$0x0], $0xffff;
	_ =	sdelay $0x4  }
0xa6: {  	[tilespmem:s24+$0xFFFFFFA0] =	vst v0  }
0xa7: {  	v0 =	vld [tilespmem:s23+$0x20];
	_ =	sdelay $0x7  }
0xa8: {  	v0 =	vld.idx.msk [tilespmem:v0+s4+$0x0], $0xffff;
	_ =	sdelay $0x4  }
0xa9: {  	[tilespmem:s24+$0xFFFFFFB0] =	vst v0  }
0xaa: {  	v0 =	vld [tilespmem:s23+$0x30];
	_ =	sdelay $0x7  }
0xab: {  	v0 =	vld.idx.msk [tilespmem:v0+s4+$0x0], $0xffff;
	_ =	sdelay $0x4  }
0xac: {  	[tilespmem:s24+$0xFFFFFFC0] =	vst v0  }
0xad: {  	v0 =	vld [tilespmem:s23+$0x40];
	_ =	sdelay $0x7  }
0xae: {  	v0 =	vld.idx.msk [tilespmem:v0+s4+$0x0], $0xffff;
	_ =	sdelay $0x4  }
0xaf: {  	[tilespmem:s24+$0xFFFFFFD0] =	vst v0  }
0xb0: {  	v0 =	vld [tilespmem:s23+$0x50];
	_ =	sdelay $0x7  }
0xb1: {  	v0 =	vld.idx.msk [tilespmem:v0+s4+$0x0], $0xffff;
	_ =	sdelay $0x4  }
0xb2: {  	[tilespmem:s24+$0xFFFFFFE0] =	vst v0  }
0xb3: {  	v0 =	vld [tilespmem:s23+$0x60];
	_ =	sdelay $0x7  }
0xb4: {  	v0 =	vld.idx.msk [tilespmem:v0+s4+$0x0], $0xffff;
	_ =	sdelay $0x4  }
0xb5: {  	[tilespmem:s24+$0xFFFFFFF0] =	vst v0  }
0xb6: {  	v0 =	vld [tilespmem:s23+$0x70];
	_ =	sdelay $0x6  }
0xb7: {  	s22 =	sadd.s32 $0x10, s22  }
0xb8: {  	p0 =	slt.u32 s22, $0xF0;
	v0 =	vld.idx.msk [tilespmem:v0+s4+$0x0], $0xffff  }
.Ltmp2:
0xb9: {  	_ = 	snop;
	(pc) =	sbr.rel @p0 .LBB2_6-.Ltmp2, $2  }
0xba: {  	_ =	sdelay $0x2  }
0xbb: {  	s23 =	sadd.s32 $0x100, s23;
	[tilespmem:s24+$0x0] =	vst v0;
	s24 =	sadd.s32 $0x100, s24  }
0xbc: {  	_ =	swait.ge [sflag:s18], $0x1000  }
0xbd: {  	s23 =	simm.s32 $0xFFFFFFF0;
	[sflag:s18] =	ssyncset.done $0x0  }
0xbe: {  	s24 =	simm.s32 $0x19780;
	s25 =	simm.s32 $0x1D7F0;
	[sflag:s18] =	ssyncadd.s32 $0xFFFFF000  }
.LBB2_8:
0xbf: {  	v0 =	vld [tilespmem:s24+$0xFFFFFF80];
	_ =	sdelay $0x7  }
0xc0: {  	v0 =	vld.idx.msk [tilespmem:v0+s4+$0x0], $0xffff;
	_ =	sdelay $0x4  }
0xc1: {  	[tilespmem:s25+$0xFFFFFF10] =	vst v0  }
0xc2: {  	v0 =	vld [tilespmem:s24+$0xFFFFFF90];
	_ =	sdelay $0x7  }
0xc3: {  	v0 =	vld.idx.msk [tilespmem:v0+s4+$0x0], $0xffff;
	_ =	sdelay $0x4  }
0xc4: {  	[tilespmem:s25+$0xFFFFFF20] =	vst v0  }
0xc5: {  	v0 =	vld [tilespmem:s24+$0xFFFFFFA0];
	_ =	sdelay $0x7  }
0xc6: {  	v0 =	vld.idx.msk [tilespmem:v0+s4+$0x0], $0xffff;
	_ =	sdelay $0x4  }
0xc7: {  	[tilespmem:s25+$0xFFFFFF30] =	vst v0  }
0xc8: {  	v0 =	vld [tilespmem:s24+$0xFFFFFFB0];
	_ =	sdelay $0x7  }
0xc9: {  	v0 =	vld.idx.msk [tilespmem:v0+s4+$0x0], $0xffff;
	_ =	sdelay $0x4  }
0xca: {  	[tilespmem:s25+$0xFFFFFF40] =	vst v0  }
0xcb: {  	v0 =	vld [tilespmem:s24+$0xFFFFFFC0];
	_ =	sdelay $0x7  }
0xcc: {  	v0 =	vld.idx.msk [tilespmem:v0+s4+$0x0], $0xffff;
	_ =	sdelay $0x4  }
0xcd: {  	[tilespmem:s25+$0xFFFFFF50] =	vst v0  }
0xce: {  	v0 =	vld [tilespmem:s24+$0xFFFFFFD0];
	_ =	sdelay $0x7  }
0xcf: {  	v0 =	vld.idx.msk [tilespmem:v0+s4+$0x0], $0xffff;
	_ =	sdelay $0x4  }
0xd0: {  	[tilespmem:s25+$0xFFFFFF60] =	vst v0  }
0xd1: {  	v0 =	vld [tilespmem:s24+$0xFFFFFFE0];
	_ =	sdelay $0x7  }
0xd2: {  	v0 =	vld.idx.msk [tilespmem:v0+s4+$0x0], $0xffff;
	_ =	sdelay $0x4  }
0xd3: {  	[tilespmem:s25+$0xFFFFFF70] =	vst v0  }
0xd4: {  	v0 =	vld [tilespmem:s24+$0xFFFFFFF0];
	_ =	sdelay $0x7  }
0xd5: {  	v0 =	vld.idx.msk [tilespmem:v0+s4+$0x0], $0xffff;
	_ =	sdelay $0x4  }
0xd6: {  	[tilespmem:s25+$0xFFFFFF80] =	vst v0  }
0xd7: {  	v0 =	vld [tilespmem:s24+$0x0];
	_ =	sdelay $0x7  }
0xd8: {  	v0 =	vld.idx.msk [tilespmem:v0+s4+$0x0], $0xffff;
	_ =	sdelay $0x4  }
0xd9: {  	[tilespmem:s25+$0xFFFFFF90] =	vst v0  }
0xda: {  	v0 =	vld [tilespmem:s24+$0x10];
	_ =	sdelay $0x7  }
0xdb: {  	v0 =	vld.idx.msk [tilespmem:v0+s4+$0x0], $0xffff;
	_ =	sdelay $0x4  }
0xdc: {  	[tilespmem:s25+$0xFFFFFFA0] =	vst v0  }
0xdd: {  	v0 =	vld [tilespmem:s24+$0x20];
	_ =	sdelay $0x7  }
0xde: {  	v0 =	vld.idx.msk [tilespmem:v0+s4+$0x0], $0xffff;
	_ =	sdelay $0x4  }
0xdf: {  	[tilespmem:s25+$0xFFFFFFB0] =	vst v0  }
0xe0: {  	v0 =	vld [tilespmem:s24+$0x30];
	_ =	sdelay $0x7  }
0xe1: {  	v0 =	vld.idx.msk [tilespmem:v0+s4+$0x0], $0xffff;
	_ =	sdelay $0x4  }
0xe2: {  	[tilespmem:s25+$0xFFFFFFC0] =	vst v0  }
0xe3: {  	v0 =	vld [tilespmem:s24+$0x40];
	_ =	sdelay $0x7  }
0xe4: {  	v0 =	vld.idx.msk [tilespmem:v0+s4+$0x0], $0xffff;
	_ =	sdelay $0x4  }
0xe5: {  	[tilespmem:s25+$0xFFFFFFD0] =	vst v0  }
0xe6: {  	v0 =	vld [tilespmem:s24+$0x50];
	_ =	sdelay $0x7  }
0xe7: {  	v0 =	vld.idx.msk [tilespmem:v0+s4+$0x0], $0xffff;
	_ =	sdelay $0x4  }
0xe8: {  	[tilespmem:s25+$0xFFFFFFE0] =	vst v0  }
0xe9: {  	v0 =	vld [tilespmem:s24+$0x60];
	_ =	sdelay $0x7  }
0xea: {  	v0 =	vld.idx.msk [tilespmem:v0+s4+$0x0], $0xffff;
	_ =	sdelay $0x4  }
0xeb: {  	[tilespmem:s25+$0xFFFFFFF0] =	vst v0  }
0xec: {  	v0 =	vld [tilespmem:s24+$0x70];
	_ =	sdelay $0x6  }
0xed: {  	s23 =	sadd.s32 $0x10, s23  }
0xee: {  	p0 =	slt.u32 s23, $0xF0;
	v0 =	vld.idx.msk [tilespmem:v0+s4+$0x0], $0xffff  }
.Ltmp3:
0xef: {  	_ = 	snop;
	(pc) =	sbr.rel @p0 .LBB2_8-.Ltmp3, $2  }
0xf0: {  	_ =	sdelay $0x2  }
0xf1: {  	s22 =	simm.s32 $0x1;
	s24 =	sadd.s32 $0x100, s24;
	[tilespmem:s25+$0x0] =	vst v0;
	s25 =	sadd.s32 $0x100, s25  }
.LBB2_9:
0xf2: {  	s23 =	smul.u32 $0x30E000, s22;
	_ =	sdelay $0x1  }
0xf3: {  	s23 =	sadd.s32 s5, s23  }
0xf4: {  	s24 =	simm.s32 $0x0;
	s23 =	sshrl.u32 s23, $0x3  }
0xf5: {  	s29 =	sshll.u32 s22, $0xB;
	s30 =	sshll.u32 s22, $0x4;
	s23 =	sadd.s32 s2, s23  }
0xf6: {  	[tilespmem:s24], [sflag:$0x1] =	stream.strided.gather [hbm4b:s23+s12], $0x18700, s13, s12, $0x38;
	[tilespmem:$0x1E700] =	vst v63  }
0xf7: {  	s23 =	sand.u32 $0xC000, s29;
	s24 =	sand.u32 $0x70, s30  }
0xf8: {  	s23 =	sor.u32 s24, s23  }
0xf9: {  	s24 =	sadd.s32 s1, s23  }
0xfa: {  	[tilespmem:s14], [sflag:$0x2] =	stream.strided.gather [hbm4b:s24+s12], $0x1000, s13, s12, $0x38;
	[tilespmem:$0x1E700] =	vst v63  }
0xfb: {  	_ =	swait.ge [sflag:s15], $0x18700  }
0xfc: {  	[sflag:s15] =	ssyncset.done $0x0  }
0xfd: {  	[sflag:s15] =	ssyncadd.s32 $0xFFFE7900  }
0xfe: {  	_ =	swait.ge [sflag:s16], $0x1000  }
0xff: {  	[sflag:s16] =	ssyncset.done $0x0  }
0x100: {  	s31 =	sadd.s32 s23, s7;
	s24 =	simm.s32 $0x0;
	[sflag:s16] =	ssyncadd.s32 $0xFFFFF000  }
0x101: {  	[tilespmem:s17], [sflag:$0x3] =	stream.strided.gather [hbm4b:s31+s12], $0x1000, s13, s12, $0x38;
	[tilespmem:$0x1E700] =	vst v63  }
0x102: {  	v0 =	vld [tilespmem:s24+$0x18700];
	_ =	sdelay $0x5  }
0x103: {  	v1 =	vld [tilespmem:s24+$0x18710];
	_ =	sdelay $0x1  }
0x104: {  	v0 =	vld.idx.msk [tilespmem:v0+s4+$0x0], $0xffff;
	_ =	sdelay $0x3  }
0x105: {  	v2 =	vld [tilespmem:s24+$0x18720]  }
0x106: {  	[tilespmem:s24+$0x1A700] =	vst.add.f32.msk $0xffff, v0  }
0x107: {  	v0 =	vld.idx.msk [tilespmem:v1+s4+$0x0], $0xffff;
	_ =	sdelay $0x3  }
0x108: {  	v1 =	vld [tilespmem:s24+$0x18730]  }
0x109: {  	[tilespmem:s24+$0x1A710] =	vst.add.f32.msk $0xffff, v0  }
0x10a: {  	v0 =	vld.idx.msk [tilespmem:v2+s4+$0x0], $0xffff;
	_ =	sdelay $0x3  }
0x10b: {  	v2 =	vld [tilespmem:s24+$0x18740]  }
0x10c: {  	[tilespmem:s24+$0x1A720] =	vst.add.f32.msk $0xffff, v0  }
0x10d: {  	v0 =	vld.idx.msk [tilespmem:v1+s4+$0x0], $0xffff;
	_ =	sdelay $0x3  }
0x10e: {  	v1 =	vld [tilespmem:s24+$0x18750]  }
0x10f: {  	[tilespmem:s24+$0x1A730] =	vst.add.f32.msk $0xffff, v0  }
0x110: {  	v0 =	vld.idx.msk [tilespmem:v2+s4+$0x0], $0xffff;
	_ =	sdelay $0x3  }
0x111: {  	v2 =	vld [tilespmem:s24+$0x18760]  }
0x112: {  	[tilespmem:s24+$0x1A740] =	vst.add.f32.msk $0xffff, v0  }
0x113: {  	v0 =	vld.idx.msk [tilespmem:v1+s4+$0x0], $0xffff;
	_ =	sdelay $0x3  }
0x114: {  	v1 =	vld [tilespmem:s24+$0x18770]  }
0x115: {  	[tilespmem:s24+$0x1A750] =	vst.add.f32.msk $0xffff, v0  }
0x116: {  	v0 =	vld.idx.msk [tilespmem:v2+s4+$0x0], $0xffff;
	_ =	sdelay $0x3  }
0x117: {  	v2 =	vld [tilespmem:s24+$0x18780]  }
0x118: {  	[tilespmem:s24+$0x1A760] =	vst.add.f32.msk $0xffff, v0  }
0x119: {  	v0 =	vld.idx.msk [tilespmem:v1+s4+$0x0], $0xffff;
	_ =	sdelay $0x3  }
0x11a: {  	v1 =	vld [tilespmem:s24+$0x18790]  }
0x11b: {  	[tilespmem:s24+$0x1A770] =	vst.add.f32.msk $0xffff, v0  }
0x11c: {  	v0 =	vld.idx.msk [tilespmem:v2+s4+$0x0], $0xffff;
	_ =	sdelay $0x3  }
0x11d: {  	v2 =	vld [tilespmem:s24+$0x187A0]  }
0x11e: {  	[tilespmem:s24+$0x1A780] =	vst.add.f32.msk $0xffff, v0  }
0x11f: {  	v0 =	vld.idx.msk [tilespmem:v1+s4+$0x0], $0xffff;
	_ =	sdelay $0x3  }
0x120: {  	v1 =	vld [tilespmem:s24+$0x187B0]  }
0x121: {  	[tilespmem:s24+$0x1A790] =	vst.add.f32.msk $0xffff, v0  }
0x122: {  	v0 =	vld.idx.msk [tilespmem:v2+s4+$0x0], $0xffff;
	_ =	sdelay $0x3  }
0x123: {  	v2 =	vld [tilespmem:s24+$0x187C0]  }
0x124: {  	[tilespmem:s24+$0x1A7A0] =	vst.add.f32.msk $0xffff, v0  }
0x125: {  	v0 =	vld.idx.msk [tilespmem:v1+s4+$0x0], $0xffff;
	_ =	sdelay $0x3  }
0x126: {  	v1 =	vld [tilespmem:s24+$0x187D0]  }
0x127: {  	[tilespmem:s24+$0x1A7B0] =	vst.add.f32.msk $0xffff, v0  }
0x128: {  	v0 =	vld.idx.msk [tilespmem:v2+s4+$0x0], $0xffff;
	_ =	sdelay $0x3  }
0x129: {  	v2 =	vld [tilespmem:s24+$0x187E0]  }
0x12a: {  	[tilespmem:s24+$0x1A7C0] =	vst.add.f32.msk $0xffff, v0  }
0x12b: {  	v1 =	vld.idx.msk [tilespmem:v1+s4+$0x0], $0xffff;
	_ =	sdelay $0x3  }
0x12c: {  	v0 =	vld [tilespmem:s24+$0x187F0]  }
0x12d: {  	[tilespmem:s24+$0x1A7D0] =	vst.add.f32.msk $0xffff, v1  }
0x12e: {  	v1 =	vld.idx.msk [tilespmem:v2+s4+$0x0], $0xffff;
	_ =	sdelay $0x1  }
0x12f: {  	s25 =	simm.s32 $0x0;
	s26 =	simm.s32 $0x400  }
.LBB2_10:
0x130: {  	s28 =	sshra.s32 s26, $0x2  }
0x131: {  	s25 =	sadd.s32 $0x10, s25;
	v2 =	vld [tilespmem:s28+$0x18700]  }
0x132: {  	p0 =	slt.u32 s25, $0xF0;
	[tilespmem:s24+$0x1A7E0] =	vst.add.f32.msk $0xffff, v1  }
0x133: {  	v0 =	vld.idx.msk [tilespmem:v0+s4+$0x0], $0xffff;
	_ =	sdelay $0x4  }
0x134: {  	v1 =	vld [tilespmem:s28+$0x18710]  }
0x135: {  	[tilespmem:s24+$0x1A7F0] =	vst.add.f32.msk $0xffff, v0;
	s24 =	smov.u32 s28  }
0x136: {  	v0 =	vld.idx.msk [tilespmem:v2+s4+$0x0], $0xffff;
	_ =	sdelay $0x4  }
0x137: {  	v2 =	vld [tilespmem:s24+$0x18720]  }
0x138: {  	[tilespmem:s24+$0x1A700] =	vst.add.f32.msk $0xffff, v0  }
0x139: {  	v0 =	vld.idx.msk [tilespmem:v1+s4+$0x0], $0xffff;
	_ =	sdelay $0x4  }
0x13a: {  	v1 =	vld [tilespmem:s24+$0x18730]  }
0x13b: {  	[tilespmem:s24+$0x1A710] =	vst.add.f32.msk $0xffff, v0  }
0x13c: {  	v0 =	vld.idx.msk [tilespmem:v2+s4+$0x0], $0xffff;
	_ =	sdelay $0x4  }
0x13d: {  	v2 =	vld [tilespmem:s24+$0x18740]  }
0x13e: {  	[tilespmem:s24+$0x1A720] =	vst.add.f32.msk $0xffff, v0  }
0x13f: {  	v0 =	vld.idx.msk [tilespmem:v1+s4+$0x0], $0xffff;
	_ =	sdelay $0x4  }
0x140: {  	v1 =	vld [tilespmem:s24+$0x18750]  }
0x141: {  	[tilespmem:s24+$0x1A730] =	vst.add.f32.msk $0xffff, v0  }
0x142: {  	v0 =	vld.idx.msk [tilespmem:v2+s4+$0x0], $0xffff;
	_ =	sdelay $0x4  }
0x143: {  	v2 =	vld [tilespmem:s24+$0x18760]  }
0x144: {  	[tilespmem:s24+$0x1A740] =	vst.add.f32.msk $0xffff, v0  }
0x145: {  	v0 =	vld.idx.msk [tilespmem:v1+s4+$0x0], $0xffff;
	_ =	sdelay $0x4  }
0x146: {  	v1 =	vld [tilespmem:s24+$0x18770]  }
0x147: {  	[tilespmem:s24+$0x1A750] =	vst.add.f32.msk $0xffff, v0  }
0x148: {  	v0 =	vld.idx.msk [tilespmem:v2+s4+$0x0], $0xffff;
	_ =	sdelay $0x4  }
0x149: {  	v2 =	vld [tilespmem:s24+$0x18780]  }
0x14a: {  	[tilespmem:s24+$0x1A760] =	vst.add.f32.msk $0xffff, v0  }
0x14b: {  	v0 =	vld.idx.msk [tilespmem:v1+s4+$0x0], $0xffff;
	_ =	sdelay $0x4  }
0x14c: {  	v1 =	vld [tilespmem:s24+$0x18790]  }
0x14d: {  	[tilespmem:s24+$0x1A770] =	vst.add.f32.msk $0xffff, v0  }
0x14e: {  	v0 =	vld.idx.msk [tilespmem:v2+s4+$0x0], $0xffff;
	_ =	sdelay $0x4  }
0x14f: {  	v2 =	vld [tilespmem:s24+$0x187A0]  }
0x150: {  	[tilespmem:s24+$0x1A780] =	vst.add.f32.msk $0xffff, v0  }
0x151: {  	v0 =	vld.idx.msk [tilespmem:v1+s4+$0x0], $0xffff;
	_ =	sdelay $0x4  }
0x152: {  	v1 =	vld [tilespmem:s24+$0x187B0]  }
0x153: {  	[tilespmem:s24+$0x1A790] =	vst.add.f32.msk $0xffff, v0  }
0x154: {  	v0 =	vld.idx.msk [tilespmem:v2+s4+$0x0], $0xffff;
	_ =	sdelay $0x4  }
0x155: {  	v2 =	vld [tilespmem:s24+$0x187C0]  }
0x156: {  	[tilespmem:s24+$0x1A7A0] =	vst.add.f32.msk $0xffff, v0  }
0x157: {  	v0 =	vld.idx.msk [tilespmem:v1+s4+$0x0], $0xffff;
	_ =	sdelay $0x4  }
0x158: {  	v1 =	vld [tilespmem:s24+$0x187D0]  }
0x159: {  	[tilespmem:s24+$0x1A7B0] =	vst.add.f32.msk $0xffff, v0  }
0x15a: {  	v0 =	vld.idx.msk [tilespmem:v2+s4+$0x0], $0xffff;
	_ =	sdelay $0x4  }
0x15b: {  	v2 =	vld [tilespmem:s24+$0x187E0]  }
0x15c: {  	[tilespmem:s24+$0x1A7C0] =	vst.add.f32.msk $0xffff, v0  }
0x15d: {  	v1 =	vld.idx.msk [tilespmem:v1+s4+$0x0], $0xffff;
	_ =	sdelay $0x4  }
0x15e: {  	v0 =	vld [tilespmem:s24+$0x187F0]  }
.Ltmp4:
0x15f: {  	[tilespmem:s24+$0x1A7D0] =	vst.add.f32.msk $0xffff, v1;
	(pc) =	sbr.rel @p0 .LBB2_10-.Ltmp4, $2  }
0x160: {  	v1 =	vld.idx.msk [tilespmem:v2+s4+$0x0], $0xffff;
	_ =	sdelay $0x2  }
0x161: {  	s26 =	sadd.s32 $0x400, s26  }
0x162: {  	_ =	sdelay $0x2  }
0x163: {  	[tilespmem:s24+$0x1A7E0] =	vst.add.f32.msk $0xffff, v1  }
0x164: {  	v0 =	vld.idx.msk [tilespmem:v0+s4+$0x0], $0xffff;
	_ =	sdelay $0x4  }
0x165: {  	[tilespmem:s24+$0x1A7F0] =	vst.add.f32.msk $0xffff, v0  }
0x166: {  	_ =	swait.ge [sflag:s18], $0x1000  }
0x167: {  	[sflag:s18] =	ssyncset.done $0x0  }
0x168: {  	s31 =	sadd.s32 s23, s8;
	s24 =	simm.s32 $0x0;
	[sflag:s18] =	ssyncadd.s32 $0xFFFFF000  }
0x169: {  	[tilespmem:s14], [sflag:$0x2] =	stream.strided.gather [hbm4b:s31+s12], $0x1000, s13, s12, $0x38;
	[tilespmem:$0x1E700] =	vst v63  }
0x16a: {  	v0 =	vld [tilespmem:s24+$0x19700];
	_ =	sdelay $0x5  }
0x16b: {  	v1 =	vld [tilespmem:s24+$0x19710];
	_ =	sdelay $0x1  }
0x16c: {  	v0 =	vld.idx.msk [tilespmem:v0+s4+$0x0], $0xffff;
	_ =	sdelay $0x3  }
0x16d: {  	v2 =	vld [tilespmem:s24+$0x19720]  }
0x16e: {  	[tilespmem:s24+$0x1B700] =	vst.add.f32.msk $0xffff, v0  }
0x16f: {  	v0 =	vld.idx.msk [tilespmem:v1+s4+$0x0], $0xffff;
	_ =	sdelay $0x3  }
0x170: {  	v1 =	vld [tilespmem:s24+$0x19730]  }
0x171: {  	[tilespmem:s24+$0x1B710] =	vst.add.f32.msk $0xffff, v0  }
0x172: {  	v0 =	vld.idx.msk [tilespmem:v2+s4+$0x0], $0xffff;
	_ =	sdelay $0x3  }
0x173: {  	v2 =	vld [tilespmem:s24+$0x19740]  }
0x174: {  	[tilespmem:s24+$0x1B720] =	vst.add.f32.msk $0xffff, v0  }
0x175: {  	v0 =	vld.idx.msk [tilespmem:v1+s4+$0x0], $0xffff;
	_ =	sdelay $0x3  }
0x176: {  	v1 =	vld [tilespmem:s24+$0x19750]  }
0x177: {  	[tilespmem:s24+$0x1B730] =	vst.add.f32.msk $0xffff, v0  }
0x178: {  	v0 =	vld.idx.msk [tilespmem:v2+s4+$0x0], $0xffff;
	_ =	sdelay $0x3  }
0x179: {  	v2 =	vld [tilespmem:s24+$0x19760]  }
0x17a: {  	[tilespmem:s24+$0x1B740] =	vst.add.f32.msk $0xffff, v0  }
0x17b: {  	v0 =	vld.idx.msk [tilespmem:v1+s4+$0x0], $0xffff;
	_ =	sdelay $0x3  }
0x17c: {  	v1 =	vld [tilespmem:s24+$0x19770]  }
0x17d: {  	[tilespmem:s24+$0x1B750] =	vst.add.f32.msk $0xffff, v0  }
0x17e: {  	v0 =	vld.idx.msk [tilespmem:v2+s4+$0x0], $0xffff;
	_ =	sdelay $0x3  }
0x17f: {  	v2 =	vld [tilespmem:s24+$0x19780]  }
0x180: {  	[tilespmem:s24+$0x1B760] =	vst.add.f32.msk $0xffff, v0  }
0x181: {  	v0 =	vld.idx.msk [tilespmem:v1+s4+$0x0], $0xffff;
	_ =	sdelay $0x3  }
0x182: {  	v1 =	vld [tilespmem:s24+$0x19790]  }
0x183: {  	[tilespmem:s24+$0x1B770] =	vst.add.f32.msk $0xffff, v0  }
0x184: {  	v0 =	vld.idx.msk [tilespmem:v2+s4+$0x0], $0xffff;
	_ =	sdelay $0x3  }
0x185: {  	v2 =	vld [tilespmem:s24+$0x197A0]  }
0x186: {  	[tilespmem:s24+$0x1B780] =	vst.add.f32.msk $0xffff, v0  }
0x187: {  	v0 =	vld.idx.msk [tilespmem:v1+s4+$0x0], $0xffff;
	_ =	sdelay $0x3  }
0x188: {  	v1 =	vld [tilespmem:s24+$0x197B0]  }
0x189: {  	[tilespmem:s24+$0x1B790] =	vst.add.f32.msk $0xffff, v0  }
0x18a: {  	v0 =	vld.idx.msk [tilespmem:v2+s4+$0x0], $0xffff;
	_ =	sdelay $0x3  }
0x18b: {  	v2 =	vld [tilespmem:s24+$0x197C0]  }
0x18c: {  	[tilespmem:s24+$0x1B7A0] =	vst.add.f32.msk $0xffff, v0  }
0x18d: {  	v0 =	vld.idx.msk [tilespmem:v1+s4+$0x0], $0xffff;
	_ =	sdelay $0x3  }
0x18e: {  	v1 =	vld [tilespmem:s24+$0x197D0]  }
0x18f: {  	[tilespmem:s24+$0x1B7B0] =	vst.add.f32.msk $0xffff, v0  }
0x190: {  	v0 =	vld.idx.msk [tilespmem:v2+s4+$0x0], $0xffff;
	_ =	sdelay $0x3  }
0x191: {  	v2 =	vld [tilespmem:s24+$0x197E0]  }
0x192: {  	[tilespmem:s24+$0x1B7C0] =	vst.add.f32.msk $0xffff, v0  }
0x193: {  	v1 =	vld.idx.msk [tilespmem:v1+s4+$0x0], $0xffff;
	_ =	sdelay $0x3  }
0x194: {  	v0 =	vld [tilespmem:s24+$0x197F0]  }
0x195: {  	[tilespmem:s24+$0x1B7D0] =	vst.add.f32.msk $0xffff, v1  }
0x196: {  	v1 =	vld.idx.msk [tilespmem:v2+s4+$0x0], $0xffff;
	_ =	sdelay $0x1  }
0x197: {  	s25 =	simm.s32 $0x0;
	s26 =	simm.s32 $0x400  }
.LBB2_12:
0x198: {  	s28 =	sshra.s32 s26, $0x2  }
0x199: {  	s25 =	sadd.s32 $0x10, s25;
	v2 =	vld [tilespmem:s28+$0x19700]  }
0x19a: {  	p0 =	slt.u32 s25, $0xF0;
	[tilespmem:s24+$0x1B7E0] =	vst.add.f32.msk $0xffff, v1  }
0x19b: {  	v0 =	vld.idx.msk [tilespmem:v0+s4+$0x0], $0xffff;
	_ =	sdelay $0x4  }
0x19c: {  	v1 =	vld [tilespmem:s28+$0x19710]  }
0x19d: {  	[tilespmem:s24+$0x1B7F0] =	vst.add.f32.msk $0xffff, v0;
	s24 =	smov.u32 s28  }
0x19e: {  	v0 =	vld.idx.msk [tilespmem:v2+s4+$0x0], $0xffff;
	_ =	sdelay $0x4  }
0x19f: {  	v2 =	vld [tilespmem:s24+$0x19720]  }
0x1a0: {  	[tilespmem:s24+$0x1B700] =	vst.add.f32.msk $0xffff, v0  }
0x1a1: {  	v0 =	vld.idx.msk [tilespmem:v1+s4+$0x0], $0xffff;
	_ =	sdelay $0x4  }
0x1a2: {  	v1 =	vld [tilespmem:s24+$0x19730]  }
0x1a3: {  	[tilespmem:s24+$0x1B710] =	vst.add.f32.msk $0xffff, v0  }
0x1a4: {  	v0 =	vld.idx.msk [tilespmem:v2+s4+$0x0], $0xffff;
	_ =	sdelay $0x4  }
0x1a5: {  	v2 =	vld [tilespmem:s24+$0x19740]  }
0x1a6: {  	[tilespmem:s24+$0x1B720] =	vst.add.f32.msk $0xffff, v0  }
0x1a7: {  	v0 =	vld.idx.msk [tilespmem:v1+s4+$0x0], $0xffff;
	_ =	sdelay $0x4  }
0x1a8: {  	v1 =	vld [tilespmem:s24+$0x19750]  }
0x1a9: {  	[tilespmem:s24+$0x1B730] =	vst.add.f32.msk $0xffff, v0  }
0x1aa: {  	v0 =	vld.idx.msk [tilespmem:v2+s4+$0x0], $0xffff;
	_ =	sdelay $0x4  }
0x1ab: {  	v2 =	vld [tilespmem:s24+$0x19760]  }
0x1ac: {  	[tilespmem:s24+$0x1B740] =	vst.add.f32.msk $0xffff, v0  }
0x1ad: {  	v0 =	vld.idx.msk [tilespmem:v1+s4+$0x0], $0xffff;
	_ =	sdelay $0x4  }
0x1ae: {  	v1 =	vld [tilespmem:s24+$0x19770]  }
0x1af: {  	[tilespmem:s24+$0x1B750] =	vst.add.f32.msk $0xffff, v0  }
0x1b0: {  	v0 =	vld.idx.msk [tilespmem:v2+s4+$0x0], $0xffff;
	_ =	sdelay $0x4  }
0x1b1: {  	v2 =	vld [tilespmem:s24+$0x19780]  }
0x1b2: {  	[tilespmem:s24+$0x1B760] =	vst.add.f32.msk $0xffff, v0  }
0x1b3: {  	v0 =	vld.idx.msk [tilespmem:v1+s4+$0x0], $0xffff;
	_ =	sdelay $0x4  }
0x1b4: {  	v1 =	vld [tilespmem:s24+$0x19790]  }
0x1b5: {  	[tilespmem:s24+$0x1B770] =	vst.add.f32.msk $0xffff, v0  }
0x1b6: {  	v0 =	vld.idx.msk [tilespmem:v2+s4+$0x0], $0xffff;
	_ =	sdelay $0x4  }
0x1b7: {  	v2 =	vld [tilespmem:s24+$0x197A0]  }
0x1b8: {  	[tilespmem:s24+$0x1B780] =	vst.add.f32.msk $0xffff, v0  }
0x1b9: {  	v0 =	vld.idx.msk [tilespmem:v1+s4+$0x0], $0xffff;
	_ =	sdelay $0x4  }
0x1ba: {  	v1 =	vld [tilespmem:s24+$0x197B0]  }
0x1bb: {  	[tilespmem:s24+$0x1B790] =	vst.add.f32.msk $0xffff, v0  }
0x1bc: {  	v0 =	vld.idx.msk [tilespmem:v2+s4+$0x0], $0xffff;
	_ =	sdelay $0x4  }
0x1bd: {  	v2 =	vld [tilespmem:s24+$0x197C0]  }
0x1be: {  	[tilespmem:s24+$0x1B7A0] =	vst.add.f32.msk $0xffff, v0  }
0x1bf: {  	v0 =	vld.idx.msk [tilespmem:v1+s4+$0x0], $0xffff;
	_ =	sdelay $0x4  }
0x1c0: {  	v1 =	vld [tilespmem:s24+$0x197D0]  }
0x1c1: {  	[tilespmem:s24+$0x1B7B0] =	vst.add.f32.msk $0xffff, v0  }
0x1c2: {  	v0 =	vld.idx.msk [tilespmem:v2+s4+$0x0], $0xffff;
	_ =	sdelay $0x4  }
0x1c3: {  	v2 =	vld [tilespmem:s24+$0x197E0]  }
0x1c4: {  	[tilespmem:s24+$0x1B7C0] =	vst.add.f32.msk $0xffff, v0  }
0x1c5: {  	v1 =	vld.idx.msk [tilespmem:v1+s4+$0x0], $0xffff;
	_ =	sdelay $0x4  }
0x1c6: {  	v0 =	vld [tilespmem:s24+$0x197F0]  }
.Ltmp5:
0x1c7: {  	[tilespmem:s24+$0x1B7D0] =	vst.add.f32.msk $0xffff, v1;
	(pc) =	sbr.rel @p0 .LBB2_12-.Ltmp5, $2  }
0x1c8: {  	v1 =	vld.idx.msk [tilespmem:v2+s4+$0x0], $0xffff;
	_ =	sdelay $0x2  }
0x1c9: {  	s26 =	sadd.s32 $0x400, s26  }
0x1ca: {  	_ =	sdelay $0x2  }
0x1cb: {  	[tilespmem:s24+$0x1B7E0] =	vst.add.f32.msk $0xffff, v1  }
0x1cc: {  	v0 =	vld.idx.msk [tilespmem:v0+s4+$0x0], $0xffff;
	_ =	sdelay $0x4  }
0x1cd: {  	[tilespmem:s24+$0x1B7F0] =	vst.add.f32.msk $0xffff, v0  }
0x1ce: {  	_ =	swait.ge [sflag:s16], $0x1000  }
0x1cf: {  	[sflag:s16] =	ssyncset.done $0x0  }
0x1d0: {  	s23 =	sadd.s32 s23, s9;
	[sflag:s16] =	ssyncadd.s32 $0xFFFFF000  }
0x1d1: {  	[tilespmem:s17], [sflag:$0x3] =	stream.strided.gather [hbm4b:s23+s12], $0x1000, s13, s12, $0x38;
	[tilespmem:$0x1E700] =	vst v63  }
0x1d2: {  	s23 =	simm.s32 $0x0  }
0x1d3: {  	v0 =	vld [tilespmem:s23+$0x18700];
	_ =	sdelay $0x5  }
0x1d4: {  	v1 =	vld [tilespmem:s23+$0x18710];
	_ =	sdelay $0x1  }
0x1d5: {  	v0 =	vld.idx.msk [tilespmem:v0+s4+$0x0], $0xffff;
	_ =	sdelay $0x3  }
0x1d6: {  	v2 =	vld [tilespmem:s23+$0x18720]  }
0x1d7: {  	[tilespmem:s23+$0x1C700] =	vst.add.f32.msk $0xffff, v0  }
0x1d8: {  	v0 =	vld.idx.msk [tilespmem:v1+s4+$0x0], $0xffff;
	_ =	sdelay $0x3  }
0x1d9: {  	v1 =	vld [tilespmem:s23+$0x18730]  }
0x1da: {  	[tilespmem:s23+$0x1C710] =	vst.add.f32.msk $0xffff, v0  }
0x1db: {  	v0 =	vld.idx.msk [tilespmem:v2+s4+$0x0], $0xffff;
	_ =	sdelay $0x3  }
0x1dc: {  	v2 =	vld [tilespmem:s23+$0x18740]  }
0x1dd: {  	[tilespmem:s23+$0x1C720] =	vst.add.f32.msk $0xffff, v0  }
0x1de: {  	v0 =	vld.idx.msk [tilespmem:v1+s4+$0x0], $0xffff;
	_ =	sdelay $0x3  }
0x1df: {  	v1 =	vld [tilespmem:s23+$0x18750]  }
0x1e0: {  	[tilespmem:s23+$0x1C730] =	vst.add.f32.msk $0xffff, v0  }
0x1e1: {  	v0 =	vld.idx.msk [tilespmem:v2+s4+$0x0], $0xffff;
	_ =	sdelay $0x3  }
0x1e2: {  	v2 =	vld [tilespmem:s23+$0x18760]  }
0x1e3: {  	[tilespmem:s23+$0x1C740] =	vst.add.f32.msk $0xffff, v0  }
0x1e4: {  	v0 =	vld.idx.msk [tilespmem:v1+s4+$0x0], $0xffff;
	_ =	sdelay $0x3  }
0x1e5: {  	v1 =	vld [tilespmem:s23+$0x18770]  }
0x1e6: {  	[tilespmem:s23+$0x1C750] =	vst.add.f32.msk $0xffff, v0  }
0x1e7: {  	v0 =	vld.idx.msk [tilespmem:v2+s4+$0x0], $0xffff;
	_ =	sdelay $0x3  }
0x1e8: {  	v2 =	vld [tilespmem:s23+$0x18780]  }
0x1e9: {  	[tilespmem:s23+$0x1C760] =	vst.add.f32.msk $0xffff, v0  }
0x1ea: {  	v0 =	vld.idx.msk [tilespmem:v1+s4+$0x0], $0xffff;
	_ =	sdelay $0x3  }
0x1eb: {  	v1 =	vld [tilespmem:s23+$0x18790]  }
0x1ec: {  	[tilespmem:s23+$0x1C770] =	vst.add.f32.msk $0xffff, v0  }
0x1ed: {  	v0 =	vld.idx.msk [tilespmem:v2+s4+$0x0], $0xffff;
	_ =	sdelay $0x3  }
0x1ee: {  	v2 =	vld [tilespmem:s23+$0x187A0]  }
0x1ef: {  	[tilespmem:s23+$0x1C780] =	vst.add.f32.msk $0xffff, v0  }
0x1f0: {  	v0 =	vld.idx.msk [tilespmem:v1+s4+$0x0], $0xffff;
	_ =	sdelay $0x3  }
0x1f1: {  	v1 =	vld [tilespmem:s23+$0x187B0]  }
0x1f2: {  	[tilespmem:s23+$0x1C790] =	vst.add.f32.msk $0xffff, v0  }
0x1f3: {  	v0 =	vld.idx.msk [tilespmem:v2+s4+$0x0], $0xffff;
	_ =	sdelay $0x3  }
0x1f4: {  	v2 =	vld [tilespmem:s23+$0x187C0]  }
0x1f5: {  	[tilespmem:s23+$0x1C7A0] =	vst.add.f32.msk $0xffff, v0  }
0x1f6: {  	v0 =	vld.idx.msk [tilespmem:v1+s4+$0x0], $0xffff;
	_ =	sdelay $0x3  }
0x1f7: {  	v1 =	vld [tilespmem:s23+$0x187D0]  }
0x1f8: {  	[tilespmem:s23+$0x1C7B0] =	vst.add.f32.msk $0xffff, v0  }
0x1f9: {  	v0 =	vld.idx.msk [tilespmem:v2+s4+$0x0], $0xffff;
	_ =	sdelay $0x3  }
0x1fa: {  	v2 =	vld [tilespmem:s23+$0x187E0]  }
0x1fb: {  	[tilespmem:s23+$0x1C7C0] =	vst.add.f32.msk $0xffff, v0  }
0x1fc: {  	v1 =	vld.idx.msk [tilespmem:v1+s4+$0x0], $0xffff;
	_ =	sdelay $0x3  }
0x1fd: {  	v0 =	vld [tilespmem:s23+$0x187F0]  }
0x1fe: {  	[tilespmem:s23+$0x1C7D0] =	vst.add.f32.msk $0xffff, v1  }
0x1ff: {  	v1 =	vld.idx.msk [tilespmem:v2+s4+$0x0], $0xffff;
	_ =	sdelay $0x1  }
0x200: {  	s25 =	simm.s32 $0x400;
	s24 =	simm.s32 $0x0  }
.LBB2_14:
0x201: {  	s26 =	sshra.s32 s25, $0x2  }
0x202: {  	s24 =	sadd.s32 $0x10, s24;
	v2 =	vld [tilespmem:s26+$0x18700]  }
0x203: {  	p0 =	slt.u32 s24, $0xF0;
	[tilespmem:s23+$0x1C7E0] =	vst.add.f32.msk $0xffff, v1  }
0x204: {  	v0 =	vld.idx.msk [tilespmem:v0+s4+$0x0], $0xffff;
	_ =	sdelay $0x4  }
0x205: {  	v1 =	vld [tilespmem:s26+$0x18710]  }
0x206: {  	[tilespmem:s23+$0x1C7F0] =	vst.add.f32.msk $0xffff, v0;
	s23 =	smov.u32 s26  }
0x207: {  	v0 =	vld.idx.msk [tilespmem:v2+s4+$0x0], $0xffff;
	_ =	sdelay $0x4  }
0x208: {  	v2 =	vld [tilespmem:s23+$0x18720]  }
0x209: {  	[tilespmem:s23+$0x1C700] =	vst.add.f32.msk $0xffff, v0  }
0x20a: {  	v0 =	vld.idx.msk [tilespmem:v1+s4+$0x0], $0xffff;
	_ =	sdelay $0x4  }
0x20b: {  	v1 =	vld [tilespmem:s23+$0x18730]  }
0x20c: {  	[tilespmem:s23+$0x1C710] =	vst.add.f32.msk $0xffff, v0  }
0x20d: {  	v0 =	vld.idx.msk [tilespmem:v2+s4+$0x0], $0xffff;
	_ =	sdelay $0x4  }
0x20e: {  	v2 =	vld [tilespmem:s23+$0x18740]  }
0x20f: {  	[tilespmem:s23+$0x1C720] =	vst.add.f32.msk $0xffff, v0  }
0x210: {  	v0 =	vld.idx.msk [tilespmem:v1+s4+$0x0], $0xffff;
	_ =	sdelay $0x4  }
0x211: {  	v1 =	vld [tilespmem:s23+$0x18750]  }
0x212: {  	[tilespmem:s23+$0x1C730] =	vst.add.f32.msk $0xffff, v0  }
0x213: {  	v0 =	vld.idx.msk [tilespmem:v2+s4+$0x0], $0xffff;
	_ =	sdelay $0x4  }
0x214: {  	v2 =	vld [tilespmem:s23+$0x18760]  }
0x215: {  	[tilespmem:s23+$0x1C740] =	vst.add.f32.msk $0xffff, v0  }
0x216: {  	v0 =	vld.idx.msk [tilespmem:v1+s4+$0x0], $0xffff;
	_ =	sdelay $0x4  }
0x217: {  	v1 =	vld [tilespmem:s23+$0x18770]  }
0x218: {  	[tilespmem:s23+$0x1C750] =	vst.add.f32.msk $0xffff, v0  }
0x219: {  	v0 =	vld.idx.msk [tilespmem:v2+s4+$0x0], $0xffff;
	_ =	sdelay $0x4  }
0x21a: {  	v2 =	vld [tilespmem:s23+$0x18780]  }
0x21b: {  	[tilespmem:s23+$0x1C760] =	vst.add.f32.msk $0xffff, v0  }
0x21c: {  	v0 =	vld.idx.msk [tilespmem:v1+s4+$0x0], $0xffff;
	_ =	sdelay $0x4  }
0x21d: {  	v1 =	vld [tilespmem:s23+$0x18790]  }
0x21e: {  	[tilespmem:s23+$0x1C770] =	vst.add.f32.msk $0xffff, v0  }
0x21f: {  	v0 =	vld.idx.msk [tilespmem:v2+s4+$0x0], $0xffff;
	_ =	sdelay $0x4  }
0x220: {  	v2 =	vld [tilespmem:s23+$0x187A0]  }
0x221: {  	[tilespmem:s23+$0x1C780] =	vst.add.f32.msk $0xffff, v0  }
0x222: {  	v0 =	vld.idx.msk [tilespmem:v1+s4+$0x0], $0xffff;
	_ =	sdelay $0x4  }
0x223: {  	v1 =	vld [tilespmem:s23+$0x187B0]  }
0x224: {  	[tilespmem:s23+$0x1C790] =	vst.add.f32.msk $0xffff, v0  }
0x225: {  	v0 =	vld.idx.msk [tilespmem:v2+s4+$0x0], $0xffff;
	_ =	sdelay $0x4  }
0x226: {  	v2 =	vld [tilespmem:s23+$0x187C0]  }
0x227: {  	[tilespmem:s23+$0x1C7A0] =	vst.add.f32.msk $0xffff, v0  }
0x228: {  	v0 =	vld.idx.msk [tilespmem:v1+s4+$0x0], $0xffff;
	_ =	sdelay $0x4  }
0x229: {  	v1 =	vld [tilespmem:s23+$0x187D0]  }
0x22a: {  	[tilespmem:s23+$0x1C7B0] =	vst.add.f32.msk $0xffff, v0  }
0x22b: {  	v0 =	vld.idx.msk [tilespmem:v2+s4+$0x0], $0xffff;
	_ =	sdelay $0x4  }
0x22c: {  	v2 =	vld [tilespmem:s23+$0x187E0]  }
0x22d: {  	[tilespmem:s23+$0x1C7C0] =	vst.add.f32.msk $0xffff, v0  }
0x22e: {  	v1 =	vld.idx.msk [tilespmem:v1+s4+$0x0], $0xffff;
	_ =	sdelay $0x4  }
0x22f: {  	v0 =	vld [tilespmem:s23+$0x187F0]  }
.Ltmp6:
0x230: {  	[tilespmem:s23+$0x1C7D0] =	vst.add.f32.msk $0xffff, v1;
	(pc) =	sbr.rel @p0 .LBB2_14-.Ltmp6, $2  }
0x231: {  	v1 =	vld.idx.msk [tilespmem:v2+s4+$0x0], $0xffff;
	_ =	sdelay $0x2  }
0x232: {  	s25 =	sadd.s32 $0x400, s25  }
0x233: {  	_ =	sdelay $0x2  }
0x234: {  	[tilespmem:s23+$0x1C7E0] =	vst.add.f32.msk $0xffff, v1  }
0x235: {  	v0 =	vld.idx.msk [tilespmem:v0+s4+$0x0], $0xffff;
	_ =	sdelay $0x4  }
0x236: {  	[tilespmem:s23+$0x1C7F0] =	vst.add.f32.msk $0xffff, v0  }
0x237: {  	_ =	swait.ge [sflag:s18], $0x1000  }
0x238: {  	[sflag:s18] =	ssyncset.done $0x0  }
0x239: {  	s23 =	simm.s32 $0x0;
	[sflag:s18] =	ssyncadd.s32 $0xFFFFF000  }
0x23a: {  	v0 =	vld [tilespmem:s23+$0x19700];
	_ =	sdelay $0x5  }
0x23b: {  	v1 =	vld [tilespmem:s23+$0x19710];
	_ =	sdelay $0x1  }
0x23c: {  	v0 =	vld.idx.msk [tilespmem:v0+s4+$0x0], $0xffff;
	_ =	sdelay $0x3  }
0x23d: {  	v2 =	vld [tilespmem:s23+$0x19720]  }
0x23e: {  	[tilespmem:s23+$0x1D700] =	vst.add.f32.msk $0xffff, v0  }
0x23f: {  	v0 =	vld.idx.msk [tilespmem:v1+s4+$0x0], $0xffff;
	_ =	sdelay $0x3  }
0x240: {  	v1 =	vld [tilespmem:s23+$0x19730]  }
0x241: {  	[tilespmem:s23+$0x1D710] =	vst.add.f32.msk $0xffff, v0  }
0x242: {  	v0 =	vld.idx.msk [tilespmem:v2+s4+$0x0], $0xffff;
	_ =	sdelay $0x3  }
0x243: {  	v2 =	vld [tilespmem:s23+$0x19740]  }
0x244: {  	[tilespmem:s23+$0x1D720] =	vst.add.f32.msk $0xffff, v0  }
0x245: {  	v0 =	vld.idx.msk [tilespmem:v1+s4+$0x0], $0xffff;
	_ =	sdelay $0x3  }
0x246: {  	v1 =	vld [tilespmem:s23+$0x19750]  }
0x247: {  	[tilespmem:s23+$0x1D730] =	vst.add.f32.msk $0xffff, v0  }
0x248: {  	v0 =	vld.idx.msk [tilespmem:v2+s4+$0x0], $0xffff;
	_ =	sdelay $0x3  }
0x249: {  	v2 =	vld [tilespmem:s23+$0x19760]  }
0x24a: {  	[tilespmem:s23+$0x1D740] =	vst.add.f32.msk $0xffff, v0  }
0x24b: {  	v0 =	vld.idx.msk [tilespmem:v1+s4+$0x0], $0xffff;
	_ =	sdelay $0x3  }
0x24c: {  	v1 =	vld [tilespmem:s23+$0x19770]  }
0x24d: {  	[tilespmem:s23+$0x1D750] =	vst.add.f32.msk $0xffff, v0  }
0x24e: {  	v0 =	vld.idx.msk [tilespmem:v2+s4+$0x0], $0xffff;
	_ =	sdelay $0x3  }
0x24f: {  	v2 =	vld [tilespmem:s23+$0x19780]  }
0x250: {  	[tilespmem:s23+$0x1D760] =	vst.add.f32.msk $0xffff, v0  }
0x251: {  	v0 =	vld.idx.msk [tilespmem:v1+s4+$0x0], $0xffff;
	_ =	sdelay $0x3  }
0x252: {  	v1 =	vld [tilespmem:s23+$0x19790]  }
0x253: {  	[tilespmem:s23+$0x1D770] =	vst.add.f32.msk $0xffff, v0  }
0x254: {  	v0 =	vld.idx.msk [tilespmem:v2+s4+$0x0], $0xffff;
	_ =	sdelay $0x3  }
0x255: {  	v2 =	vld [tilespmem:s23+$0x197A0]  }
0x256: {  	[tilespmem:s23+$0x1D780] =	vst.add.f32.msk $0xffff, v0  }
0x257: {  	v0 =	vld.idx.msk [tilespmem:v1+s4+$0x0], $0xffff;
	_ =	sdelay $0x3  }
0x258: {  	v1 =	vld [tilespmem:s23+$0x197B0]  }
0x259: {  	[tilespmem:s23+$0x1D790] =	vst.add.f32.msk $0xffff, v0  }
0x25a: {  	v0 =	vld.idx.msk [tilespmem:v2+s4+$0x0], $0xffff;
	_ =	sdelay $0x3  }
0x25b: {  	v2 =	vld [tilespmem:s23+$0x197C0]  }
0x25c: {  	[tilespmem:s23+$0x1D7A0] =	vst.add.f32.msk $0xffff, v0  }
0x25d: {  	v0 =	vld.idx.msk [tilespmem:v1+s4+$0x0], $0xffff;
	_ =	sdelay $0x3  }
0x25e: {  	v1 =	vld [tilespmem:s23+$0x197D0]  }
0x25f: {  	[tilespmem:s23+$0x1D7B0] =	vst.add.f32.msk $0xffff, v0  }
0x260: {  	v0 =	vld.idx.msk [tilespmem:v2+s4+$0x0], $0xffff;
	_ =	sdelay $0x3  }
0x261: {  	v2 =	vld [tilespmem:s23+$0x197E0]  }
0x262: {  	[tilespmem:s23+$0x1D7C0] =	vst.add.f32.msk $0xffff, v0  }
0x263: {  	v1 =	vld.idx.msk [tilespmem:v1+s4+$0x0], $0xffff;
	_ =	sdelay $0x3  }
0x264: {  	v0 =	vld [tilespmem:s23+$0x197F0]  }
0x265: {  	[tilespmem:s23+$0x1D7D0] =	vst.add.f32.msk $0xffff, v1  }
0x266: {  	v1 =	vld.idx.msk [tilespmem:v2+s4+$0x0], $0xffff;
	_ =	sdelay $0x1  }
0x267: {  	s24 =	simm.s32 $0x0;
	s25 =	simm.s32 $0x400  }
.LBB2_16:
0x268: {  	s26 =	sshra.s32 s25, $0x2  }
0x269: {  	s24 =	sadd.s32 $0x10, s24;
	v2 =	vld [tilespmem:s26+$0x19700]  }
0x26a: {  	p0 =	slt.u32 s24, $0xF0;
	[tilespmem:s23+$0x1D7E0] =	vst.add.f32.msk $0xffff, v1  }
0x26b: {  	v0 =	vld.idx.msk [tilespmem:v0+s4+$0x0], $0xffff;
	_ =	sdelay $0x4  }
0x26c: {  	v1 =	vld [tilespmem:s26+$0x19710]  }
0x26d: {  	[tilespmem:s23+$0x1D7F0] =	vst.add.f32.msk $0xffff, v0;
	s23 =	smov.u32 s26  }
0x26e: {  	v0 =	vld.idx.msk [tilespmem:v2+s4+$0x0], $0xffff;
	_ =	sdelay $0x4  }
0x26f: {  	v2 =	vld [tilespmem:s23+$0x19720]  }
0x270: {  	[tilespmem:s23+$0x1D700] =	vst.add.f32.msk $0xffff, v0  }
0x271: {  	v0 =	vld.idx.msk [tilespmem:v1+s4+$0x0], $0xffff;
	_ =	sdelay $0x4  }
0x272: {  	v1 =	vld [tilespmem:s23+$0x19730]  }
0x273: {  	[tilespmem:s23+$0x1D710] =	vst.add.f32.msk $0xffff, v0  }
0x274: {  	v0 =	vld.idx.msk [tilespmem:v2+s4+$0x0], $0xffff;
	_ =	sdelay $0x4  }
0x275: {  	v2 =	vld [tilespmem:s23+$0x19740]  }
0x276: {  	[tilespmem:s23+$0x1D720] =	vst.add.f32.msk $0xffff, v0  }
0x277: {  	v0 =	vld.idx.msk [tilespmem:v1+s4+$0x0], $0xffff;
	_ =	sdelay $0x4  }
0x278: {  	v1 =	vld [tilespmem:s23+$0x19750]  }
0x279: {  	[tilespmem:s23+$0x1D730] =	vst.add.f32.msk $0xffff, v0  }
0x27a: {  	v0 =	vld.idx.msk [tilespmem:v2+s4+$0x0], $0xffff;
	_ =	sdelay $0x4  }
0x27b: {  	v2 =	vld [tilespmem:s23+$0x19760]  }
0x27c: {  	[tilespmem:s23+$0x1D740] =	vst.add.f32.msk $0xffff, v0  }
0x27d: {  	v0 =	vld.idx.msk [tilespmem:v1+s4+$0x0], $0xffff;
	_ =	sdelay $0x4  }
0x27e: {  	v1 =	vld [tilespmem:s23+$0x19770]  }
0x27f: {  	[tilespmem:s23+$0x1D750] =	vst.add.f32.msk $0xffff, v0  }
0x280: {  	v0 =	vld.idx.msk [tilespmem:v2+s4+$0x0], $0xffff;
	_ =	sdelay $0x4  }
0x281: {  	v2 =	vld [tilespmem:s23+$0x19780]  }
0x282: {  	[tilespmem:s23+$0x1D760] =	vst.add.f32.msk $0xffff, v0  }
0x283: {  	v0 =	vld.idx.msk [tilespmem:v1+s4+$0x0], $0xffff;
	_ =	sdelay $0x4  }
0x284: {  	v1 =	vld [tilespmem:s23+$0x19790]  }
0x285: {  	[tilespmem:s23+$0x1D770] =	vst.add.f32.msk $0xffff, v0  }
0x286: {  	v0 =	vld.idx.msk [tilespmem:v2+s4+$0x0], $0xffff;
	_ =	sdelay $0x4  }
0x287: {  	v2 =	vld [tilespmem:s23+$0x197A0]  }
0x288: {  	[tilespmem:s23+$0x1D780] =	vst.add.f32.msk $0xffff, v0  }
0x289: {  	v0 =	vld.idx.msk [tilespmem:v1+s4+$0x0], $0xffff;
	_ =	sdelay $0x4  }
0x28a: {  	v1 =	vld [tilespmem:s23+$0x197B0]  }
0x28b: {  	[tilespmem:s23+$0x1D790] =	vst.add.f32.msk $0xffff, v0  }
0x28c: {  	v0 =	vld.idx.msk [tilespmem:v2+s4+$0x0], $0xffff;
	_ =	sdelay $0x4  }
0x28d: {  	v2 =	vld [tilespmem:s23+$0x197C0]  }
0x28e: {  	[tilespmem:s23+$0x1D7A0] =	vst.add.f32.msk $0xffff, v0  }
0x28f: {  	v0 =	vld.idx.msk [tilespmem:v1+s4+$0x0], $0xffff;
	_ =	sdelay $0x4  }
0x290: {  	v1 =	vld [tilespmem:s23+$0x197D0]  }
0x291: {  	[tilespmem:s23+$0x1D7B0] =	vst.add.f32.msk $0xffff, v0  }
0x292: {  	v0 =	vld.idx.msk [tilespmem:v2+s4+$0x0], $0xffff;
	_ =	sdelay $0x4  }
0x293: {  	v2 =	vld [tilespmem:s23+$0x197E0]  }
0x294: {  	[tilespmem:s23+$0x1D7C0] =	vst.add.f32.msk $0xffff, v0  }
0x295: {  	v1 =	vld.idx.msk [tilespmem:v1+s4+$0x0], $0xffff;
	_ =	sdelay $0x4  }
0x296: {  	v0 =	vld [tilespmem:s23+$0x197F0]  }
.Ltmp7:
0x297: {  	[tilespmem:s23+$0x1D7D0] =	vst.add.f32.msk $0xffff, v1;
	(pc) =	sbr.rel @p0 .LBB2_16-.Ltmp7, $2  }
0x298: {  	v1 =	vld.idx.msk [tilespmem:v2+s4+$0x0], $0xffff;
	_ =	sdelay $0x2  }
0x299: {  	s25 =	sadd.s32 $0x400, s25  }
0x29a: {  	_ =	sdelay $0x2  }
0x29b: {  	s22 =	sadd.s32 $0x1, s22;
	[tilespmem:s23+$0x1D7E0] =	vst.add.f32.msk $0xffff, v1  }
0x29c: {  	p0 =	sne.s32 s22, $0x1A;
	v0 =	vld.idx.msk [tilespmem:v0+s4+$0x0], $0xffff  }
.Ltmp8:
0x29d: {  	_ = 	snop;
	(pc) =	sbr.rel @p0 .LBB2_9-.Ltmp8, $2  }
0x29e: {  	_ =	sdelay $0x2  }
0x29f: {  	[tilespmem:s23+$0x1D7F0] =	vst.add.f32.msk $0xffff, v0  }
0x2a0: {  	s22 =	simm.s32 $0x1A740  }
0x2a1: {  	v1 =	vld [tilespmem:s22+$0xFFFFFFC0];
	_ =	sdelay $0x1  }
0x2a2: {  	v4 =	vld [tilespmem:s22+$0xFFFFFFD0]  }
0x2a3: {  	v6 =	vld [tilespmem:s22+$0xFFFFFFE0]  }
0x2a4: {  	v2 =	vld [tilespmem:s22+$0x0]  }
0x2a5: {  	v0 =	vld [tilespmem:s22+$0x10];
	v5 =	vmul.f32 $3.846153990e-02, v1  }
0x2a6: {  	v3 =	vld [tilespmem:s22+$0x20]  }
0x2a7: {  	v1 =	vld [tilespmem:s22+$0x30];
	[tilespmem:s22+$0xFFFFFFC0] =	vst v5;
	v5 =	vmul.f32 $3.846153990e-02, v4  }
0x2a8: {  	s23 =	simm.s32 $0x0;
	s24 =	simm.s32 $0x1A7C0;
	v6 =	vmul.f32 $3.846153990e-02, v6;
	v4 =	vld [tilespmem:s22+$0xFFFFFFF0]  }
.LBB2_19:
0x2a9: {  	v7 =	vld [tilespmem:s24+$0xFFFFFFC0];
	[tilespmem:s22+$0xFFFFFFD0] =	vst v5;
	v2 =	vmul.f32 $3.846153990e-02, v2  }
0x2aa: {  	s23 =	sadd.s32 $0x8, s23;
	v5 =	vld [tilespmem:s24+$0xFFFFFFD0];
	[tilespmem:s22+$0xFFFFFFE0] =	vst v6;
	v0 =	vmul.f32 $3.846153990e-02, v0  }
0x2ab: {  	p0 =	slt.u32 s23, $0x3F8;
	v6 =	vld [tilespmem:s24+$0xFFFFFFE0];
	[tilespmem:s22+$0x0] =	vst v2;
	v3 =	vmul.f32 $3.846153990e-02, v3  }
.Ltmp9:
0x2ac: {  	v2 =	vld [tilespmem:s24+$0x0];
	[tilespmem:s22+$0x10] =	vst v0;
	v1 =	vmul.f32 $3.846153990e-02, v1;
	(pc) =	sbr.rel @p0 .LBB2_19-.Ltmp9, $4  }
0x2ad: {  	v0 =	vld [tilespmem:s24+$0x10];
	v4 =	vmul.f32 $3.846153990e-02, v4;
	[tilespmem:s22+$0x20] =	vst v3  }
0x2ae: {  	v7 =	vmul.f32 $3.846153990e-02, v7;
	v3 =	vld [tilespmem:s24+$0x20];
	[tilespmem:s22+$0x30] =	vst v1  }
0x2af: {  	v5 =	vmul.f32 $3.846153990e-02, v5;
	v1 =	vld [tilespmem:s24+$0x30];
	[tilespmem:s22+$0xFFFFFFF0] =	vst v4;
	s22 =	smov.u32 s24  }
0x2b0: {  	s24 =	sadd.s32 $0x80, s24;
	[tilespmem:s22+$0xFFFFFFC0] =	vst v7;
	v6 =	vmul.f32 $3.846153990e-02, v6;
	v4 =	vld [tilespmem:s22+$0xFFFFFFF0]  }
0x2b1: {  	[tilespmem:s22+$0xFFFFFFD0] =	vst v5;
	v2 =	vmul.f32 $3.846153990e-02, v2  }
0x2b2: {  	[tilespmem:s22+$0xFFFFFFE0] =	vst v6;
	v0 =	vmul.f32 $3.846153990e-02, v0  }
0x2b3: {  	[tilespmem:s22+$0x0] =	vst v2;
	v61 =	vmul.f32 $3.846153990e-02, v3  }
0x2b4: {  	[tilespmem:s22+$0x10] =	vst v0;
	v62 =	vmul.f32 $3.846153990e-02, v1  }
0x2b5: {  	s21 =	sadd.s32 $0x1, s21;
	v63 =	vmul.f32 $3.846153990e-02, v4;
	[tilespmem:s22+$0x20] =	vst v61  }
0x2b6: {  	p0 =	sne.s32 s21, s11;
	[tilespmem:s22+$0x30] =	vst v62  }
.Ltmp10:
0x2b7: {  	[tilespmem:s22+$0xFFFFFFF0] =	vst v63;
	(pc) =	sbr.rel @p0 .LBB2_1-.Ltmp10, $4  }
0x2b8: {  	[hbm4b:s10+s12] =	stream.strided.scatter [tilespmem:s19], [sflag:$0x4], $0x4000, s13, s12, $0x38;
	[tilespmem:$0x1E700] =	vst v63  }
0x2b9: {  	_ =	swait.ge [sflag:s20], $0x4000  }
0x2ba: {  	[sflag:s20] =	ssyncset.done $0x0  }
0x2bb: {  	[sflag:s20] =	ssyncadd.s32 $0xFFFFC000  }
0x2bc: {  	_ =	sfence.sel $0x180000  }
0x2bd: {  	[bflag:$0x0] =	sbarrier.arrive $0xFFFF  }
0x2be: {  	p0 =	sne.s32 s3, $0x0;
	_ =	strace $0x90000047  }
0x2bf: {  	s0 =	sadd.s32 @!p0 $0x100000, s0;
	[bflag:$0x2] =	sbarrier.arrive $0xFFFF  }
0x2c0: {  	[sflag:s0] =	ssyncadd.tile.s32 @!p0 $0x1;
	_ =	shalt  }
.Lfunc_end2:
_tile_overlayer_lowered:
.L_overlay_start_2:
0x2c1: {  	(tag) =	ssettag $0x2  }
0x2c2: {  	s0 =	rddreg [dreg:$0x0];
	s2 =	stileid.u32  }
0x2c3: {  	s1 =	rddreg [dreg:$0x1];
	p0 =	sne.s32 s2, $0x0  }
0x2c4: {  	s3 =	rddreg [dreg:$0x2];
	[bflag:$0x3] =	sbarrier.arrive $0xFFFF;
	s2 =	simm.s32 @!p0 $0x1C04  }
0x2c5: {  	[timem:s3], [sflag:s2] =	dma.local @!p0 [hbm:s0], s1  }
0x2c6: {  	s0 =	simm.s32 @!p0 $0x4  }
0x2c7: {  	_ =	swait.ge @!p0 [sflag:s0], s1  }
0x2c8: {  	s1 =	ssub.s32 @!p0 $0x0, s1;
	[sflag:s0] =	ssyncset.done @!p0 $0x0  }
0x2c9: {  	[sflag:s0] =	ssyncadd.s32 @!p0 s1  }
0x2ca: {  	[bflag:$0x3] =	sbarrier.arrive $0xFFFF  }
0x2cb: {  	_ =	shalt  }

</sc_bundles>
